<compile_context>
chip_gen: v7x
topology: tpu7x:2x2x1
jax: 0.10.2.dev20260603
libtpu: 0.0.44.dev20260713+nightly
codegen_flags: <defaults>
</compile_context>

<pallas_src>
import functools

import jax
import jax.numpy as jnp
from jax import lax
from jax.experimental import pallas as pl
from jax.experimental.pallas import tpu as pltpu
from jax.experimental.pallas import tpu_sc as plsc


def _gather_kernel(n_l, n_bt, num_cores, embed):
    n_units = n_l * n_bt
    units_per_w = n_units // 32
    n_tr = embed // 8
    mesh = plsc.VectorSubcoreMesh(core_axis_name="c", subcore_axis_name="s")

    scratch = (
        [pltpu.VMEM((units_per_w * 128,), jnp.int32)]
        + [pltpu.VMEM((128, embed), jnp.float32) for _ in range(2)]
        + [pltpu.VMEM((n_tr, 8, 128), jnp.float32) for _ in range(2)]
        + [pltpu.SemaphoreType.DMA for _ in range(4)]
    )

    @functools.partial(
        pl.kernel,
        mesh=mesh,
        out_type=jax.ShapeDtypeStruct((n_l, n_tr, n_bt, 8, 128),
                                      jnp.float32),
        scratch_types=scratch,
        compiler_params=pltpu.CompilerParams(use_tc_tiling_on_sc=False,
                                             needs_layout_passes=False),
    )
    def k(idx_hbm, table_hbm, out_hbm, idx_all, g0, g1, t0, t1,
          gs0, gs1, os0, os1):
        gbuf = (g0, g1)
        tbuf = (t0, t1)
        gsem = (gs0, gs1)
        osem = (os0, os1)
        wid = lax.axis_index("s") * num_cores + lax.axis_index("c")
        ubase = wid * units_per_w

        pltpu.sync_copy(idx_hbm.at[pl.ds(ubase * 128, units_per_w * 128)],
                        idx_all)

        iota = lax.iota(jnp.int32, 16)
        zeros = iota * 0
        tr0 = lax.shift_right_logical(iota, 3)
        s0 = lax.bitwise_and(iota, 7)
        e1 = iota + 16
        tr1 = lax.shift_right_logical(e1, 3)
        s1 = lax.bitwise_and(e1, 7)

        def start_gather(ul, par):
            pltpu.async_copy(
                table_hbm.at[idx_all.at[pl.ds(ul * 128, 128)]],
                gbuf[par], gsem[par])

        def wait_gather(ul, par):
            pltpu.make_async_copy(
                table_hbm.at[idx_all.at[pl.ds(ul * 128, 128)]],
                gbuf[par], gsem[par]).wait()

        def write_out(ul, par):
            u = ubase + ul
            l = u // n_bt
            tc = lax.rem(u, n_bt)
            for tr in range(n_tr):
                pltpu.async_copy(
                    tbuf[par].at[tr], out_hbm.at[l, tr, tc], osem[par])

        def wait_out(ul, par):
            u = ubase + ul
            l = u // n_bt
            tc = lax.rem(u, n_bt)
            for tr in range(n_tr):
                pltpu.make_async_copy(
                    tbuf[par].at[tr], out_hbm.at[l, tr, tc],
                    osem[par]).wait()

        def transpose(par):
            def body(j, carry):
                bj = zeros + j
                r0 = plsc.load_gather(gbuf[par], [bj, iota])
                r1 = plsc.load_gather(gbuf[par], [bj, e1])
                plsc.store_scatter(tbuf[par], [tr0, s0, bj], r0)
                plsc.store_scatter(tbuf[par], [tr1, s1, bj], r1)
                return carry
            lax.fori_loop(0, 128, body, 0, unroll=4)

        def step(ul, par, first, last):
            wait_gather(ul, par)
            if not last:
                start_gather(ul + 1, 1 - par)
            if not first:
                wait_out(ul - 2, par)
            transpose(par)
            write_out(ul, par)

        start_gather(0, 0)
        step(0, 0, True, False)
        step(1, 1, True, False)

        def mid(g, carry):
            ul = 2 * g
            step(ul, 0, False, False)
            step(ul + 1, 1, False, False)
            return carry
        lax.fori_loop(1, units_per_w // 2 - 1, mid, 0)

        step(units_per_w - 2, 0, False, False)
        step(units_per_w - 1, 1, False, True)
        wait_out(units_per_w - 2, 0)
        wait_out(units_per_w - 1, 1)

    return k


def kernel(indices, table):
    b, l = indices.shape
    v, embed = table.shape
    info = plsc.get_sparse_core_info()
    idx_t = indices.T.reshape(b * l)
    x5 = _gather_kernel(l, b // 128, info.num_cores, embed)(idx_t, table)
    return x5.transpose((2, 4, 0, 1, 3)).reshape(b, l, embed)

# --- scband reference (transcript-rebuilt; emitter-appended) ---
"""Pipeline reference for scband-embedding-classifier-66048007078562 (READ-ONLY COPY).

The authoritative reference and input builder live on the scoring server;
editing this copy changes nothing except your own understanding.
"""

import jax, jax.numpy as jnp
import numpy as np

VOCAB = 1000000
EMBED = 32

def setup_inputs(seed: int = 0) -> dict:
    key = jax.random.key(seed)
    k_idx, k_tab = jax.random.split(key)
    indices = jax.random.randint(k_idx, (4096, 200), 0, VOCAB, dtype=jnp.int64 if jax.config.read('jax_enable_x64') else jnp.int32)
    table = jax.random.normal(k_tab, (VOCAB, EMBED), dtype=jnp.float32)
    return {"indices": indices, "table": table}

def reference(indices, table):
    # nn.Embedding lookup: out[b, l, :] = table[indices[b, l], :]
    return jnp.take(table, indices, axis=0)

if __name__ == "__main__":
    import jax
    _d = setup_inputs()
    print(jax.jit(kernel)(*tuple(_d.values())))

</pallas_src>

<mosaic_0001>
#map = affine_map<(d0, d1) -> (0)>
#map1 = affine_map<(d0, d1) -> (0, 0)>
#map2 = affine_map<(d0, d1) -> (0, 0, 0, 0, 0)>
module attributes {stable_mosaic.version = 14 : i64} {
  func.func @k(%arg0: i32, %arg1: i32, %arg2: memref<819200xi32, #tpu.memory_space<hbm>>, %arg3: memref<1000000x32xf32, #tpu.memory_space<hbm>>, %arg4: memref<200x4x32x8x128xf32, #tpu.memory_space<hbm>>, %arg5: memref<25600xi32, #tpu.memory_space<vmem>>, %arg6: memref<128x32xf32, #tpu.memory_space<vmem>>, %arg7: memref<128x32xf32, #tpu.memory_space<vmem>>, %arg8: memref<4x8x128xf32, #tpu.memory_space<vmem>>, %arg9: memref<4x8x128xf32, #tpu.memory_space<vmem>>, %arg10: memref<!tpu.dma_semaphore, #tpu.memory_space<semaphore_mem>>, %arg11: memref<!tpu.dma_semaphore, #tpu.memory_space<semaphore_mem>>, %arg12: memref<!tpu.dma_semaphore, #tpu.memory_space<semaphore_mem>>, %arg13: memref<!tpu.dma_semaphore, #tpu.memory_space<semaphore_mem>>) attributes {dimension_semantics = [#tpu.dimension_semantics<core_parallel>, #tpu.dimension_semantics<subcore_parallel>], iteration_bounds = array<i64: 2, 16>, scalar_prefetch = 0 : i64, scratch_operands = 9 : i64, tpu.core_type = #tpu.core_type<sc_vector_subcore>, window_params = [{transform_indices = #map}, {transform_indices = #map1}, {transform_indices = #map2}]} {
    %mul3A = arith.constant 2 : i32
    %mul3A_0 = arith.muli %arg1, %mul3A : i32
    %add3A = arith.addi %mul3A_0, %arg0 : i32
    %mul3A_1 = arith.constant 200 : i32
    %mul3A_2 = arith.muli %add3A, %mul3A_1 : i32
    %mul3A_3 = arith.constant 128 : i32
    %mul3A_4 = arith.muli %mul3A_2, %mul3A_3 : i32
    "tpu.region"() ({
      %run_scoped3A = tpu.sem_alloc : memref<!tpu.dma_semaphore, #tpu.memory_space<semaphore_mem>>
      %dma_start3A_881 = tpu.memref_slice %arg2[%mul3A_4] : memref<819200xi32, #tpu.memory_space<hbm>> -> memref<25600xi32, #tpu.memory_space<hbm>>
      %dma_start3A_882 = tpu.memref_slice %arg2[%mul3A_4] : memref<819200xi32, #tpu.memory_space<hbm>> -> memref<25600xi32, #tpu.memory_space<hbm>>
      tpu.enqueue_dma source(%dma_start3A_882 : memref<25600xi32, #tpu.memory_space<hbm>>) target(%arg5 : memref<25600xi32, #tpu.memory_space<vmem>>) target_semaphore(%run_scoped3A : memref<!tpu.dma_semaphore, #tpu.memory_space<semaphore_mem>>)
      %dma_wait3A_883 = tpu.memref_slice %arg2[%mul3A_4] : memref<819200xi32, #tpu.memory_space<hbm>> -> memref<25600xi32, #tpu.memory_space<hbm>>
      %dma_wait3A_884 = tpu.memref_slice %arg2[%mul3A_4] : memref<819200xi32, #tpu.memory_space<hbm>> -> memref<25600xi32, #tpu.memory_space<hbm>>
      tpu.wait_dma2 semaphore(%run_scoped3A : memref<!tpu.dma_semaphore, #tpu.memory_space<semaphore_mem>>) src(%dma_wait3A_884 : memref<25600xi32, #tpu.memory_space<hbm>>) dst(%arg5 : memref<25600xi32, #tpu.memory_space<vmem>>)
      tpu.yield
    }) : () -> ()
    %iota3A = tpu.iota {dimensions = array<i32: 0>} : vector<16xi32>
    %mul3A_5 = arith.constant 0 : i32
    %mul3A_6 = vector.broadcast %mul3A_5 : i32 to vector<16xi32>
    %mul3A_7 = arith.muli %iota3A, %mul3A_6 : vector<16xi32>
    %shift_right_logical3A = arith.constant 3 : i32
    %shift_right_logical3A_8 = vector.broadcast %shift_right_logical3A : i32 to vector<16xi32>
    %shift_right_logical3A_9 = arith.shrui %iota3A, %shift_right_logical3A_8 : vector<16xi32>
    %and3A = arith.constant 7 : i32
    %and3A_10 = vector.broadcast %and3A : i32 to vector<16xi32>
    %and3A_11 = arith.andi %iota3A, %and3A_10 : vector<16xi32>
    %add3A_12 = arith.constant 16 : i32
    %add3A_13 = vector.broadcast %add3A_12 : i32 to vector<16xi32>
    %add3A_14 = arith.addi %iota3A, %add3A_13 : vector<16xi32>
    %shift_right_logical3A_15 = arith.constant 3 : i32
    %shift_right_logical3A_16 = vector.broadcast %shift_right_logical3A_15 : i32 to vector<16xi32>
    %shift_right_logical3A_17 = arith.shrui %add3A_14, %shift_right_logical3A_16 : vector<16xi32>
    %and3A_18 = arith.constant 7 : i32
    %and3A_19 = vector.broadcast %and3A_18 : i32 to vector<16xi32>
    %and3A_20 = arith.andi %add3A_14, %and3A_19 : vector<16xi32>
    %dma_start3A = arith.constant 0 : i32
    %dma_start3A_21 = tpu.memref_slice %arg5[%dma_start3A] : memref<25600xi32, #tpu.memory_space<vmem>> -> memref<128xi32, #tpu.memory_space<vmem>>
    %dma_start3A_22 = arith.constant 0 : i32
    %dma_start3A_23 = arith.constant 0 : i32
    %dma_start3A_24 = tpu.memref_slice %arg3[%dma_start3A_22, %dma_start3A_23] : memref<1000000x32xf32, #tpu.memory_space<hbm>> -> memref<1000000x32xf32, #tpu.memory_space<hbm>>
    tpu.enqueue_indirect_dma source(%dma_start3A_24 : memref<1000000x32xf32, #tpu.memory_space<hbm>>) target(%arg6 : memref<128x32xf32, #tpu.memory_space<vmem>>) offsets(%dma_start3A_21 : memref<128xi32, #tpu.memory_space<vmem>>) semaphore(%arg10 : memref<!tpu.dma_semaphore, #tpu.memory_space<semaphore_mem>>)
    %dma_wait3A = arith.constant 0 : i32
    %dma_wait3A_25 = tpu.memref_slice %arg5[%dma_wait3A] : memref<25600xi32, #tpu.memory_space<vmem>> -> memref<128xi32, #tpu.memory_space<vmem>>
    %dma_wait3A_26 = arith.constant 0 : i32
    %dma_wait3A_27 = arith.constant 0 : i32
    %dma_wait3A_28 = tpu.memref_slice %arg3[%dma_wait3A_26, %dma_wait3A_27] : memref<1000000x32xf32, #tpu.memory_space<hbm>> -> memref<1000000x32xf32, #tpu.memory_space<hbm>>
    tpu.wait_indirect_dma semaphore(%arg10 : memref<!tpu.dma_semaphore, #tpu.memory_space<semaphore_mem>>) src(%dma_wait3A_28 : memref<1000000x32xf32, #tpu.memory_space<hbm>>) dst(%arg6 : memref<128x32xf32, #tpu.memory_space<vmem>>)
    %dma_start3A_29 = arith.constant 128 : i32
    %dma_start3A_30 = tpu.memref_slice %arg5[%dma_start3A_29] : memref<25600xi32, #tpu.memory_space<vmem>> -> memref<128xi32, #tpu.memory_space<vmem>>
    %dma_start3A_31 = arith.constant 0 : i32
    %dma_start3A_32 = arith.constant 0 : i32
    %dma_start3A_33 = tpu.memref_slice %arg3[%dma_start3A_31, %dma_start3A_32] : memref<1000000x32xf32, #tpu.memory_space<hbm>> -> memref<1000000x32xf32, #tpu.memory_space<hbm>>
    tpu.enqueue_indirect_dma source(%dma_start3A_33 : memref<1000000x32xf32, #tpu.memory_space<hbm>>) target(%arg7 : memref<128x32xf32, #tpu.memory_space<vmem>>) offsets(%dma_start3A_30 : memref<128xi32, #tpu.memory_space<vmem>>) semaphore(%arg11 : memref<!tpu.dma_semaphore, #tpu.memory_space<semaphore_mem>>)
    %scan3A = arith.constant 0 : i32
    %scan3A_34 = arith.constant 0 : i32
    %scan3A_35 = arith.constant 128 : i32
    %scan3A_36 = arith.addi %scan3A_34, %scan3A_35 : i32
    %scan3A_37 = arith.constant 4 : i32
    scf.for %scan3A_881 = %scan3A_34 to %scan3A_36 step %scan3A_37  : i32 {
      %add3A_882 = vector.broadcast %scan3A_881 : i32 to vector<16xi32>
      %add3A_883 = arith.addi %mul3A_7, %add3A_882 : vector<16xi32>
      %gather3A = tpu.vector_load_idx %arg6[%add3A_883, %iota3A] : memref<128x32xf32, #tpu.memory_space<vmem>>[vector<16xi32>, vector<16xi32>], vector<16xf32>,
      %gather3A_884 = tpu.vector_load_idx %arg6[%add3A_883, %add3A_14] : memref<128x32xf32, #tpu.memory_space<vmem>>[vector<16xi32>, vector<16xi32>], vector<16xf32>,
      tpu.vector_store_idx %arg8[%shift_right_logical3A_9, %and3A_11, %add3A_883], %gather3A : memref<4x8x128xf32, #tpu.memory_space<vmem>>[vector<16xi32>, vector<16xi32>, vector<16xi32>], vector<16xf32>,
      tpu.vector_store_idx %arg8[%shift_right_logical3A_17, %and3A_20, %add3A_883], %gather3A_884 : memref<4x8x128xf32, #tpu.memory_space<vmem>>[vector<16xi32>, vector<16xi32>, vector<16xi32>], vector<16xf32>,
      %scan3A_885 = arith.constant 1 : i32
      %scan3A_886 = arith.addi %scan3A_881, %scan3A_885 : i32
      %add3A_887 = vector.broadcast %scan3A_886 : i32 to vector<16xi32>
      %add3A_888 = arith.addi %mul3A_7, %add3A_887 : vector<16xi32>
      %gather3A_889 = tpu.vector_load_idx %arg6[%add3A_888, %iota3A] : memref<128x32xf32, #tpu.memory_space<vmem>>[vector<16xi32>, vector<16xi32>], vector<16xf32>,
      %gather3A_890 = tpu.vector_load_idx %arg6[%add3A_888, %add3A_14] : memref<128x32xf32, #tpu.memory_space<vmem>>[vector<16xi32>, vector<16xi32>], vector<16xf32>,
      tpu.vector_store_idx %arg8[%shift_right_logical3A_9, %and3A_11, %add3A_888], %gather3A_889 : memref<4x8x128xf32, #tpu.memory_space<vmem>>[vector<16xi32>, vector<16xi32>, vector<16xi32>], vector<16xf32>,
      tpu.vector_store_idx %arg8[%shift_right_logical3A_17, %and3A_20, %add3A_888], %gather3A_890 : memref<4x8x128xf32, #tpu.memory_space<vmem>>[vector<16xi32>, vector<16xi32>, vector<16xi32>], vector<16xf32>,
      %scan3A_891 = arith.constant 2 : i32
      %scan3A_892 = arith.addi %scan3A_881, %scan3A_891 : i32
      %add3A_893 = vector.broadcast %scan3A_892 : i32 to vector<16xi32>
      %add3A_894 = arith.addi %mul3A_7, %add3A_893 : vector<16xi32>
      %gather3A_895 = tpu.vector_load_idx %arg6[%add3A_894, %iota3A] : memref<128x32xf32, #tpu.memory_space<vmem>>[vector<16xi32>, vector<16xi32>], vector<16xf32>,
      %gather3A_896 = tpu.vector_load_idx %arg6[%add3A_894, %add3A_14] : memref<128x32xf32, #tpu.memory_space<vmem>>[vector<16xi32>, vector<16xi32>], vector<16xf32>,
      tpu.vector_store_idx %arg8[%shift_right_logical3A_9, %and3A_11, %add3A_894], %gather3A_895 : memref<4x8x128xf32, #tpu.memory_space<vmem>>[vector<16xi32>, vector<16xi32>, vector<16xi32>], vector<16xf32>,
      tpu.vector_store_idx %arg8[%shift_right_logical3A_17, %and3A_20, %add3A_894], %gather3A_896 : memref<4x8x128xf32, #tpu.memory_space<vmem>>[vector<16xi32>, vector<16xi32>, vector<16xi32>], vector<16xf32>,
      %scan3A_897 = arith.constant 3 : i32
      %scan3A_898 = arith.addi %scan3A_881, %scan3A_897 : i32
      %add3A_899 = vector.broadcast %scan3A_898 : i32 to vector<16xi32>
      %add3A_900 = arith.addi %mul3A_7, %add3A_899 : vector<16xi32>
      %gather3A_901 = tpu.vector_load_idx %arg6[%add3A_900, %iota3A] : memref<128x32xf32, #tpu.memory_space<vmem>>[vector<16xi32>, vector<16xi32>], vector<16xf32>,
      %gather3A_902 = tpu.vector_load_idx %arg6[%add3A_900, %add3A_14] : memref<128x32xf32, #tpu.memory_space<vmem>>[vector<16xi32>, vector<16xi32>], vector<16xf32>,
      tpu.vector_store_idx %arg8[%shift_right_logical3A_9, %and3A_11, %add3A_900], %gather3A_901 : memref<4x8x128xf32, #tpu.memory_space<vmem>>[vector<16xi32>, vector<16xi32>, vector<16xi32>], vector<16xf32>,
      tpu.vector_store_idx %arg8[%shift_right_logical3A_17, %and3A_20, %add3A_900], %gather3A_902 : memref<4x8x128xf32, #tpu.memory_space<vmem>>[vector<16xi32>, vector<16xi32>, vector<16xi32>], vector<16xf32>,
    }
    %scan3A_38 = arith.constant 128 : i32
    %add3A_39 = arith.constant 0 : i32
    %add3A_40 = arith.addi %mul3A_2, %add3A_39 : i32
    %jit3A = arith.constant 32 : i32
    %div3A = arith.divsi %add3A_40, %jit3A : i32
    %sign3A = arith.constant 0 : i32
    %sign3A_41 = arith.cmpi sgt, %add3A_40, %sign3A : i32
    %sign3A_42 = arith.extui %sign3A_41 : i1 to i32
    %sign3A_43 = arith.constant 0 : i32
    %sign3A_44 = arith.cmpi slt, %add3A_40, %sign3A_43 : i32
    %sign3A_45 = arith.extui %sign3A_44 : i1 to i32
    %sign3A_46 = arith.subi %sign3A_42, %sign3A_45 : i32
    %sign3A_47 = arith.constant 0 : i32
    %sign3A_48 = arith.cmpi sgt, %jit3A, %sign3A_47 : i32
    %sign3A_49 = arith.extui %sign3A_48 : i1 to i32
    %sign3A_50 = arith.constant 0 : i32
    %sign3A_51 = arith.cmpi slt, %jit3A, %sign3A_50 : i32
    %sign3A_52 = arith.extui %sign3A_51 : i1 to i32
    %sign3A_53 = arith.subi %sign3A_49, %sign3A_52 : i32
    %ne3A = arith.cmpi ne, %sign3A_46, %sign3A_53 : i32
    %rem3A = arith.remsi %add3A_40, %jit3A : i32
    %ne3A_54 = arith.constant 0 : i32
    %ne3A_55 = arith.cmpi ne, %rem3A, %ne3A_54 : i32
    %and3A_56 = arith.andi %ne3A, %ne3A_55 : i1
    %sub3A = arith.constant 1 : i32
    %sub3A_57 = arith.subi %div3A, %sub3A : i32
    %select_n3A = arith.select %and3A_56, %sub3A_57, %div3A : i32
    %rem3A_58 = arith.constant 32 : i32
    %rem3A_59 = arith.remsi %add3A_40, %rem3A_58 : i32
    %dma_start3A_60 = arith.constant 0 : i32
    %dma_start3A_61 = arith.constant 0 : i32
    %dma_start3A_62 = arith.constant 0 : i32
    %dma_start3A_63 = arith.constant 0 : i32
    %dma_start3A_64 = tpu.memref_slice %arg8[%dma_start3A_60, %dma_start3A_62, %dma_start3A_63] : memref<4x8x128xf32, #tpu.memory_space<vmem>> -> memref<1x8x128xf32, #tpu.memory_space<vmem>>
    %dma_start3A_65 = tpu.memref_squeeze %dma_start3A_64 : memref<1x8x128xf32, #tpu.memory_space<vmem>> -> memref<8x128xf32, #tpu.memory_space<vmem>>
    %dma_start3A_66 = arith.constant 0 : i32
    %dma_start3A_67 = arith.constant 0 : i32
    %dma_start3A_68 = tpu.memref_slice %arg4[%select_n3A, %dma_start3A_61, %rem3A_59, %dma_start3A_66, %dma_start3A_67] : memref<200x4x32x8x128xf32, #tpu.memory_space<hbm>> -> memref<1x1x1x8x128xf32, #tpu.memory_space<hbm>>
    %dma_start3A_69 = tpu.memref_squeeze %dma_start3A_68 : memref<1x1x1x8x128xf32, #tpu.memory_space<hbm>> -> memref<8x128xf32, #tpu.memory_space<hbm>>
    %dma_start3A_70 = arith.constant 0 : i32
    %dma_start3A_71 = arith.constant 0 : i32
    %dma_start3A_72 = tpu.memref_slice %arg4[%select_n3A, %dma_start3A_61, %rem3A_59, %dma_start3A_70, %dma_start3A_71] : memref<200x4x32x8x128xf32, #tpu.memory_space<hbm>> -> memref<1x1x1x8x128xf32, #tpu.memory_space<hbm>>
    %dma_start3A_73 = tpu.memref_squeeze %dma_start3A_72 : memref<1x1x1x8x128xf32, #tpu.memory_space<hbm>> -> memref<8x128xf32, #tpu.memory_space<hbm>>
    %dma_start3A_74 = arith.constant 0 : i32
    %dma_start3A_75 = arith.constant 0 : i32
    %dma_start3A_76 = tpu.memref_slice %arg8[%dma_start3A_60, %dma_start3A_74, %dma_start3A_75] : memref<4x8x128xf32, #tpu.memory_space<vmem>> -> memref<1x8x128xf32, #tpu.memory_space<vmem>>
    %dma_start3A_77 = tpu.memref_squeeze %dma_start3A_76 : memref<1x8x128xf32, #tpu.memory_space<vmem>> -> memref<8x128xf32, #tpu.memory_space<vmem>>
    tpu.enqueue_dma source(%dma_start3A_77 : memref<8x128xf32, #tpu.memory_space<vmem>>) target(%dma_start3A_73 : memref<8x128xf32, #tpu.memory_space<hbm>>) target_semaphore(%arg12 : memref<!tpu.dma_semaphore, #tpu.memory_space<semaphore_mem>>)
    %dma_start3A_78 = arith.constant 1 : i32
    %dma_start3A_79 = arith.constant 1 : i32
    %dma_start3A_80 = arith.constant 0 : i32
    %dma_start3A_81 = arith.constant 0 : i32
    %dma_start3A_82 = tpu.memref_slice %arg8[%dma_start3A_78, %dma_start3A_80, %dma_start3A_81] : memref<4x8x128xf32, #tpu.memory_space<vmem>> -> memref<1x8x128xf32, #tpu.memory_space<vmem>>
    %dma_start3A_83 = tpu.memref_squeeze %dma_start3A_82 : memref<1x8x128xf32, #tpu.memory_space<vmem>> -> memref<8x128xf32, #tpu.memory_space<vmem>>
    %dma_start3A_84 = arith.constant 0 : i32
    %dma_start3A_85 = arith.constant 0 : i32
    %dma_start3A_86 = tpu.memref_slice %arg4[%select_n3A, %dma_start3A_79, %rem3A_59, %dma_start3A_84, %dma_start3A_85] : memref<200x4x32x8x128xf32, #tpu.memory_space<hbm>> -> memref<1x1x1x8x128xf32, #tpu.memory_space<hbm>>
    %dma_start3A_87 = tpu.memref_squeeze %dma_start3A_86 : memref<1x1x1x8x128xf32, #tpu.memory_space<hbm>> -> memref<8x128xf32, #tpu.memory_space<hbm>>
    %dma_start3A_88 = arith.constant 0 : i32
    %dma_start3A_89 = arith.constant 0 : i32
    %dma_start3A_90 = tpu.memref_slice %arg4[%select_n3A, %dma_start3A_79, %rem3A_59, %dma_start3A_88, %dma_start3A_89] : memref<200x4x32x8x128xf32, #tpu.memory_space<hbm>> -> memref<1x1x1x8x128xf32, #tpu.memory_space<hbm>>
    %dma_start3A_91 = tpu.memref_squeeze %dma_start3A_90 : memref<1x1x1x8x128xf32, #tpu.memory_space<hbm>> -> memref<8x128xf32, #tpu.memory_space<hbm>>
    %dma_start3A_92 = arith.constant 0 : i32
    %dma_start3A_93 = arith.constant 0 : i32
    %dma_start3A_94 = tpu.memref_slice %arg8[%dma_start3A_78, %dma_start3A_92, %dma_start3A_93] : memref<4x8x128xf32, #tpu.memory_space<vmem>> -> memref<1x8x128xf32, #tpu.memory_space<vmem>>
    %dma_start3A_95 = tpu.memref_squeeze %dma_start3A_94 : memref<1x8x128xf32, #tpu.memory_space<vmem>> -> memref<8x128xf32, #tpu.memory_space<vmem>>
    tpu.enqueue_dma source(%dma_start3A_95 : memref<8x128xf32, #tpu.memory_space<vmem>>) target(%dma_start3A_91 : memref<8x128xf32, #tpu.memory_space<hbm>>) target_semaphore(%arg12 : memref<!tpu.dma_semaphore, #tpu.memory_space<semaphore_mem>>)
    %dma_start3A_96 = arith.constant 2 : i32
    %dma_start3A_97 = arith.constant 2 : i32
    %dma_start3A_98 = arith.constant 0 : i32
    %dma_start3A_99 = arith.constant 0 : i32
    %dma_start3A_100 = tpu.memref_slice %arg8[%dma_start3A_96, %dma_start3A_98, %dma_start3A_99] : memref<4x8x128xf32, #tpu.memory_space<vmem>> -> memref<1x8x128xf32, #tpu.memory_space<vmem>>
    %dma_start3A_101 = tpu.memref_squeeze %dma_start3A_100 : memref<1x8x128xf32, #tpu.memory_space<vmem>> -> memref<8x128xf32, #tpu.memory_space<vmem>>
    %dma_start3A_102 = arith.constant 0 : i32
    %dma_start3A_103 = arith.constant 0 : i32
    %dma_start3A_104 = tpu.memref_slice %arg4[%select_n3A, %dma_start3A_97, %rem3A_59, %dma_start3A_102, %dma_start3A_103] : memref<200x4x32x8x128xf32, #tpu.memory_space<hbm>> -> memref<1x1x1x8x128xf32, #tpu.memory_space<hbm>>
    %dma_start3A_105 = tpu.memref_squeeze %dma_start3A_104 : memref<1x1x1x8x128xf32, #tpu.memory_space<hbm>> -> memref<8x128xf32, #tpu.memory_space<hbm>>
    %dma_start3A_106 = arith.constant 0 : i32
    %dma_start3A_107 = arith.constant 0 : i32
    %dma_start3A_108 = tpu.memref_slice %arg4[%select_n3A, %dma_start3A_97, %rem3A_59, %dma_start3A_106, %dma_start3A_107] : memref<200x4x32x8x128xf32, #tpu.memory_space<hbm>> -> memref<1x1x1x8x128xf32, #tpu.memory_space<hbm>>
    %dma_start3A_109 = tpu.memref_squeeze %dma_start3A_108 : memref<1x1x1x8x128xf32, #tpu.memory_space<hbm>> -> memref<8x128xf32, #tpu.memory_space<hbm>>
    %dma_start3A_110 = arith.constant 0 : i32
    %dma_start3A_111 = arith.constant 0 : i32
    %dma_start3A_112 = tpu.memref_slice %arg8[%dma_start3A_96, %dma_start3A_110, %dma_start3A_111] : memref<4x8x128xf32, #tpu.memory_space<vmem>> -> memref<1x8x128xf32, #tpu.memory_space<vmem>>
    %dma_start3A_113 = tpu.memref_squeeze %dma_start3A_112 : memref<1x8x128xf32, #tpu.memory_space<vmem>> -> memref<8x128xf32, #tpu.memory_space<vmem>>
    tpu.enqueue_dma source(%dma_start3A_113 : memref<8x128xf32, #tpu.memory_space<vmem>>) target(%dma_start3A_109 : memref<8x128xf32, #tpu.memory_space<hbm>>) target_semaphore(%arg12 : memref<!tpu.dma_semaphore, #tpu.memory_space<semaphore_mem>>)
    %dma_start3A_114 = arith.constant 3 : i32
    %dma_start3A_115 = arith.constant 3 : i32
    %dma_start3A_116 = arith.constant 0 : i32
    %dma_start3A_117 = arith.constant 0 : i32
    %dma_start3A_118 = tpu.memref_slice %arg8[%dma_start3A_114, %dma_start3A_116, %dma_start3A_117] : memref<4x8x128xf32, #tpu.memory_space<vmem>> -> memref<1x8x128xf32, #tpu.memory_space<vmem>>
    %dma_start3A_119 = tpu.memref_squeeze %dma_start3A_118 : memref<1x8x128xf32, #tpu.memory_space<vmem>> -> memref<8x128xf32, #tpu.memory_space<vmem>>
    %dma_start3A_120 = arith.constant 0 : i32
    %dma_start3A_121 = arith.constant 0 : i32
    %dma_start3A_122 = tpu.memref_slice %arg4[%select_n3A, %dma_start3A_115, %rem3A_59, %dma_start3A_120, %dma_start3A_121] : memref<200x4x32x8x128xf32, #tpu.memory_space<hbm>> -> memref<1x1x1x8x128xf32, #tpu.memory_space<hbm>>
    %dma_start3A_123 = tpu.memref_squeeze %dma_start3A_122 : memref<1x1x1x8x128xf32, #tpu.memory_space<hbm>> -> memref<8x128xf32, #tpu.memory_space<hbm>>
    %dma_start3A_124 = arith.constant 0 : i32
    %dma_start3A_125 = arith.constant 0 : i32
    %dma_start3A_126 = tpu.memref_slice %arg4[%select_n3A, %dma_start3A_115, %rem3A_59, %dma_start3A_124, %dma_start3A_125] : memref<200x4x32x8x128xf32, #tpu.memory_space<hbm>> -> memref<1x1x1x8x128xf32, #tpu.memory_space<hbm>>
    %dma_start3A_127 = tpu.memref_squeeze %dma_start3A_126 : memref<1x1x1x8x128xf32, #tpu.memory_space<hbm>> -> memref<8x128xf32, #tpu.memory_space<hbm>>
    %dma_start3A_128 = arith.constant 0 : i32
    %dma_start3A_129 = arith.constant 0 : i32
    %dma_start3A_130 = tpu.memref_slice %arg8[%dma_start3A_114, %dma_start3A_128, %dma_start3A_129] : memref<4x8x128xf32, #tpu.memory_space<vmem>> -> memref<1x8x128xf32, #tpu.memory_space<vmem>>
    %dma_start3A_131 = tpu.memref_squeeze %dma_start3A_130 : memref<1x8x128xf32, #tpu.memory_space<vmem>> -> memref<8x128xf32, #tpu.memory_space<vmem>>
    tpu.enqueue_dma source(%dma_start3A_131 : memref<8x128xf32, #tpu.memory_space<vmem>>) target(%dma_start3A_127 : memref<8x128xf32, #tpu.memory_space<hbm>>) target_semaphore(%arg12 : memref<!tpu.dma_semaphore, #tpu.memory_space<semaphore_mem>>)
    %dma_wait3A_132 = arith.constant 128 : i32
    %dma_wait3A_133 = tpu.memref_slice %arg5[%dma_wait3A_132] : memref<25600xi32, #tpu.memory_space<vmem>> -> memref<128xi32, #tpu.memory_space<vmem>>
    %dma_wait3A_134 = arith.constant 0 : i32
    %dma_wait3A_135 = arith.constant 0 : i32
    %dma_wait3A_136 = tpu.memref_slice %arg3[%dma_wait3A_134, %dma_wait3A_135] : memref<1000000x32xf32, #tpu.memory_space<hbm>> -> memref<1000000x32xf32, #tpu.memory_space<hbm>>
    tpu.wait_indirect_dma semaphore(%arg11 : memref<!tpu.dma_semaphore, #tpu.memory_space<semaphore_mem>>) src(%dma_wait3A_136 : memref<1000000x32xf32, #tpu.memory_space<hbm>>) dst(%arg7 : memref<128x32xf32, #tpu.memory_space<vmem>>)
    %dma_start3A_137 = arith.constant 256 : i32
    %dma_start3A_138 = tpu.memref_slice %arg5[%dma_start3A_137] : memref<25600xi32, #tpu.memory_space<vmem>> -> memref<128xi32, #tpu.memory_space<vmem>>
    %dma_start3A_139 = arith.constant 0 : i32
    %dma_start3A_140 = arith.constant 0 : i32
    %dma_start3A_141 = tpu.memref_slice %arg3[%dma_start3A_139, %dma_start3A_140] : memref<1000000x32xf32, #tpu.memory_space<hbm>> -> memref<1000000x32xf32, #tpu.memory_space<hbm>>
    tpu.enqueue_indirect_dma source(%dma_start3A_141 : memref<1000000x32xf32, #tpu.memory_space<hbm>>) target(%arg6 : memref<128x32xf32, #tpu.memory_space<vmem>>) offsets(%dma_start3A_138 : memref<128xi32, #tpu.memory_space<vmem>>) semaphore(%arg10 : memref<!tpu.dma_semaphore, #tpu.memory_space<semaphore_mem>>)
    %scan3A_142 = arith.constant 0 : i32
    %scan3A_143 = arith.constant 0 : i32
    %scan3A_144 = arith.constant 128 : i32
    %scan3A_145 = arith.addi %scan3A_143, %scan3A_144 : i32
    %scan3A_146 = arith.constant 4 : i32
    scf.for %scan3A_881 = %scan3A_143 to %scan3A_145 step %scan3A_146  : i32 {
      %add3A_882 = vector.broadcast %scan3A_881 : i32 to vector<16xi32>
      %add3A_883 = arith.addi %mul3A_7, %add3A_882 : vector<16xi32>
      %gather3A = tpu.vector_load_idx %arg7[%add3A_883, %iota3A] : memref<128x32xf32, #tpu.memory_space<vmem>>[vector<16xi32>, vector<16xi32>], vector<16xf32>,
      %gather3A_884 = tpu.vector_load_idx %arg7[%add3A_883, %add3A_14] : memref<128x32xf32, #tpu.memory_space<vmem>>[vector<16xi32>, vector<16xi32>], vector<16xf32>,
      tpu.vector_store_idx %arg9[%shift_right_logical3A_9, %and3A_11, %add3A_883], %gather3A : memref<4x8x128xf32, #tpu.memory_space<vmem>>[vector<16xi32>, vector<16xi32>, vector<16xi32>], vector<16xf32>,
      tpu.vector_store_idx %arg9[%shift_right_logical3A_17, %and3A_20, %add3A_883], %gather3A_884 : memref<4x8x128xf32, #tpu.memory_space<vmem>>[vector<16xi32>, vector<16xi32>, vector<16xi32>], vector<16xf32>,
      %scan3A_885 = arith.constant 1 : i32
      %scan3A_886 = arith.addi %scan3A_881, %scan3A_885 : i32
      %add3A_887 = vector.broadcast %scan3A_886 : i32 to vector<16xi32>
      %add3A_888 = arith.addi %mul3A_7, %add3A_887 : vector<16xi32>
      %gather3A_889 = tpu.vector_load_idx %arg7[%add3A_888, %iota3A] : memref<128x32xf32, #tpu.memory_space<vmem>>[vector<16xi32>, vector<16xi32>], vector<16xf32>,
      %gather3A_890 = tpu.vector_load_idx %arg7[%add3A_888, %add3A_14] : memref<128x32xf32, #tpu.memory_space<vmem>>[vector<16xi32>, vector<16xi32>], vector<16xf32>,
      tpu.vector_store_idx %arg9[%shift_right_logical3A_9, %and3A_11, %add3A_888], %gather3A_889 : memref<4x8x128xf32, #tpu.memory_space<vmem>>[vector<16xi32>, vector<16xi32>, vector<16xi32>], vector<16xf32>,
      tpu.vector_store_idx %arg9[%shift_right_logical3A_17, %and3A_20, %add3A_888], %gather3A_890 : memref<4x8x128xf32, #tpu.memory_space<vmem>>[vector<16xi32>, vector<16xi32>, vector<16xi32>], vector<16xf32>,
      %scan3A_891 = arith.constant 2 : i32
      %scan3A_892 = arith.addi %scan3A_881, %scan3A_891 : i32
      %add3A_893 = vector.broadcast %scan3A_892 : i32 to vector<16xi32>
      %add3A_894 = arith.addi %mul3A_7, %add3A_893 : vector<16xi32>
      %gather3A_895 = tpu.vector_load_idx %arg7[%add3A_894, %iota3A] : memref<128x32xf32, #tpu.memory_space<vmem>>[vector<16xi32>, vector<16xi32>], vector<16xf32>,
      %gather3A_896 = tpu.vector_load_idx %arg7[%add3A_894, %add3A_14] : memref<128x32xf32, #tpu.memory_space<vmem>>[vector<16xi32>, vector<16xi32>], vector<16xf32>,
      tpu.vector_store_idx %arg9[%shift_right_logical3A_9, %and3A_11, %add3A_894], %gather3A_895 : memref<4x8x128xf32, #tpu.memory_space<vmem>>[vector<16xi32>, vector<16xi32>, vector<16xi32>], vector<16xf32>,
      tpu.vector_store_idx %arg9[%shift_right_logical3A_17, %and3A_20, %add3A_894], %gather3A_896 : memref<4x8x128xf32, #tpu.memory_space<vmem>>[vector<16xi32>, vector<16xi32>, vector<16xi32>], vector<16xf32>,
      %scan3A_897 = arith.constant 3 : i32
      %scan3A_898 = arith.addi %scan3A_881, %scan3A_897 : i32
      %add3A_899 = vector.broadcast %scan3A_898 : i32 to vector<16xi32>
      %add3A_900 = arith.addi %mul3A_7, %add3A_899 : vector<16xi32>
      %gather3A_901 = tpu.vector_load_idx %arg7[%add3A_900, %iota3A] : memref<128x32xf32, #tpu.memory_space<vmem>>[vector<16xi32>, vector<16xi32>], vector<16xf32>,
      %gather3A_902 = tpu.vector_load_idx %arg7[%add3A_900, %add3A_14] : memref<128x32xf32, #tpu.memory_space<vmem>>[vector<16xi32>, vector<16xi32>], vector<16xf32>,
      tpu.vector_store_idx %arg9[%shift_right_logical3A_9, %and3A_11, %add3A_900], %gather3A_901 : memref<4x8x128xf32, #tpu.memory_space<vmem>>[vector<16xi32>, vector<16xi32>, vector<16xi32>], vector<16xf32>,
      tpu.vector_store_idx %arg9[%shift_right_logical3A_17, %and3A_20, %add3A_900], %gather3A_902 : memref<4x8x128xf32, #tpu.memory_space<vmem>>[vector<16xi32>, vector<16xi32>, vector<16xi32>], vector<16xf32>,
    }
    %scan3A_147 = arith.constant 128 : i32
    %add3A_148 = arith.constant 1 : i32
    %add3A_149 = arith.addi %mul3A_2, %add3A_148 : i32
    %jit3A_150 = arith.constant 32 : i32
    %div3A_151 = arith.divsi %add3A_149, %jit3A_150 : i32
    %sign3A_152 = arith.constant 0 : i32
    %sign3A_153 = arith.cmpi sgt, %add3A_149, %sign3A_152 : i32
    %sign3A_154 = arith.extui %sign3A_153 : i1 to i32
    %sign3A_155 = arith.constant 0 : i32
    %sign3A_156 = arith.cmpi slt, %add3A_149, %sign3A_155 : i32
    %sign3A_157 = arith.extui %sign3A_156 : i1 to i32
    %sign3A_158 = arith.subi %sign3A_154, %sign3A_157 : i32
    %sign3A_159 = arith.constant 0 : i32
    %sign3A_160 = arith.cmpi sgt, %jit3A_150, %sign3A_159 : i32
    %sign3A_161 = arith.extui %sign3A_160 : i1 to i32
    %sign3A_162 = arith.constant 0 : i32
    %sign3A_163 = arith.cmpi slt, %jit3A_150, %sign3A_162 : i32
    %sign3A_164 = arith.extui %sign3A_163 : i1 to i32
    %sign3A_165 = arith.subi %sign3A_161, %sign3A_164 : i32
    %ne3A_166 = arith.cmpi ne, %sign3A_158, %sign3A_165 : i32
    %rem3A_167 = arith.remsi %add3A_149, %jit3A_150 : i32
    %ne3A_168 = arith.constant 0 : i32
    %ne3A_169 = arith.cmpi ne, %rem3A_167, %ne3A_168 : i32
    %and3A_170 = arith.andi %ne3A_166, %ne3A_169 : i1
    %sub3A_171 = arith.constant 1 : i32
    %sub3A_172 = arith.subi %div3A_151, %sub3A_171 : i32
    %select_n3A_173 = arith.select %and3A_170, %sub3A_172, %div3A_151 : i32
    %rem3A_174 = arith.constant 32 : i32
    %rem3A_175 = arith.remsi %add3A_149, %rem3A_174 : i32
    %dma_start3A_176 = arith.constant 0 : i32
    %dma_start3A_177 = arith.constant 0 : i32
    %dma_start3A_178 = arith.constant 0 : i32
    %dma_start3A_179 = arith.constant 0 : i32
    %dma_start3A_180 = tpu.memref_slice %arg9[%dma_start3A_176, %dma_start3A_178, %dma_start3A_179] : memref<4x8x128xf32, #tpu.memory_space<vmem>> -> memref<1x8x128xf32, #tpu.memory_space<vmem>>
    %dma_start3A_181 = tpu.memref_squeeze %dma_start3A_180 : memref<1x8x128xf32, #tpu.memory_space<vmem>> -> memref<8x128xf32, #tpu.memory_space<vmem>>
    %dma_start3A_182 = arith.constant 0 : i32
    %dma_start3A_183 = arith.constant 0 : i32
    %dma_start3A_184 = tpu.memref_slice %arg4[%select_n3A_173, %dma_start3A_177, %rem3A_175, %dma_start3A_182, %dma_start3A_183] : memref<200x4x32x8x128xf32, #tpu.memory_space<hbm>> -> memref<1x1x1x8x128xf32, #tpu.memory_space<hbm>>
    %dma_start3A_185 = tpu.memref_squeeze %dma_start3A_184 : memref<1x1x1x8x128xf32, #tpu.memory_space<hbm>> -> memref<8x128xf32, #tpu.memory_space<hbm>>
    %dma_start3A_186 = arith.constant 0 : i32
    %dma_start3A_187 = arith.constant 0 : i32
    %dma_start3A_188 = tpu.memref_slice %arg4[%select_n3A_173, %dma_start3A_177, %rem3A_175, %dma_start3A_186, %dma_start3A_187] : memref<200x4x32x8x128xf32, #tpu.memory_space<hbm>> -> memref<1x1x1x8x128xf32, #tpu.memory_space<hbm>>
    %dma_start3A_189 = tpu.memref_squeeze %dma_start3A_188 : memref<1x1x1x8x128xf32, #tpu.memory_space<hbm>> -> memref<8x128xf32, #tpu.memory_space<hbm>>
    %dma_start3A_190 = arith.constant 0 : i32
    %dma_start3A_191 = arith.constant 0 : i32
    %dma_start3A_192 = tpu.memref_slice %arg9[%dma_start3A_176, %dma_start3A_190, %dma_start3A_191] : memref<4x8x128xf32, #tpu.memory_space<vmem>> -> memref<1x8x128xf32, #tpu.memory_space<vmem>>
    %dma_start3A_193 = tpu.memref_squeeze %dma_start3A_192 : memref<1x8x128xf32, #tpu.memory_space<vmem>> -> memref<8x128xf32, #tpu.memory_space<vmem>>
    tpu.enqueue_dma source(%dma_start3A_193 : memref<8x128xf32, #tpu.memory_space<vmem>>) target(%dma_start3A_189 : memref<8x128xf32, #tpu.memory_space<hbm>>) target_semaphore(%arg13 : memref<!tpu.dma_semaphore, #tpu.memory_space<semaphore_mem>>)
    %dma_start3A_194 = arith.constant 1 : i32
    %dma_start3A_195 = arith.constant 1 : i32
    %dma_start3A_196 = arith.constant 0 : i32
    %dma_start3A_197 = arith.constant 0 : i32
    %dma_start3A_198 = tpu.memref_slice %arg9[%dma_start3A_194, %dma_start3A_196, %dma_start3A_197] : memref<4x8x128xf32, #tpu.memory_space<vmem>> -> memref<1x8x128xf32, #tpu.memory_space<vmem>>
    %dma_start3A_199 = tpu.memref_squeeze %dma_start3A_198 : memref<1x8x128xf32, #tpu.memory_space<vmem>> -> memref<8x128xf32, #tpu.memory_space<vmem>>
    %dma_start3A_200 = arith.constant 0 : i32
    %dma_start3A_201 = arith.constant 0 : i32
    %dma_start3A_202 = tpu.memref_slice %arg4[%select_n3A_173, %dma_start3A_195, %rem3A_175, %dma_start3A_200, %dma_start3A_201] : memref<200x4x32x8x128xf32, #tpu.memory_space<hbm>> -> memref<1x1x1x8x128xf32, #tpu.memory_space<hbm>>
    %dma_start3A_203 = tpu.memref_squeeze %dma_start3A_202 : memref<1x1x1x8x128xf32, #tpu.memory_space<hbm>> -> memref<8x128xf32, #tpu.memory_space<hbm>>
    %dma_start3A_204 = arith.constant 0 : i32
    %dma_start3A_205 = arith.constant 0 : i32
    %dma_start3A_206 = tpu.memref_slice %arg4[%select_n3A_173, %dma_start3A_195, %rem3A_175, %dma_start3A_204, %dma_start3A_205] : memref<200x4x32x8x128xf32, #tpu.memory_space<hbm>> -> memref<1x1x1x8x128xf32, #tpu.memory_space<hbm>>
    %dma_start3A_207 = tpu.memref_squeeze %dma_start3A_206 : memref<1x1x1x8x128xf32, #tpu.memory_space<hbm>> -> memref<8x128xf32, #tpu.memory_space<hbm>>
    %dma_start3A_208 = arith.constant 0 : i32
    %dma_start3A_209 = arith.constant 0 : i32
    %dma_start3A_210 = tpu.memref_slice %arg9[%dma_start3A_194, %dma_start3A_208, %dma_start3A_209] : memref<4x8x128xf32, #tpu.memory_space<vmem>> -> memref<1x8x128xf32, #tpu.memory_space<vmem>>
    %dma_start3A_211 = tpu.memref_squeeze %dma_start3A_210 : memref<1x8x128xf32, #tpu.memory_space<vmem>> -> memref<8x128xf32, #tpu.memory_space<vmem>>
    tpu.enqueue_dma source(%dma_start3A_211 : memref<8x128xf32, #tpu.memory_space<vmem>>) target(%dma_start3A_207 : memref<8x128xf32, #tpu.memory_space<hbm>>) target_semaphore(%arg13 : memref<!tpu.dma_semaphore, #tpu.memory_space<semaphore_mem>>)
    %dma_start3A_212 = arith.constant 2 : i32
    %dma_start3A_213 = arith.constant 2 : i32
    %dma_start3A_214 = arith.constant 0 : i32
    %dma_start3A_215 = arith.constant 0 : i32
    %dma_start3A_216 = tpu.memref_slice %arg9[%dma_start3A_212, %dma_start3A_214, %dma_start3A_215] : memref<4x8x128xf32, #tpu.memory_space<vmem>> -> memref<1x8x128xf32, #tpu.memory_space<vmem>>
    %dma_start3A_217 = tpu.memref_squeeze %dma_start3A_216 : memref<1x8x128xf32, #tpu.memory_space<vmem>> -> memref<8x128xf32, #tpu.memory_space<vmem>>
    %dma_start3A_218 = arith.constant 0 : i32
    %dma_start3A_219 = arith.constant 0 : i32
    %dma_start3A_220 = tpu.memref_slice %arg4[%select_n3A_173, %dma_start3A_213, %rem3A_175, %dma_start3A_218, %dma_start3A_219] : memref<200x4x32x8x128xf32, #tpu.memory_space<hbm>> -> memref<1x1x1x8x128xf32, #tpu.memory_space<hbm>>
    %dma_start3A_221 = tpu.memref_squeeze %dma_start3A_220 : memref<1x1x1x8x128xf32, #tpu.memory_space<hbm>> -> memref<8x128xf32, #tpu.memory_space<hbm>>
    %dma_start3A_222 = arith.constant 0 : i32
    %dma_start3A_223 = arith.constant 0 : i32
    %dma_start3A_224 = tpu.memref_slice %arg4[%select_n3A_173, %dma_start3A_213, %rem3A_175, %dma_start3A_222, %dma_start3A_223] : memref<200x4x32x8x128xf32, #tpu.memory_space<hbm>> -> memref<1x1x1x8x128xf32, #tpu.memory_space<hbm>>
    %dma_start3A_225 = tpu.memref_squeeze %dma_start3A_224 : memref<1x1x1x8x128xf32, #tpu.memory_space<hbm>> -> memref<8x128xf32, #tpu.memory_space<hbm>>
    %dma_start3A_226 = arith.constant 0 : i32
    %dma_start3A_227 = arith.constant 0 : i32
    %dma_start3A_228 = tpu.memref_slice %arg9[%dma_start3A_212, %dma_start3A_226, %dma_start3A_227] : memref<4x8x128xf32, #tpu.memory_space<vmem>> -> memref<1x8x128xf32, #tpu.memory_space<vmem>>
    %dma_start3A_229 = tpu.memref_squeeze %dma_start3A_228 : memref<1x8x128xf32, #tpu.memory_space<vmem>> -> memref<8x128xf32, #tpu.memory_space<vmem>>
    tpu.enqueue_dma source(%dma_start3A_229 : memref<8x128xf32, #tpu.memory_space<vmem>>) target(%dma_start3A_225 : memref<8x128xf32, #tpu.memory_space<hbm>>) target_semaphore(%arg13 : memref<!tpu.dma_semaphore, #tpu.memory_space<semaphore_mem>>)
    %dma_start3A_230 = arith.constant 3 : i32
    %dma_start3A_231 = arith.constant 3 : i32
    %dma_start3A_232 = arith.constant 0 : i32
    %dma_start3A_233 = arith.constant 0 : i32
    %dma_start3A_234 = tpu.memref_slice %arg9[%dma_start3A_230, %dma_start3A_232, %dma_start3A_233] : memref<4x8x128xf32, #tpu.memory_space<vmem>> -> memref<1x8x128xf32, #tpu.memory_space<vmem>>
    %dma_start3A_235 = tpu.memref_squeeze %dma_start3A_234 : memref<1x8x128xf32, #tpu.memory_space<vmem>> -> memref<8x128xf32, #tpu.memory_space<vmem>>
    %dma_start3A_236 = arith.constant 0 : i32
    %dma_start3A_237 = arith.constant 0 : i32
    %dma_start3A_238 = tpu.memref_slice %arg4[%select_n3A_173, %dma_start3A_231, %rem3A_175, %dma_start3A_236, %dma_start3A_237] : memref<200x4x32x8x128xf32, #tpu.memory_space<hbm>> -> memref<1x1x1x8x128xf32, #tpu.memory_space<hbm>>
    %dma_start3A_239 = tpu.memref_squeeze %dma_start3A_238 : memref<1x1x1x8x128xf32, #tpu.memory_space<hbm>> -> memref<8x128xf32, #tpu.memory_space<hbm>>
    %dma_start3A_240 = arith.constant 0 : i32
    %dma_start3A_241 = arith.constant 0 : i32
    %dma_start3A_242 = tpu.memref_slice %arg4[%select_n3A_173, %dma_start3A_231, %rem3A_175, %dma_start3A_240, %dma_start3A_241] : memref<200x4x32x8x128xf32, #tpu.memory_space<hbm>> -> memref<1x1x1x8x128xf32, #tpu.memory_space<hbm>>
    %dma_start3A_243 = tpu.memref_squeeze %dma_start3A_242 : memref<1x1x1x8x128xf32, #tpu.memory_space<hbm>> -> memref<8x128xf32, #tpu.memory_space<hbm>>
    %dma_start3A_244 = arith.constant 0 : i32
    %dma_start3A_245 = arith.constant 0 : i32
    %dma_start3A_246 = tpu.memref_slice %arg9[%dma_start3A_230, %dma_start3A_244, %dma_start3A_245] : memref<4x8x128xf32, #tpu.memory_space<vmem>> -> memref<1x8x128xf32, #tpu.memory_space<vmem>>
    %dma_start3A_247 = tpu.memref_squeeze %dma_start3A_246 : memref<1x8x128xf32, #tpu.memory_space<vmem>> -> memref<8x128xf32, #tpu.memory_space<vmem>>
    tpu.enqueue_dma source(%dma_start3A_247 : memref<8x128xf32, #tpu.memory_space<vmem>>) target(%dma_start3A_243 : memref<8x128xf32, #tpu.memory_space<hbm>>) target_semaphore(%arg13 : memref<!tpu.dma_semaphore, #tpu.memory_space<semaphore_mem>>)
    %scan3A_248 = arith.constant 0 : i32
    %scan3A_249 = arith.constant 1 : i32
    %scan3A_250 = arith.constant 98 : i32
    %scan3A_251 = arith.addi %scan3A_249, %scan3A_250 : i32
    %scan3A_252 = arith.constant 1 : i32
    scf.for %scan3A_881 = %scan3A_249 to %scan3A_251 step %scan3A_252  : i32 {
      %mul3A_882 = arith.constant 2 : i32
      %mul3A_883 = arith.muli %mul3A_882, %scan3A_881 : i32
      %mul3A_884 = arith.constant 128 : i32
      %mul3A_885 = arith.muli %mul3A_883, %mul3A_884 : i32
      %dma_wait3A_886 = tpu.memref_slice %arg5[%mul3A_885] : memref<25600xi32, #tpu.memory_space<vmem>> -> memref<128xi32, #tpu.memory_space<vmem>>
      %dma_wait3A_887 = arith.constant 0 : i32
      %dma_wait3A_888 = arith.constant 0 : i32
      %dma_wait3A_889 = tpu.memref_slice %arg3[%dma_wait3A_887, %dma_wait3A_888] : memref<1000000x32xf32, #tpu.memory_space<hbm>> -> memref<1000000x32xf32, #tpu.memory_space<hbm>>
      tpu.wait_indirect_dma semaphore(%arg10 : memref<!tpu.dma_semaphore, #tpu.memory_space<semaphore_mem>>) src(%dma_wait3A_889 : memref<1000000x32xf32, #tpu.memory_space<hbm>>) dst(%arg6 : memref<128x32xf32, #tpu.memory_space<vmem>>)
      %add3A_890 = arith.constant 1 : i32
      %add3A_891 = arith.addi %mul3A_883, %add3A_890 : i32
      %mul3A_892 = arith.constant 128 : i32
      %mul3A_893 = arith.muli %add3A_891, %mul3A_892 : i32
      %dma_start3A_894 = tpu.memref_slice %arg5[%mul3A_893] : memref<25600xi32, #tpu.memory_space<vmem>> -> memref<128xi32, #tpu.memory_space<vmem>>
      %dma_start3A_895 = arith.constant 0 : i32
      %dma_start3A_896 = arith.constant 0 : i32
      %dma_start3A_897 = tpu.memref_slice %arg3[%dma_start3A_895, %dma_start3A_896] : memref<1000000x32xf32, #tpu.memory_space<hbm>> -> memref<1000000x32xf32, #tpu.memory_space<hbm>>
      tpu.enqueue_indirect_dma source(%dma_start3A_897 : memref<1000000x32xf32, #tpu.memory_space<hbm>>) target(%arg7 : memref<128x32xf32, #tpu.memory_space<vmem>>) offsets(%dma_start3A_894 : memref<128xi32, #tpu.memory_space<vmem>>) semaphore(%arg11 : memref<!tpu.dma_semaphore, #tpu.memory_space<semaphore_mem>>)
      %sub3A_898 = arith.constant 2 : i32
      %sub3A_899 = arith.subi %mul3A_883, %sub3A_898 : i32
      %add3A_900 = arith.addi %mul3A_2, %sub3A_899 : i32
      %jit3A_901 = arith.constant 32 : i32
      %div3A_902 = arith.divsi %add3A_900, %jit3A_901 : i32
      %sign3A_903 = arith.constant 0 : i32
      %sign3A_904 = arith.cmpi sgt, %add3A_900, %sign3A_903 : i32
      %sign3A_905 = arith.extui %sign3A_904 : i1 to i32
      %sign3A_906 = arith.constant 0 : i32
      %sign3A_907 = arith.cmpi slt, %add3A_900, %sign3A_906 : i32
      %sign3A_908 = arith.extui %sign3A_907 : i1 to i32
      %sign3A_909 = arith.subi %sign3A_905, %sign3A_908 : i32
      %sign3A_910 = arith.constant 0 : i32
      %sign3A_911 = arith.cmpi sgt, %jit3A_901, %sign3A_910 : i32
      %sign3A_912 = arith.extui %sign3A_911 : i1 to i32
      %sign3A_913 = arith.constant 0 : i32
      %sign3A_914 = arith.cmpi slt, %jit3A_901, %sign3A_913 : i32
      %sign3A_915 = arith.extui %sign3A_914 : i1 to i32
      %sign3A_916 = arith.subi %sign3A_912, %sign3A_915 : i32
      %ne3A_917 = arith.cmpi ne, %sign3A_909, %sign3A_916 : i32
      %rem3A_918 = arith.remsi %add3A_900, %jit3A_901 : i32
      %ne3A_919 = arith.constant 0 : i32
      %ne3A_920 = arith.cmpi ne, %rem3A_918, %ne3A_919 : i32
      %and3A_921 = arith.andi %ne3A_917, %ne3A_920 : i1
      %sub3A_922 = arith.constant 1 : i32
      %sub3A_923 = arith.subi %div3A_902, %sub3A_922 : i32
      %select_n3A_924 = arith.select %and3A_921, %sub3A_923, %div3A_902 : i32
      %rem3A_925 = arith.constant 32 : i32
      %rem3A_926 = arith.remsi %add3A_900, %rem3A_925 : i32
      %dma_wait3A_927 = arith.constant 0 : i32
      %dma_wait3A_928 = arith.constant 0 : i32
      %dma_wait3A_929 = arith.constant 0 : i32
      %dma_wait3A_930 = arith.constant 0 : i32
      %dma_wait3A_931 = tpu.memref_slice %arg8[%dma_wait3A_927, %dma_wait3A_929, %dma_wait3A_930] : memref<4x8x128xf32, #tpu.memory_space<vmem>> -> memref<1x8x128xf32, #tpu.memory_space<vmem>>
      %dma_wait3A_932 = tpu.memref_squeeze %dma_wait3A_931 : memref<1x8x128xf32, #tpu.memory_space<vmem>> -> memref<8x128xf32, #tpu.memory_space<vmem>>
      %dma_wait3A_933 = arith.constant 0 : i32
      %dma_wait3A_934 = arith.constant 0 : i32
      %dma_wait3A_935 = tpu.memref_slice %arg4[%select_n3A_924, %dma_wait3A_928, %rem3A_926, %dma_wait3A_933, %dma_wait3A_934] : memref<200x4x32x8x128xf32, #tpu.memory_space<hbm>> -> memref<1x1x1x8x128xf32, #tpu.memory_space<hbm>>
      %dma_wait3A_936 = tpu.memref_squeeze %dma_wait3A_935 : memref<1x1x1x8x128xf32, #tpu.memory_space<hbm>> -> memref<8x128xf32, #tpu.memory_space<hbm>>
      %dma_wait3A_937 = arith.constant 0 : i32
      %dma_wait3A_938 = arith.constant 0 : i32
      %dma_wait3A_939 = tpu.memref_slice %arg4[%select_n3A_924, %dma_wait3A_928, %rem3A_926, %dma_wait3A_937, %dma_wait3A_938] : memref<200x4x32x8x128xf32, #tpu.memory_space<hbm>> -> memref<1x1x1x8x128xf32, #tpu.memory_space<hbm>>
      %dma_wait3A_940 = tpu.memref_squeeze %dma_wait3A_939 : memref<1x1x1x8x128xf32, #tpu.memory_space<hbm>> -> memref<8x128xf32, #tpu.memory_space<hbm>>
      %dma_wait3A_941 = arith.constant 0 : i32
      %dma_wait3A_942 = arith.constant 0 : i32
      %dma_wait3A_943 = tpu.memref_slice %arg8[%dma_wait3A_927, %dma_wait3A_941, %dma_wait3A_942] : memref<4x8x128xf32, #tpu.memory_space<vmem>> -> memref<1x8x128xf32, #tpu.memory_space<vmem>>
      %dma_wait3A_944 = tpu.memref_squeeze %dma_wait3A_943 : memref<1x8x128xf32, #tpu.memory_space<vmem>> -> memref<8x128xf32, #tpu.memory_space<vmem>>
      tpu.wait_dma2 semaphore(%arg12 : memref<!tpu.dma_semaphore, #tpu.memory_space<semaphore_mem>>) src(%dma_wait3A_944 : memref<8x128xf32, #tpu.memory_space<vmem>>) dst(%dma_wait3A_940 : memref<8x128xf32, #tpu.memory_space<hbm>>)
      %dma_wait3A_945 = arith.constant 1 : i32
      %dma_wait3A_946 = arith.constant 1 : i32
      %dma_wait3A_947 = arith.constant 0 : i32
      %dma_wait3A_948 = arith.constant 0 : i32
      %dma_wait3A_949 = tpu.memref_slice %arg8[%dma_wait3A_945, %dma_wait3A_947, %dma_wait3A_948] : memref<4x8x128xf32, #tpu.memory_space<vmem>> -> memref<1x8x128xf32, #tpu.memory_space<vmem>>
      %dma_wait3A_950 = tpu.memref_squeeze %dma_wait3A_949 : memref<1x8x128xf32, #tpu.memory_space<vmem>> -> memref<8x128xf32, #tpu.memory_space<vmem>>
      %dma_wait3A_951 = arith.constant 0 : i32
      %dma_wait3A_952 = arith.constant 0 : i32
      %dma_wait3A_953 = tpu.memref_slice %arg4[%select_n3A_924, %dma_wait3A_946, %rem3A_926, %dma_wait3A_951, %dma_wait3A_952] : memref<200x4x32x8x128xf32, #tpu.memory_space<hbm>> -> memref<1x1x1x8x128xf32, #tpu.memory_space<hbm>>
      %dma_wait3A_954 = tpu.memref_squeeze %dma_wait3A_953 : memref<1x1x1x8x128xf32, #tpu.memory_space<hbm>> -> memref<8x128xf32, #tpu.memory_space<hbm>>
      %dma_wait3A_955 = arith.constant 0 : i32
      %dma_wait3A_956 = arith.constant 0 : i32
      %dma_wait3A_957 = tpu.memref_slice %arg4[%select_n3A_924, %dma_wait3A_946, %rem3A_926, %dma_wait3A_955, %dma_wait3A_956] : memref<200x4x32x8x128xf32, #tpu.memory_space<hbm>> -> memref<1x1x1x8x128xf32, #tpu.memory_space<hbm>>
      %dma_wait3A_958 = tpu.memref_squeeze %dma_wait3A_957 : memref<1x1x1x8x128xf32, #tpu.memory_space<hbm>> -> memref<8x128xf32, #tpu.memory_space<hbm>>
      %dma_wait3A_959 = arith.constant 0 : i32
      %dma_wait3A_960 = arith.constant 0 : i32
      %dma_wait3A_961 = tpu.memref_slice %arg8[%dma_wait3A_945, %dma_wait3A_959, %dma_wait3A_960] : memref<4x8x128xf32, #tpu.memory_space<vmem>> -> memref<1x8x128xf32, #tpu.memory_space<vmem>>
      %dma_wait3A_962 = tpu.memref_squeeze %dma_wait3A_961 : memref<1x8x128xf32, #tpu.memory_space<vmem>> -> memref<8x128xf32, #tpu.memory_space<vmem>>
      tpu.wait_dma2 semaphore(%arg12 : memref<!tpu.dma_semaphore, #tpu.memory_space<semaphore_mem>>) src(%dma_wait3A_962 : memref<8x128xf32, #tpu.memory_space<vmem>>) dst(%dma_wait3A_958 : memref<8x128xf32, #tpu.memory_space<hbm>>)
      %dma_wait3A_963 = arith.constant 2 : i32
      %dma_wait3A_964 = arith.constant 2 : i32
      %dma_wait3A_965 = arith.constant 0 : i32
      %dma_wait3A_966 = arith.constant 0 : i32
      %dma_wait3A_967 = tpu.memref_slice %arg8[%dma_wait3A_963, %dma_wait3A_965, %dma_wait3A_966] : memref<4x8x128xf32, #tpu.memory_space<vmem>> -> memref<1x8x128xf32, #tpu.memory_space<vmem>>
      %dma_wait3A_968 = tpu.memref_squeeze %dma_wait3A_967 : memref<1x8x128xf32, #tpu.memory_space<vmem>> -> memref<8x128xf32, #tpu.memory_space<vmem>>
      %dma_wait3A_969 = arith.constant 0 : i32
      %dma_wait3A_970 = arith.constant 0 : i32
      %dma_wait3A_971 = tpu.memref_slice %arg4[%select_n3A_924, %dma_wait3A_964, %rem3A_926, %dma_wait3A_969, %dma_wait3A_970] : memref<200x4x32x8x128xf32, #tpu.memory_space<hbm>> -> memref<1x1x1x8x128xf32, #tpu.memory_space<hbm>>
      %dma_wait3A_972 = tpu.memref_squeeze %dma_wait3A_971 : memref<1x1x1x8x128xf32, #tpu.memory_space<hbm>> -> memref<8x128xf32, #tpu.memory_space<hbm>>
      %dma_wait3A_973 = arith.constant 0 : i32
      %dma_wait3A_974 = arith.constant 0 : i32
      %dma_wait3A_975 = tpu.memref_slice %arg4[%select_n3A_924, %dma_wait3A_964, %rem3A_926, %dma_wait3A_973, %dma_wait3A_974] : memref<200x4x32x8x128xf32, #tpu.memory_space<hbm>> -> memref<1x1x1x8x128xf32, #tpu.memory_space<hbm>>
      %dma_wait3A_976 = tpu.memref_squeeze %dma_wait3A_975 : memref<1x1x1x8x128xf32, #tpu.memory_space<hbm>> -> memref<8x128xf32, #tpu.memory_space<hbm>>
      %dma_wait3A_977 = arith.constant 0 : i32
      %dma_wait3A_978 = arith.constant 0 : i32
      %dma_wait3A_979 = tpu.memref_slice %arg8[%dma_wait3A_963, %dma_wait3A_977, %dma_wait3A_978] : memref<4x8x128xf32, #tpu.memory_space<vmem>> -> memref<1x8x128xf32, #tpu.memory_space<vmem>>
      %dma_wait3A_980 = tpu.memref_squeeze %dma_wait3A_979 : memref<1x8x128xf32, #tpu.memory_space<vmem>> -> memref<8x128xf32, #tpu.memory_space<vmem>>
      tpu.wait_dma2 semaphore(%arg12 : memref<!tpu.dma_semaphore, #tpu.memory_space<semaphore_mem>>) src(%dma_wait3A_980 : memref<8x128xf32, #tpu.memory_space<vmem>>) dst(%dma_wait3A_976 : memref<8x128xf32, #tpu.memory_space<hbm>>)
      %dma_wait3A_981 = arith.constant 3 : i32
      %dma_wait3A_982 = arith.constant 3 : i32
      %dma_wait3A_983 = arith.constant 0 : i32
      %dma_wait3A_984 = arith.constant 0 : i32
      %dma_wait3A_985 = tpu.memref_slice %arg8[%dma_wait3A_981, %dma_wait3A_983, %dma_wait3A_984] : memref<4x8x128xf32, #tpu.memory_space<vmem>> -> memref<1x8x128xf32, #tpu.memory_space<vmem>>
      %dma_wait3A_986 = tpu.memref_squeeze %dma_wait3A_985 : memref<1x8x128xf32, #tpu.memory_space<vmem>> -> memref<8x128xf32, #tpu.memory_space<vmem>>
      %dma_wait3A_987 = arith.constant 0 : i32
      %dma_wait3A_988 = arith.constant 0 : i32
      %dma_wait3A_989 = tpu.memref_slice %arg4[%select_n3A_924, %dma_wait3A_982, %rem3A_926, %dma_wait3A_987, %dma_wait3A_988] : memref<200x4x32x8x128xf32, #tpu.memory_space<hbm>> -> memref<1x1x1x8x128xf32, #tpu.memory_space<hbm>>
      %dma_wait3A_990 = tpu.memref_squeeze %dma_wait3A_989 : memref<1x1x1x8x128xf32, #tpu.memory_space<hbm>> -> memref<8x128xf32, #tpu.memory_space<hbm>>
      %dma_wait3A_991 = arith.constant 0 : i32
      %dma_wait3A_992 = arith.constant 0 : i32
      %dma_wait3A_993 = tpu.memref_slice %arg4[%select_n3A_924, %dma_wait3A_982, %rem3A_926, %dma_wait3A_991, %dma_wait3A_992] : memref<200x4x32x8x128xf32, #tpu.memory_space<hbm>> -> memref<1x1x1x8x128xf32, #tpu.memory_space<hbm>>
      %dma_wait3A_994 = tpu.memref_squeeze %dma_wait3A_993 : memref<1x1x1x8x128xf32, #tpu.memory_space<hbm>> -> memref<8x128xf32, #tpu.memory_space<hbm>>
      %dma_wait3A_995 = arith.constant 0 : i32
      %dma_wait3A_996 = arith.constant 0 : i32
      %dma_wait3A_997 = tpu.memref_slice %arg8[%dma_wait3A_981, %dma_wait3A_995, %dma_wait3A_996] : memref<4x8x128xf32, #tpu.memory_space<vmem>> -> memref<1x8x128xf32, #tpu.memory_space<vmem>>
      %dma_wait3A_998 = tpu.memref_squeeze %dma_wait3A_997 : memref<1x8x128xf32, #tpu.memory_space<vmem>> -> memref<8x128xf32, #tpu.memory_space<vmem>>
      tpu.wait_dma2 semaphore(%arg12 : memref<!tpu.dma_semaphore, #tpu.memory_space<semaphore_mem>>) src(%dma_wait3A_998 : memref<8x128xf32, #tpu.memory_space<vmem>>) dst(%dma_wait3A_994 : memref<8x128xf32, #tpu.memory_space<hbm>>)
      %scan3A_999 = arith.constant 0 : i32
      %scan3A_1000 = arith.constant 0 : i32
      %scan3A_1001 = arith.constant 128 : i32
      %scan3A_1002 = arith.addi %scan3A_1000, %scan3A_1001 : i32
      %scan3A_1003 = arith.constant 4 : i32
      scf.for %scan3A_1326 = %scan3A_1000 to %scan3A_1002 step %scan3A_1003  : i32 {
        %add3A_1327 = vector.broadcast %scan3A_1326 : i32 to vector<16xi32>
        %add3A_1328 = arith.addi %mul3A_7, %add3A_1327 : vector<16xi32>
        %gather3A = tpu.vector_load_idx %arg6[%add3A_1328, %iota3A] : memref<128x32xf32, #tpu.memory_space<vmem>>[vector<16xi32>, vector<16xi32>], vector<16xf32>,
        %gather3A_1329 = tpu.vector_load_idx %arg6[%add3A_1328, %add3A_14] : memref<128x32xf32, #tpu.memory_space<vmem>>[vector<16xi32>, vector<16xi32>], vector<16xf32>,
        tpu.vector_store_idx %arg8[%shift_right_logical3A_9, %and3A_11, %add3A_1328], %gather3A : memref<4x8x128xf32, #tpu.memory_space<vmem>>[vector<16xi32>, vector<16xi32>, vector<16xi32>], vector<16xf32>,
        tpu.vector_store_idx %arg8[%shift_right_logical3A_17, %and3A_20, %add3A_1328], %gather3A_1329 : memref<4x8x128xf32, #tpu.memory_space<vmem>>[vector<16xi32>, vector<16xi32>, vector<16xi32>], vector<16xf32>,
        %scan3A_1330 = arith.constant 1 : i32
        %scan3A_1331 = arith.addi %scan3A_1326, %scan3A_1330 : i32
        %add3A_1332 = vector.broadcast %scan3A_1331 : i32 to vector<16xi32>
        %add3A_1333 = arith.addi %mul3A_7, %add3A_1332 : vector<16xi32>
        %gather3A_1334 = tpu.vector_load_idx %arg6[%add3A_1333, %iota3A] : memref<128x32xf32, #tpu.memory_space<vmem>>[vector<16xi32>, vector<16xi32>], vector<16xf32>,
        %gather3A_1335 = tpu.vector_load_idx %arg6[%add3A_1333, %add3A_14] : memref<128x32xf32, #tpu.memory_space<vmem>>[vector<16xi32>, vector<16xi32>], vector<16xf32>,
        tpu.vector_store_idx %arg8[%shift_right_logical3A_9, %and3A_11, %add3A_1333], %gather3A_1334 : memref<4x8x128xf32, #tpu.memory_space<vmem>>[vector<16xi32>, vector<16xi32>, vector<16xi32>], vector<16xf32>,
        tpu.vector_store_idx %arg8[%shift_right_logical3A_17, %and3A_20, %add3A_1333], %gather3A_1335 : memref<4x8x128xf32, #tpu.memory_space<vmem>>[vector<16xi32>, vector<16xi32>, vector<16xi32>], vector<16xf32>,
        %scan3A_1336 = arith.constant 2 : i32
        %scan3A_1337 = arith.addi %scan3A_1326, %scan3A_1336 : i32
        %add3A_1338 = vector.broadcast %scan3A_1337 : i32 to vector<16xi32>
        %add3A_1339 = arith.addi %mul3A_7, %add3A_1338 : vector<16xi32>
        %gather3A_1340 = tpu.vector_load_idx %arg6[%add3A_1339, %iota3A] : memref<128x32xf32, #tpu.memory_space<vmem>>[vector<16xi32>, vector<16xi32>], vector<16xf32>,
        %gather3A_1341 = tpu.vector_load_idx %arg6[%add3A_1339, %add3A_14] : memref<128x32xf32, #tpu.memory_space<vmem>>[vector<16xi32>, vector<16xi32>], vector<16xf32>,
        tpu.vector_store_idx %arg8[%shift_right_logical3A_9, %and3A_11, %add3A_1339], %gather3A_1340 : memref<4x8x128xf32, #tpu.memory_space<vmem>>[vector<16xi32>, vector<16xi32>, vector<16xi32>], vector<16xf32>,
        tpu.vector_store_idx %arg8[%shift_right_logical3A_17, %and3A_20, %add3A_1339], %gather3A_1341 : memref<4x8x128xf32, #tpu.memory_space<vmem>>[vector<16xi32>, vector<16xi32>, vector<16xi32>], vector<16xf32>,
        %scan3A_1342 = arith.constant 3 : i32
        %scan3A_1343 = arith.addi %scan3A_1326, %scan3A_1342 : i32
        %add3A_1344 = vector.broadcast %scan3A_1343 : i32 to vector<16xi32>
        %add3A_1345 = arith.addi %mul3A_7, %add3A_1344 : vector<16xi32>
        %gather3A_1346 = tpu.vector_load_idx %arg6[%add3A_1345, %iota3A] : memref<128x32xf32, #tpu.memory_space<vmem>>[vector<16xi32>, vector<16xi32>], vector<16xf32>,
        %gather3A_1347 = tpu.vector_load_idx %arg6[%add3A_1345, %add3A_14] : memref<128x32xf32, #tpu.memory_space<vmem>>[vector<16xi32>, vector<16xi32>], vector<16xf32>,
        tpu.vector_store_idx %arg8[%shift_right_logical3A_9, %and3A_11, %add3A_1345], %gather3A_1346 : memref<4x8x128xf32, #tpu.memory_space<vmem>>[vector<16xi32>, vector<16xi32>, vector<16xi32>], vector<16xf32>,
        tpu.vector_store_idx %arg8[%shift_right_logical3A_17, %and3A_20, %add3A_1345], %gather3A_1347 : memref<4x8x128xf32, #tpu.memory_space<vmem>>[vector<16xi32>, vector<16xi32>, vector<16xi32>], vector<16xf32>,
      }
      %scan3A_1004 = arith.constant 128 : i32
      %add3A_1005 = arith.addi %mul3A_2, %mul3A_883 : i32
      %jit3A_1006 = arith.constant 32 : i32
      %div3A_1007 = arith.divsi %add3A_1005, %jit3A_1006 : i32
      %sign3A_1008 = arith.constant 0 : i32
      %sign3A_1009 = arith.cmpi sgt, %add3A_1005, %sign3A_1008 : i32
      %sign3A_1010 = arith.extui %sign3A_1009 : i1 to i32
      %sign3A_1011 = arith.constant 0 : i32
      %sign3A_1012 = arith.cmpi slt, %add3A_1005, %sign3A_1011 : i32
      %sign3A_1013 = arith.extui %sign3A_1012 : i1 to i32
      %sign3A_1014 = arith.subi %sign3A_1010, %sign3A_1013 : i32
      %sign3A_1015 = arith.constant 0 : i32
      %sign3A_1016 = arith.cmpi sgt, %jit3A_1006, %sign3A_1015 : i32
      %sign3A_1017 = arith.extui %sign3A_1016 : i1 to i32
      %sign3A_1018 = arith.constant 0 : i32
      %sign3A_1019 = arith.cmpi slt, %jit3A_1006, %sign3A_1018 : i32
      %sign3A_1020 = arith.extui %sign3A_1019 : i1 to i32
      %sign3A_1021 = arith.subi %sign3A_1017, %sign3A_1020 : i32
      %ne3A_1022 = arith.cmpi ne, %sign3A_1014, %sign3A_1021 : i32
      %rem3A_1023 = arith.remsi %add3A_1005, %jit3A_1006 : i32
      %ne3A_1024 = arith.constant 0 : i32
      %ne3A_1025 = arith.cmpi ne, %rem3A_1023, %ne3A_1024 : i32
      %and3A_1026 = arith.andi %ne3A_1022, %ne3A_1025 : i1
      %sub3A_1027 = arith.constant 1 : i32
      %sub3A_1028 = arith.subi %div3A_1007, %sub3A_1027 : i32
      %select_n3A_1029 = arith.select %and3A_1026, %sub3A_1028, %div3A_1007 : i32
      %rem3A_1030 = arith.constant 32 : i32
      %rem3A_1031 = arith.remsi %add3A_1005, %rem3A_1030 : i32
      %dma_start3A_1032 = arith.constant 0 : i32
      %dma_start3A_1033 = arith.constant 0 : i32
      %dma_start3A_1034 = arith.constant 0 : i32
      %dma_start3A_1035 = arith.constant 0 : i32
      %dma_start3A_1036 = tpu.memref_slice %arg8[%dma_start3A_1032, %dma_start3A_1034, %dma_start3A_1035] : memref<4x8x128xf32, #tpu.memory_space<vmem>> -> memref<1x8x128xf32, #tpu.memory_space<vmem>>
      %dma_start3A_1037 = tpu.memref_squeeze %dma_start3A_1036 : memref<1x8x128xf32, #tpu.memory_space<vmem>> -> memref<8x128xf32, #tpu.memory_space<vmem>>
      %dma_start3A_1038 = arith.constant 0 : i32
      %dma_start3A_1039 = arith.constant 0 : i32
      %dma_start3A_1040 = tpu.memref_slice %arg4[%select_n3A_1029, %dma_start3A_1033, %rem3A_1031, %dma_start3A_1038, %dma_start3A_1039] : memref<200x4x32x8x128xf32, #tpu.memory_space<hbm>> -> memref<1x1x1x8x128xf32, #tpu.memory_space<hbm>>
      %dma_start3A_1041 = tpu.memref_squeeze %dma_start3A_1040 : memref<1x1x1x8x128xf32, #tpu.memory_space<hbm>> -> memref<8x128xf32, #tpu.memory_space<hbm>>
      %dma_start3A_1042 = arith.constant 0 : i32
      %dma_start3A_1043 = arith.constant 0 : i32
      %dma_start3A_1044 = tpu.memref_slice %arg4[%select_n3A_1029, %dma_start3A_1033, %rem3A_1031, %dma_start3A_1042, %dma_start3A_1043] : memref<200x4x32x8x128xf32, #tpu.memory_space<hbm>> -> memref<1x1x1x8x128xf32, #tpu.memory_space<hbm>>
      %dma_start3A_1045 = tpu.memref_squeeze %dma_start3A_1044 : memref<1x1x1x8x128xf32, #tpu.memory_space<hbm>> -> memref<8x128xf32, #tpu.memory_space<hbm>>
      %dma_start3A_1046 = arith.constant 0 : i32
      %dma_start3A_1047 = arith.constant 0 : i32
      %dma_start3A_1048 = tpu.memref_slice %arg8[%dma_start3A_1032, %dma_start3A_1046, %dma_start3A_1047] : memref<4x8x128xf32, #tpu.memory_space<vmem>> -> memref<1x8x128xf32, #tpu.memory_space<vmem>>
      %dma_start3A_1049 = tpu.memref_squeeze %dma_start3A_1048 : memref<1x8x128xf32, #tpu.memory_space<vmem>> -> memref<8x128xf32, #tpu.memory_space<vmem>>
      tpu.enqueue_dma source(%dma_start3A_1049 : memref<8x128xf32, #tpu.memory_space<vmem>>) target(%dma_start3A_1045 : memref<8x128xf32, #tpu.memory_space<hbm>>) target_semaphore(%arg12 : memref<!tpu.dma_semaphore, #tpu.memory_space<semaphore_mem>>)
      %dma_start3A_1050 = arith.constant 1 : i32
      %dma_start3A_1051 = arith.constant 1 : i32
      %dma_start3A_1052 = arith.constant 0 : i32
      %dma_start3A_1053 = arith.constant 0 : i32
      %dma_start3A_1054 = tpu.memref_slice %arg8[%dma_start3A_1050, %dma_start3A_1052, %dma_start3A_1053] : memref<4x8x128xf32, #tpu.memory_space<vmem>> -> memref<1x8x128xf32, #tpu.memory_space<vmem>>
      %dma_start3A_1055 = tpu.memref_squeeze %dma_start3A_1054 : memref<1x8x128xf32, #tpu.memory_space<vmem>> -> memref<8x128xf32, #tpu.memory_space<vmem>>
      %dma_start3A_1056 = arith.constant 0 : i32
      %dma_start3A_1057 = arith.constant 0 : i32
      %dma_start3A_1058 = tpu.memref_slice %arg4[%select_n3A_1029, %dma_start3A_1051, %rem3A_1031, %dma_start3A_1056, %dma_start3A_1057] : memref<200x4x32x8x128xf32, #tpu.memory_space<hbm>> -> memref<1x1x1x8x128xf32, #tpu.memory_space<hbm>>
      %dma_start3A_1059 = tpu.memref_squeeze %dma_start3A_1058 : memref<1x1x1x8x128xf32, #tpu.memory_space<hbm>> -> memref<8x128xf32, #tpu.memory_space<hbm>>
      %dma_start3A_1060 = arith.constant 0 : i32
      %dma_start3A_1061 = arith.constant 0 : i32
      %dma_start3A_1062 = tpu.memref_slice %arg4[%select_n3A_1029, %dma_start3A_1051, %rem3A_1031, %dma_start3A_1060, %dma_start3A_1061] : memref<200x4x32x8x128xf32, #tpu.memory_space<hbm>> -> memref<1x1x1x8x128xf32, #tpu.memory_space<hbm>>
      %dma_start3A_1063 = tpu.memref_squeeze %dma_start3A_1062 : memref<1x1x1x8x128xf32, #tpu.memory_space<hbm>> -> memref<8x128xf32, #tpu.memory_space<hbm>>
      %dma_start3A_1064 = arith.constant 0 : i32
      %dma_start3A_1065 = arith.constant 0 : i32
      %dma_start3A_1066 = tpu.memref_slice %arg8[%dma_start3A_1050, %dma_start3A_1064, %dma_start3A_1065] : memref<4x8x128xf32, #tpu.memory_space<vmem>> -> memref<1x8x128xf32, #tpu.memory_space<vmem>>
      %dma_start3A_1067 = tpu.memref_squeeze %dma_start3A_1066 : memref<1x8x128xf32, #tpu.memory_space<vmem>> -> memref<8x128xf32, #tpu.memory_space<vmem>>
      tpu.enqueue_dma source(%dma_start3A_1067 : memref<8x128xf32, #tpu.memory_space<vmem>>) target(%dma_start3A_1063 : memref<8x128xf32, #tpu.memory_space<hbm>>) target_semaphore(%arg12 : memref<!tpu.dma_semaphore, #tpu.memory_space<semaphore_mem>>)
      %dma_start3A_1068 = arith.constant 2 : i32
      %dma_start3A_1069 = arith.constant 2 : i32
      %dma_start3A_1070 = arith.constant 0 : i32
      %dma_start3A_1071 = arith.constant 0 : i32
      %dma_start3A_1072 = tpu.memref_slice %arg8[%dma_start3A_1068, %dma_start3A_1070, %dma_start3A_1071] : memref<4x8x128xf32, #tpu.memory_space<vmem>> -> memref<1x8x128xf32, #tpu.memory_space<vmem>>
      %dma_start3A_1073 = tpu.memref_squeeze %dma_start3A_1072 : memref<1x8x128xf32, #tpu.memory_space<vmem>> -> memref<8x128xf32, #tpu.memory_space<vmem>>
      %dma_start3A_1074 = arith.constant 0 : i32
      %dma_start3A_1075 = arith.constant 0 : i32
      %dma_start3A_1076 = tpu.memref_slice %arg4[%select_n3A_1029, %dma_start3A_1069, %rem3A_1031, %dma_start3A_1074, %dma_start3A_1075] : memref<200x4x32x8x128xf32, #tpu.memory_space<hbm>> -> memref<1x1x1x8x128xf32, #tpu.memory_space<hbm>>
      %dma_start3A_1077 = tpu.memref_squeeze %dma_start3A_1076 : memref<1x1x1x8x128xf32, #tpu.memory_space<hbm>> -> memref<8x128xf32, #tpu.memory_space<hbm>>
      %dma_start3A_1078 = arith.constant 0 : i32
      %dma_start3A_1079 = arith.constant 0 : i32
      %dma_start3A_1080 = tpu.memref_slice %arg4[%select_n3A_1029, %dma_start3A_1069, %rem3A_1031, %dma_start3A_1078, %dma_start3A_1079] : memref<200x4x32x8x128xf32, #tpu.memory_space<hbm>> -> memref<1x1x1x8x128xf32, #tpu.memory_space<hbm>>
      %dma_start3A_1081 = tpu.memref_squeeze %dma_start3A_1080 : memref<1x1x1x8x128xf32, #tpu.memory_space<hbm>> -> memref<8x128xf32, #tpu.memory_space<hbm>>
      %dma_start3A_1082 = arith.constant 0 : i32
      %dma_start3A_1083 = arith.constant 0 : i32
      %dma_start3A_1084 = tpu.memref_slice %arg8[%dma_start3A_1068, %dma_start3A_1082, %dma_start3A_1083] : memref<4x8x128xf32, #tpu.memory_space<vmem>> -> memref<1x8x128xf32, #tpu.memory_space<vmem>>
      %dma_start3A_1085 = tpu.memref_squeeze %dma_start3A_1084 : memref<1x8x128xf32, #tpu.memory_space<vmem>> -> memref<8x128xf32, #tpu.memory_space<vmem>>
      tpu.enqueue_dma source(%dma_start3A_1085 : memref<8x128xf32, #tpu.memory_space<vmem>>) target(%dma_start3A_1081 : memref<8x128xf32, #tpu.memory_space<hbm>>) target_semaphore(%arg12 : memref<!tpu.dma_semaphore, #tpu.memory_space<semaphore_mem>>)
      %dma_start3A_1086 = arith.constant 3 : i32
      %dma_start3A_1087 = arith.constant 3 : i32
      %dma_start3A_1088 = arith.constant 0 : i32
      %dma_start3A_1089 = arith.constant 0 : i32
      %dma_start3A_1090 = tpu.memref_slice %arg8[%dma_start3A_1086, %dma_start3A_1088, %dma_start3A_1089] : memref<4x8x128xf32, #tpu.memory_space<vmem>> -> memref<1x8x128xf32, #tpu.memory_space<vmem>>
      %dma_start3A_1091 = tpu.memref_squeeze %dma_start3A_1090 : memref<1x8x128xf32, #tpu.memory_space<vmem>> -> memref<8x128xf32, #tpu.memory_space<vmem>>
      %dma_start3A_1092 = arith.constant 0 : i32
      %dma_start3A_1093 = arith.constant 0 : i32
      %dma_start3A_1094 = tpu.memref_slice %arg4[%select_n3A_1029, %dma_start3A_1087, %rem3A_1031, %dma_start3A_1092, %dma_start3A_1093] : memref<200x4x32x8x128xf32, #tpu.memory_space<hbm>> -> memref<1x1x1x8x128xf32, #tpu.memory_space<hbm>>
      %dma_start3A_1095 = tpu.memref_squeeze %dma_start3A_1094 : memref<1x1x1x8x128xf32, #tpu.memory_space<hbm>> -> memref<8x128xf32, #tpu.memory_space<hbm>>
      %dma_start3A_1096 = arith.constant 0 : i32
      %dma_start3A_1097 = arith.constant 0 : i32
      %dma_start3A_1098 = tpu.memref_slice %arg4[%select_n3A_1029, %dma_start3A_1087, %rem3A_1031, %dma_start3A_1096, %dma_start3A_1097] : memref<200x4x32x8x128xf32, #tpu.memory_space<hbm>> -> memref<1x1x1x8x128xf32, #tpu.memory_space<hbm>>
      %dma_start3A_1099 = tpu.memref_squeeze %dma_start3A_1098 : memref<1x1x1x8x128xf32, #tpu.memory_space<hbm>> -> memref<8x128xf32, #tpu.memory_space<hbm>>
      %dma_start3A_1100 = arith.constant 0 : i32
      %dma_start3A_1101 = arith.constant 0 : i32
      %dma_start3A_1102 = tpu.memref_slice %arg8[%dma_start3A_1086, %dma_start3A_1100, %dma_start3A_1101] : memref<4x8x128xf32, #tpu.memory_space<vmem>> -> memref<1x8x128xf32, #tpu.memory_space<vmem>>
      %dma_start3A_1103 = tpu.memref_squeeze %dma_start3A_1102 : memref<1x8x128xf32, #tpu.memory_space<vmem>> -> memref<8x128xf32, #tpu.memory_space<vmem>>
      tpu.enqueue_dma source(%dma_start3A_1103 : memref<8x128xf32, #tpu.memory_space<vmem>>) target(%dma_start3A_1099 : memref<8x128xf32, #tpu.memory_space<hbm>>) target_semaphore(%arg12 : memref<!tpu.dma_semaphore, #tpu.memory_space<semaphore_mem>>)
      %add3A_1104 = arith.constant 1 : i32
      %add3A_1105 = arith.addi %mul3A_883, %add3A_1104 : i32
      %mul3A_1106 = arith.constant 128 : i32
      %mul3A_1107 = arith.muli %add3A_1105, %mul3A_1106 : i32
      %dma_wait3A_1108 = tpu.memref_slice %arg5[%mul3A_1107] : memref<25600xi32, #tpu.memory_space<vmem>> -> memref<128xi32, #tpu.memory_space<vmem>>
      %dma_wait3A_1109 = arith.constant 0 : i32
      %dma_wait3A_1110 = arith.constant 0 : i32
      %dma_wait3A_1111 = tpu.memref_slice %arg3[%dma_wait3A_1109, %dma_wait3A_1110] : memref<1000000x32xf32, #tpu.memory_space<hbm>> -> memref<1000000x32xf32, #tpu.memory_space<hbm>>
      tpu.wait_indirect_dma semaphore(%arg11 : memref<!tpu.dma_semaphore, #tpu.memory_space<semaphore_mem>>) src(%dma_wait3A_1111 : memref<1000000x32xf32, #tpu.memory_space<hbm>>) dst(%arg7 : memref<128x32xf32, #tpu.memory_space<vmem>>)
      %add3A_1112 = arith.constant 1 : i32
      %add3A_1113 = arith.addi %add3A_1105, %add3A_1112 : i32
      %mul3A_1114 = arith.constant 128 : i32
      %mul3A_1115 = arith.muli %add3A_1113, %mul3A_1114 : i32
      %dma_start3A_1116 = tpu.memref_slice %arg5[%mul3A_1115] : memref<25600xi32, #tpu.memory_space<vmem>> -> memref<128xi32, #tpu.memory_space<vmem>>
      %dma_start3A_1117 = arith.constant 0 : i32
      %dma_start3A_1118 = arith.constant 0 : i32
      %dma_start3A_1119 = tpu.memref_slice %arg3[%dma_start3A_1117, %dma_start3A_1118] : memref<1000000x32xf32, #tpu.memory_space<hbm>> -> memref<1000000x32xf32, #tpu.memory_space<hbm>>
      tpu.enqueue_indirect_dma source(%dma_start3A_1119 : memref<1000000x32xf32, #tpu.memory_space<hbm>>) target(%arg6 : memref<128x32xf32, #tpu.memory_space<vmem>>) offsets(%dma_start3A_1116 : memref<128xi32, #tpu.memory_space<vmem>>) semaphore(%arg10 : memref<!tpu.dma_semaphore, #tpu.memory_space<semaphore_mem>>)
      %sub3A_1120 = arith.constant 2 : i32
      %sub3A_1121 = arith.subi %add3A_1105, %sub3A_1120 : i32
      %add3A_1122 = arith.addi %mul3A_2, %sub3A_1121 : i32
      %jit3A_1123 = arith.constant 32 : i32
      %div3A_1124 = arith.divsi %add3A_1122, %jit3A_1123 : i32
      %sign3A_1125 = arith.constant 0 : i32
      %sign3A_1126 = arith.cmpi sgt, %add3A_1122, %sign3A_1125 : i32
      %sign3A_1127 = arith.extui %sign3A_1126 : i1 to i32
      %sign3A_1128 = arith.constant 0 : i32
      %sign3A_1129 = arith.cmpi slt, %add3A_1122, %sign3A_1128 : i32
      %sign3A_1130 = arith.extui %sign3A_1129 : i1 to i32
      %sign3A_1131 = arith.subi %sign3A_1127, %sign3A_1130 : i32
      %sign3A_1132 = arith.constant 0 : i32
      %sign3A_1133 = arith.cmpi sgt, %jit3A_1123, %sign3A_1132 : i32
      %sign3A_1134 = arith.extui %sign3A_1133 : i1 to i32
      %sign3A_1135 = arith.constant 0 : i32
      %sign3A_1136 = arith.cmpi slt, %jit3A_1123, %sign3A_1135 : i32
      %sign3A_1137 = arith.extui %sign3A_1136 : i1 to i32
      %sign3A_1138 = arith.subi %sign3A_1134, %sign3A_1137 : i32
      %ne3A_1139 = arith.cmpi ne, %sign3A_1131, %sign3A_1138 : i32
      %rem3A_1140 = arith.remsi %add3A_1122, %jit3A_1123 : i32
      %ne3A_1141 = arith.constant 0 : i32
      %ne3A_1142 = arith.cmpi ne, %rem3A_1140, %ne3A_1141 : i32
      %and3A_1143 = arith.andi %ne3A_1139, %ne3A_1142 : i1
      %sub3A_1144 = arith.constant 1 : i32
      %sub3A_1145 = arith.subi %div3A_1124, %sub3A_1144 : i32
      %select_n3A_1146 = arith.select %and3A_1143, %sub3A_1145, %div3A_1124 : i32
      %rem3A_1147 = arith.constant 32 : i32
      %rem3A_1148 = arith.remsi %add3A_1122, %rem3A_1147 : i32
      %dma_wait3A_1149 = arith.constant 0 : i32
      %dma_wait3A_1150 = arith.constant 0 : i32
      %dma_wait3A_1151 = arith.constant 0 : i32
      %dma_wait3A_1152 = arith.constant 0 : i32
      %dma_wait3A_1153 = tpu.memref_slice %arg9[%dma_wait3A_1149, %dma_wait3A_1151, %dma_wait3A_1152] : memref<4x8x128xf32, #tpu.memory_space<vmem>> -> memref<1x8x128xf32, #tpu.memory_space<vmem>>
      %dma_wait3A_1154 = tpu.memref_squeeze %dma_wait3A_1153 : memref<1x8x128xf32, #tpu.memory_space<vmem>> -> memref<8x128xf32, #tpu.memory_space<vmem>>
      %dma_wait3A_1155 = arith.constant 0 : i32
      %dma_wait3A_1156 = arith.constant 0 : i32
      %dma_wait3A_1157 = tpu.memref_slice %arg4[%select_n3A_1146, %dma_wait3A_1150, %rem3A_1148, %dma_wait3A_1155, %dma_wait3A_1156] : memref<200x4x32x8x128xf32, #tpu.memory_space<hbm>> -> memref<1x1x1x8x128xf32, #tpu.memory_space<hbm>>
      %dma_wait3A_1158 = tpu.memref_squeeze %dma_wait3A_1157 : memref<1x1x1x8x128xf32, #tpu.memory_space<hbm>> -> memref<8x128xf32, #tpu.memory_space<hbm>>
      %dma_wait3A_1159 = arith.constant 0 : i32
      %dma_wait3A_1160 = arith.constant 0 : i32
      %dma_wait3A_1161 = tpu.memref_slice %arg4[%select_n3A_1146, %dma_wait3A_1150, %rem3A_1148, %dma_wait3A_1159, %dma_wait3A_1160] : memref<200x4x32x8x128xf32, #tpu.memory_space<hbm>> -> memref<1x1x1x8x128xf32, #tpu.memory_space<hbm>>
      %dma_wait3A_1162 = tpu.memref_squeeze %dma_wait3A_1161 : memref<1x1x1x8x128xf32, #tpu.memory_space<hbm>> -> memref<8x128xf32, #tpu.memory_space<hbm>>
      %dma_wait3A_1163 = arith.constant 0 : i32
      %dma_wait3A_1164 = arith.constant 0 : i32
      %dma_wait3A_1165 = tpu.memref_slice %arg9[%dma_wait3A_1149, %dma_wait3A_1163, %dma_wait3A_1164] : memref<4x8x128xf32, #tpu.memory_space<vmem>> -> memref<1x8x128xf32, #tpu.memory_space<vmem>>
      %dma_wait3A_1166 = tpu.memref_squeeze %dma_wait3A_1165 : memref<1x8x128xf32, #tpu.memory_space<vmem>> -> memref<8x128xf32, #tpu.memory_space<vmem>>
      tpu.wait_dma2 semaphore(%arg13 : memref<!tpu.dma_semaphore, #tpu.memory_space<semaphore_mem>>) src(%dma_wait3A_1166 : memref<8x128xf32, #tpu.memory_space<vmem>>) dst(%dma_wait3A_1162 : memref<8x128xf32, #tpu.memory_space<hbm>>)
      %dma_wait3A_1167 = arith.constant 1 : i32
      %dma_wait3A_1168 = arith.constant 1 : i32
      %dma_wait3A_1169 = arith.constant 0 : i32
      %dma_wait3A_1170 = arith.constant 0 : i32
      %dma_wait3A_1171 = tpu.memref_slice %arg9[%dma_wait3A_1167, %dma_wait3A_1169, %dma_wait3A_1170] : memref<4x8x128xf32, #tpu.memory_space<vmem>> -> memref<1x8x128xf32, #tpu.memory_space<vmem>>
      %dma_wait3A_1172 = tpu.memref_squeeze %dma_wait3A_1171 : memref<1x8x128xf32, #tpu.memory_space<vmem>> -> memref<8x128xf32, #tpu.memory_space<vmem>>
      %dma_wait3A_1173 = arith.constant 0 : i32
      %dma_wait3A_1174 = arith.constant 0 : i32
      %dma_wait3A_1175 = tpu.memref_slice %arg4[%select_n3A_1146, %dma_wait3A_1168, %rem3A_1148, %dma_wait3A_1173, %dma_wait3A_1174] : memref<200x4x32x8x128xf32, #tpu.memory_space<hbm>> -> memref<1x1x1x8x128xf32, #tpu.memory_space<hbm>>
      %dma_wait3A_1176 = tpu.memref_squeeze %dma_wait3A_1175 : memref<1x1x1x8x128xf32, #tpu.memory_space<hbm>> -> memref<8x128xf32, #tpu.memory_space<hbm>>
      %dma_wait3A_1177 = arith.constant 0 : i32
      %dma_wait3A_1178 = arith.constant 0 : i32
      %dma_wait3A_1179 = tpu.memref_slice %arg4[%select_n3A_1146, %dma_wait3A_1168, %rem3A_1148, %dma_wait3A_1177, %dma_wait3A_1178] : memref<200x4x32x8x128xf32, #tpu.memory_space<hbm>> -> memref<1x1x1x8x128xf32, #tpu.memory_space<hbm>>
      %dma_wait3A_1180 = tpu.memref_squeeze %dma_wait3A_1179 : memref<1x1x1x8x128xf32, #tpu.memory_space<hbm>> -> memref<8x128xf32, #tpu.memory_space<hbm>>
      %dma_wait3A_1181 = arith.constant 0 : i32
      %dma_wait3A_1182 = arith.constant 0 : i32
      %dma_wait3A_1183 = tpu.memref_slice %arg9[%dma_wait3A_1167, %dma_wait3A_1181, %dma_wait3A_1182] : memref<4x8x128xf32, #tpu.memory_space<vmem>> -> memref<1x8x128xf32, #tpu.memory_space<vmem>>
      %dma_wait3A_1184 = tpu.memref_squeeze %dma_wait3A_1183 : memref<1x8x128xf32, #tpu.memory_space<vmem>> -> memref<8x128xf32, #tpu.memory_space<vmem>>
      tpu.wait_dma2 semaphore(%arg13 : memref<!tpu.dma_semaphore, #tpu.memory_space<semaphore_mem>>) src(%dma_wait3A_1184 : memref<8x128xf32, #tpu.memory_space<vmem>>) dst(%dma_wait3A_1180 : memref<8x128xf32, #tpu.memory_space<hbm>>)
      %dma_wait3A_1185 = arith.constant 2 : i32
      %dma_wait3A_1186 = arith.constant 2 : i32
      %dma_wait3A_1187 = arith.constant 0 : i32
      %dma_wait3A_1188 = arith.constant 0 : i32
      %dma_wait3A_1189 = tpu.memref_slice %arg9[%dma_wait3A_1185, %dma_wait3A_1187, %dma_wait3A_1188] : memref<4x8x128xf32, #tpu.memory_space<vmem>> -> memref<1x8x128xf32, #tpu.memory_space<vmem>>
      %dma_wait3A_1190 = tpu.memref_squeeze %dma_wait3A_1189 : memref<1x8x128xf32, #tpu.memory_space<vmem>> -> memref<8x128xf32, #tpu.memory_space<vmem>>
      %dma_wait3A_1191 = arith.constant 0 : i32
      %dma_wait3A_1192 = arith.constant 0 : i32
      %dma_wait3A_1193 = tpu.memref_slice %arg4[%select_n3A_1146, %dma_wait3A_1186, %rem3A_1148, %dma_wait3A_1191, %dma_wait3A_1192] : memref<200x4x32x8x128xf32, #tpu.memory_space<hbm>> -> memref<1x1x1x8x128xf32, #tpu.memory_space<hbm>>
      %dma_wait3A_1194 = tpu.memref_squeeze %dma_wait3A_1193 : memref<1x1x1x8x128xf32, #tpu.memory_space<hbm>> -> memref<8x128xf32, #tpu.memory_space<hbm>>
      %dma_wait3A_1195 = arith.constant 0 : i32
      %dma_wait3A_1196 = arith.constant 0 : i32
      %dma_wait3A_1197 = tpu.memref_slice %arg4[%select_n3A_1146, %dma_wait3A_1186, %rem3A_1148, %dma_wait3A_1195, %dma_wait3A_1196] : memref<200x4x32x8x128xf32, #tpu.memory_space<hbm>> -> memref<1x1x1x8x128xf32, #tpu.memory_space<hbm>>
      %dma_wait3A_1198 = tpu.memref_squeeze %dma_wait3A_1197 : memref<1x1x1x8x128xf32, #tpu.memory_space<hbm>> -> memref<8x128xf32, #tpu.memory_space<hbm>>
      %dma_wait3A_1199 = arith.constant 0 : i32
      %dma_wait3A_1200 = arith.constant 0 : i32
      %dma_wait3A_1201 = tpu.memref_slice %arg9[%dma_wait3A_1185, %dma_wait3A_1199, %dma_wait3A_1200] : memref<4x8x128xf32, #tpu.memory_space<vmem>> -> memref<1x8x128xf32, #tpu.memory_space<vmem>>
      %dma_wait3A_1202 = tpu.memref_squeeze %dma_wait3A_1201 : memref<1x8x128xf32, #tpu.memory_space<vmem>> -> memref<8x128xf32, #tpu.memory_space<vmem>>
      tpu.wait_dma2 semaphore(%arg13 : memref<!tpu.dma_semaphore, #tpu.memory_space<semaphore_mem>>) src(%dma_wait3A_1202 : memref<8x128xf32, #tpu.memory_space<vmem>>) dst(%dma_wait3A_1198 : memref<8x128xf32, #tpu.memory_space<hbm>>)
      %dma_wait3A_1203 = arith.constant 3 : i32
      %dma_wait3A_1204 = arith.constant 3 : i32
      %dma_wait3A_1205 = arith.constant 0 : i32
      %dma_wait3A_1206 = arith.constant 0 : i32
      %dma_wait3A_1207 = tpu.memref_slice %arg9[%dma_wait3A_1203, %dma_wait3A_1205, %dma_wait3A_1206] : memref<4x8x128xf32, #tpu.memory_space<vmem>> -> memref<1x8x128xf32, #tpu.memory_space<vmem>>
      %dma_wait3A_1208 = tpu.memref_squeeze %dma_wait3A_1207 : memref<1x8x128xf32, #tpu.memory_space<vmem>> -> memref<8x128xf32, #tpu.memory_space<vmem>>
      %dma_wait3A_1209 = arith.constant 0 : i32
      %dma_wait3A_1210 = arith.constant 0 : i32
      %dma_wait3A_1211 = tpu.memref_slice %arg4[%select_n3A_1146, %dma_wait3A_1204, %rem3A_1148, %dma_wait3A_1209, %dma_wait3A_1210] : memref<200x4x32x8x128xf32, #tpu.memory_space<hbm>> -> memref<1x1x1x8x128xf32, #tpu.memory_space<hbm>>
      %dma_wait3A_1212 = tpu.memref_squeeze %dma_wait3A_1211 : memref<1x1x1x8x128xf32, #tpu.memory_space<hbm>> -> memref<8x128xf32, #tpu.memory_space<hbm>>
      %dma_wait3A_1213 = arith.constant 0 : i32
      %dma_wait3A_1214 = arith.constant 0 : i32
      %dma_wait3A_1215 = tpu.memref_slice %arg4[%select_n3A_1146, %dma_wait3A_1204, %rem3A_1148, %dma_wait3A_1213, %dma_wait3A_1214] : memref<200x4x32x8x128xf32, #tpu.memory_space<hbm>> -> memref<1x1x1x8x128xf32, #tpu.memory_space<hbm>>
      %dma_wait3A_1216 = tpu.memref_squeeze %dma_wait3A_1215 : memref<1x1x1x8x128xf32, #tpu.memory_space<hbm>> -> memref<8x128xf32, #tpu.memory_space<hbm>>
      %dma_wait3A_1217 = arith.constant 0 : i32
      %dma_wait3A_1218 = arith.constant 0 : i32
      %dma_wait3A_1219 = tpu.memref_slice %arg9[%dma_wait3A_1203, %dma_wait3A_1217, %dma_wait3A_1218] : memref<4x8x128xf32, #tpu.memory_space<vmem>> -> memref<1x8x128xf32, #tpu.memory_space<vmem>>
      %dma_wait3A_1220 = tpu.memref_squeeze %dma_wait3A_1219 : memref<1x8x128xf32, #tpu.memory_space<vmem>> -> memref<8x128xf32, #tpu.memory_space<vmem>>
      tpu.wait_dma2 semaphore(%arg13 : memref<!tpu.dma_semaphore, #tpu.memory_space<semaphore_mem>>) src(%dma_wait3A_1220 : memref<8x128xf32, #tpu.memory_space<vmem>>) dst(%dma_wait3A_1216 : memref<8x128xf32, #tpu.memory_space<hbm>>)
      %scan3A_1221 = arith.constant 0 : i32
      %scan3A_1222 = arith.constant 0 : i32
      %scan3A_1223 = arith.constant 128 : i32
      %scan3A_1224 = arith.addi %scan3A_1222, %scan3A_1223 : i32
      %scan3A_1225 = arith.constant 4 : i32
      scf.for %scan3A_1326 = %scan3A_1222 to %scan3A_1224 step %scan3A_1225  : i32 {
        %add3A_1327 = vector.broadcast %scan3A_1326 : i32 to vector<16xi32>
        %add3A_1328 = arith.addi %mul3A_7, %add3A_1327 : vector<16xi32>
        %gather3A = tpu.vector_load_idx %arg7[%add3A_1328, %iota3A] : memref<128x32xf32, #tpu.memory_space<vmem>>[vector<16xi32>, vector<16xi32>], vector<16xf32>,
        %gather3A_1329 = tpu.vector_load_idx %arg7[%add3A_1328, %add3A_14] : memref<128x32xf32, #tpu.memory_space<vmem>>[vector<16xi32>, vector<16xi32>], vector<16xf32>,
        tpu.vector_store_idx %arg9[%shift_right_logical3A_9, %and3A_11, %add3A_1328], %gather3A : memref<4x8x128xf32, #tpu.memory_space<vmem>>[vector<16xi32>, vector<16xi32>, vector<16xi32>], vector<16xf32>,
        tpu.vector_store_idx %arg9[%shift_right_logical3A_17, %and3A_20, %add3A_1328], %gather3A_1329 : memref<4x8x128xf32, #tpu.memory_space<vmem>>[vector<16xi32>, vector<16xi32>, vector<16xi32>], vector<16xf32>,
        %scan3A_1330 = arith.constant 1 : i32
        %scan3A_1331 = arith.addi %scan3A_1326, %scan3A_1330 : i32
        %add3A_1332 = vector.broadcast %scan3A_1331 : i32 to vector<16xi32>
        %add3A_1333 = arith.addi %mul3A_7, %add3A_1332 : vector<16xi32>
        %gather3A_1334 = tpu.vector_load_idx %arg7[%add3A_1333, %iota3A] : memref<128x32xf32, #tpu.memory_space<vmem>>[vector<16xi32>, vector<16xi32>], vector<16xf32>,
        %gather3A_1335 = tpu.vector_load_idx %arg7[%add3A_1333, %add3A_14] : memref<128x32xf32, #tpu.memory_space<vmem>>[vector<16xi32>, vector<16xi32>], vector<16xf32>,
        tpu.vector_store_idx %arg9[%shift_right_logical3A_9, %and3A_11, %add3A_1333], %gather3A_1334 : memref<4x8x128xf32, #tpu.memory_space<vmem>>[vector<16xi32>, vector<16xi32>, vector<16xi32>], vector<16xf32>,
        tpu.vector_store_idx %arg9[%shift_right_logical3A_17, %and3A_20, %add3A_1333], %gather3A_1335 : memref<4x8x128xf32, #tpu.memory_space<vmem>>[vector<16xi32>, vector<16xi32>, vector<16xi32>], vector<16xf32>,
        %scan3A_1336 = arith.constant 2 : i32
        %scan3A_1337 = arith.addi %scan3A_1326, %scan3A_1336 : i32
        %add3A_1338 = vector.broadcast %scan3A_1337 : i32 to vector<16xi32>
        %add3A_1339 = arith.addi %mul3A_7, %add3A_1338 : vector<16xi32>
        %gather3A_1340 = tpu.vector_load_idx %arg7[%add3A_1339, %iota3A] : memref<128x32xf32, #tpu.memory_space<vmem>>[vector<16xi32>, vector<16xi32>], vector<16xf32>,
        %gather3A_1341 = tpu.vector_load_idx %arg7[%add3A_1339, %add3A_14] : memref<128x32xf32, #tpu.memory_space<vmem>>[vector<16xi32>, vector<16xi32>], vector<16xf32>,
        tpu.vector_store_idx %arg9[%shift_right_logical3A_9, %and3A_11, %add3A_1339], %gather3A_1340 : memref<4x8x128xf32, #tpu.memory_space<vmem>>[vector<16xi32>, vector<16xi32>, vector<16xi32>], vector<16xf32>,
        tpu.vector_store_idx %arg9[%shift_right_logical3A_17, %and3A_20, %add3A_1339], %gather3A_1341 : memref<4x8x128xf32, #tpu.memory_space<vmem>>[vector<16xi32>, vector<16xi32>, vector<16xi32>], vector<16xf32>,
        %scan3A_1342 = arith.constant 3 : i32
        %scan3A_1343 = arith.addi %scan3A_1326, %scan3A_1342 : i32
        %add3A_1344 = vector.broadcast %scan3A_1343 : i32 to vector<16xi32>
        %add3A_1345 = arith.addi %mul3A_7, %add3A_1344 : vector<16xi32>
        %gather3A_1346 = tpu.vector_load_idx %arg7[%add3A_1345, %iota3A] : memref<128x32xf32, #tpu.memory_space<vmem>>[vector<16xi32>, vector<16xi32>], vector<16xf32>,
        %gather3A_1347 = tpu.vector_load_idx %arg7[%add3A_1345, %add3A_14] : memref<128x32xf32, #tpu.memory_space<vmem>>[vector<16xi32>, vector<16xi32>], vector<16xf32>,
        tpu.vector_store_idx %arg9[%shift_right_logical3A_9, %and3A_11, %add3A_1345], %gather3A_1346 : memref<4x8x128xf32, #tpu.memory_space<vmem>>[vector<16xi32>, vector<16xi32>, vector<16xi32>], vector<16xf32>,
        tpu.vector_store_idx %arg9[%shift_right_logical3A_17, %and3A_20, %add3A_1345], %gather3A_1347 : memref<4x8x128xf32, #tpu.memory_space<vmem>>[vector<16xi32>, vector<16xi32>, vector<16xi32>], vector<16xf32>,
      }
      %scan3A_1226 = arith.constant 128 : i32
      %add3A_1227 = arith.addi %mul3A_2, %add3A_1105 : i32
      %jit3A_1228 = arith.constant 32 : i32
      %div3A_1229 = arith.divsi %add3A_1227, %jit3A_1228 : i32
      %sign3A_1230 = arith.constant 0 : i32
      %sign3A_1231 = arith.cmpi sgt, %add3A_1227, %sign3A_1230 : i32
      %sign3A_1232 = arith.extui %sign3A_1231 : i1 to i32
      %sign3A_1233 = arith.constant 0 : i32
      %sign3A_1234 = arith.cmpi slt, %add3A_1227, %sign3A_1233 : i32
      %sign3A_1235 = arith.extui %sign3A_1234 : i1 to i32
      %sign3A_1236 = arith.subi %sign3A_1232, %sign3A_1235 : i32
      %sign3A_1237 = arith.constant 0 : i32
      %sign3A_1238 = arith.cmpi sgt, %jit3A_1228, %sign3A_1237 : i32
      %sign3A_1239 = arith.extui %sign3A_1238 : i1 to i32
      %sign3A_1240 = arith.constant 0 : i32
      %sign3A_1241 = arith.cmpi slt, %jit3A_1228, %sign3A_1240 : i32
      %sign3A_1242 = arith.extui %sign3A_1241 : i1 to i32
      %sign3A_1243 = arith.subi %sign3A_1239, %sign3A_1242 : i32
      %ne3A_1244 = arith.cmpi ne, %sign3A_1236, %sign3A_1243 : i32
      %rem3A_1245 = arith.remsi %add3A_1227, %jit3A_1228 : i32
      %ne3A_1246 = arith.constant 0 : i32
      %ne3A_1247 = arith.cmpi ne, %rem3A_1245, %ne3A_1246 : i32
      %and3A_1248 = arith.andi %ne3A_1244, %ne3A_1247 : i1
      %sub3A_1249 = arith.constant 1 : i32
      %sub3A_1250 = arith.subi %div3A_1229, %sub3A_1249 : i32
      %select_n3A_1251 = arith.select %and3A_1248, %sub3A_1250, %div3A_1229 : i32
      %rem3A_1252 = arith.constant 32 : i32
      %rem3A_1253 = arith.remsi %add3A_1227, %rem3A_1252 : i32
      %dma_start3A_1254 = arith.constant 0 : i32
      %dma_start3A_1255 = arith.constant 0 : i32
      %dma_start3A_1256 = arith.constant 0 : i32
      %dma_start3A_1257 = arith.constant 0 : i32
      %dma_start3A_1258 = tpu.memref_slice %arg9[%dma_start3A_1254, %dma_start3A_1256, %dma_start3A_1257] : memref<4x8x128xf32, #tpu.memory_space<vmem>> -> memref<1x8x128xf32, #tpu.memory_space<vmem>>
      %dma_start3A_1259 = tpu.memref_squeeze %dma_start3A_1258 : memref<1x8x128xf32, #tpu.memory_space<vmem>> -> memref<8x128xf32, #tpu.memory_space<vmem>>
      %dma_start3A_1260 = arith.constant 0 : i32
      %dma_start3A_1261 = arith.constant 0 : i32
      %dma_start3A_1262 = tpu.memref_slice %arg4[%select_n3A_1251, %dma_start3A_1255, %rem3A_1253, %dma_start3A_1260, %dma_start3A_1261] : memref<200x4x32x8x128xf32, #tpu.memory_space<hbm>> -> memref<1x1x1x8x128xf32, #tpu.memory_space<hbm>>
      %dma_start3A_1263 = tpu.memref_squeeze %dma_start3A_1262 : memref<1x1x1x8x128xf32, #tpu.memory_space<hbm>> -> memref<8x128xf32, #tpu.memory_space<hbm>>
      %dma_start3A_1264 = arith.constant 0 : i32
      %dma_start3A_1265 = arith.constant 0 : i32
      %dma_start3A_1266 = tpu.memref_slice %arg4[%select_n3A_1251, %dma_start3A_1255, %rem3A_1253, %dma_start3A_1264, %dma_start3A_1265] : memref<200x4x32x8x128xf32, #tpu.memory_space<hbm>> -> memref<1x1x1x8x128xf32, #tpu.memory_space<hbm>>
      %dma_start3A_1267 = tpu.memref_squeeze %dma_start3A_1266 : memref<1x1x1x8x128xf32, #tpu.memory_space<hbm>> -> memref<8x128xf32, #tpu.memory_space<hbm>>
      %dma_start3A_1268 = arith.constant 0 : i32
      %dma_start3A_1269 = arith.constant 0 : i32
      %dma_start3A_1270 = tpu.memref_slice %arg9[%dma_start3A_1254, %dma_start3A_1268, %dma_start3A_1269] : memref<4x8x128xf32, #tpu.memory_space<vmem>> -> memref<1x8x128xf32, #tpu.memory_space<vmem>>
      %dma_start3A_1271 = tpu.memref_squeeze %dma_start3A_1270 : memref<1x8x128xf32, #tpu.memory_space<vmem>> -> memref<8x128xf32, #tpu.memory_space<vmem>>
      tpu.enqueue_dma source(%dma_start3A_1271 : memref<8x128xf32, #tpu.memory_space<vmem>>) target(%dma_start3A_1267 : memref<8x128xf32, #tpu.memory_space<hbm>>) target_semaphore(%arg13 : memref<!tpu.dma_semaphore, #tpu.memory_space<semaphore_mem>>)
      %dma_start3A_1272 = arith.constant 1 : i32
      %dma_start3A_1273 = arith.constant 1 : i32
      %dma_start3A_1274 = arith.constant 0 : i32
      %dma_start3A_1275 = arith.constant 0 : i32
      %dma_start3A_1276 = tpu.memref_slice %arg9[%dma_start3A_1272, %dma_start3A_1274, %dma_start3A_1275] : memref<4x8x128xf32, #tpu.memory_space<vmem>> -> memref<1x8x128xf32, #tpu.memory_space<vmem>>
      %dma_start3A_1277 = tpu.memref_squeeze %dma_start3A_1276 : memref<1x8x128xf32, #tpu.memory_space<vmem>> -> memref<8x128xf32, #tpu.memory_space<vmem>>
      %dma_start3A_1278 = arith.constant 0 : i32
      %dma_start3A_1279 = arith.constant 0 : i32
      %dma_start3A_1280 = tpu.memref_slice %arg4[%select_n3A_1251, %dma_start3A_1273, %rem3A_1253, %dma_start3A_1278, %dma_start3A_1279] : memref<200x4x32x8x128xf32, #tpu.memory_space<hbm>> -> memref<1x1x1x8x128xf32, #tpu.memory_space<hbm>>
      %dma_start3A_1281 = tpu.memref_squeeze %dma_start3A_1280 : memref<1x1x1x8x128xf32, #tpu.memory_space<hbm>> -> memref<8x128xf32, #tpu.memory_space<hbm>>
      %dma_start3A_1282 = arith.constant 0 : i32
      %dma_start3A_1283 = arith.constant 0 : i32
      %dma_start3A_1284 = tpu.memref_slice %arg4[%select_n3A_1251, %dma_start3A_1273, %rem3A_1253, %dma_start3A_1282, %dma_start3A_1283] : memref<200x4x32x8x128xf32, #tpu.memory_space<hbm>> -> memref<1x1x1x8x128xf32, #tpu.memory_space<hbm>>
      %dma_start3A_1285 = tpu.memref_squeeze %dma_start3A_1284 : memref<1x1x1x8x128xf32, #tpu.memory_space<hbm>> -> memref<8x128xf32, #tpu.memory_space<hbm>>
      %dma_start3A_1286 = arith.constant 0 : i32
      %dma_start3A_1287 = arith.constant 0 : i32
      %dma_start3A_1288 = tpu.memref_slice %arg9[%dma_start3A_1272, %dma_start3A_1286, %dma_start3A_1287] : memref<4x8x128xf32, #tpu.memory_space<vmem>> -> memref<1x8x128xf32, #tpu.memory_space<vmem>>
      %dma_start3A_1289 = tpu.memref_squeeze %dma_start3A_1288 : memref<1x8x128xf32, #tpu.memory_space<vmem>> -> memref<8x128xf32, #tpu.memory_space<vmem>>
      tpu.enqueue_dma source(%dma_start3A_1289 : memref<8x128xf32, #tpu.memory_space<vmem>>) target(%dma_start3A_1285 : memref<8x128xf32, #tpu.memory_space<hbm>>) target_semaphore(%arg13 : memref<!tpu.dma_semaphore, #tpu.memory_space<semaphore_mem>>)
      %dma_start3A_1290 = arith.constant 2 : i32
      %dma_start3A_1291 = arith.constant 2 : i32
      %dma_start3A_1292 = arith.constant 0 : i32
      %dma_start3A_1293 = arith.constant 0 : i32
      %dma_start3A_1294 = tpu.memref_slice %arg9[%dma_start3A_1290, %dma_start3A_1292, %dma_start3A_1293] : memref<4x8x128xf32, #tpu.memory_space<vmem>> -> memref<1x8x128xf32, #tpu.memory_space<vmem>>
      %dma_start3A_1295 = tpu.memref_squeeze %dma_start3A_1294 : memref<1x8x128xf32, #tpu.memory_space<vmem>> -> memref<8x128xf32, #tpu.memory_space<vmem>>
      %dma_start3A_1296 = arith.constant 0 : i32
      %dma_start3A_1297 = arith.constant 0 : i32
      %dma_start3A_1298 = tpu.memref_slice %arg4[%select_n3A_1251, %dma_start3A_1291, %rem3A_1253, %dma_start3A_1296, %dma_start3A_1297] : memref<200x4x32x8x128xf32, #tpu.memory_space<hbm>> -> memref<1x1x1x8x128xf32, #tpu.memory_space<hbm>>
      %dma_start3A_1299 = tpu.memref_squeeze %dma_start3A_1298 : memref<1x1x1x8x128xf32, #tpu.memory_space<hbm>> -> memref<8x128xf32, #tpu.memory_space<hbm>>
      %dma_start3A_1300 = arith.constant 0 : i32
      %dma_start3A_1301 = arith.constant 0 : i32
      %dma_start3A_1302 = tpu.memref_slice %arg4[%select_n3A_1251, %dma_start3A_1291, %rem3A_1253, %dma_start3A_1300, %dma_start3A_1301] : memref<200x4x32x8x128xf32, #tpu.memory_space<hbm>> -> memref<1x1x1x8x128xf32, #tpu.memory_space<hbm>>
      %dma_start3A_1303 = tpu.memref_squeeze %dma_start3A_1302 : memref<1x1x1x8x128xf32, #tpu.memory_space<hbm>> -> memref<8x128xf32, #tpu.memory_space<hbm>>
      %dma_start3A_1304 = arith.constant 0 : i32
      %dma_start3A_1305 = arith.constant 0 : i32
      %dma_start3A_1306 = tpu.memref_slice %arg9[%dma_start3A_1290, %dma_start3A_1304, %dma_start3A_1305] : memref<4x8x128xf32, #tpu.memory_space<vmem>> -> memref<1x8x128xf32, #tpu.memory_space<vmem>>
      %dma_start3A_1307 = tpu.memref_squeeze %dma_start3A_1306 : memref<1x8x128xf32, #tpu.memory_space<vmem>> -> memref<8x128xf32, #tpu.memory_space<vmem>>
      tpu.enqueue_dma source(%dma_start3A_1307 : memref<8x128xf32, #tpu.memory_space<vmem>>) target(%dma_start3A_1303 : memref<8x128xf32, #tpu.memory_space<hbm>>) target_semaphore(%arg13 : memref<!tpu.dma_semaphore, #tpu.memory_space<semaphore_mem>>)
      %dma_start3A_1308 = arith.constant 3 : i32
      %dma_start3A_1309 = arith.constant 3 : i32
      %dma_start3A_1310 = arith.constant 0 : i32
      %dma_start3A_1311 = arith.constant 0 : i32
      %dma_start3A_1312 = tpu.memref_slice %arg9[%dma_start3A_1308, %dma_start3A_1310, %dma_start3A_1311] : memref<4x8x128xf32, #tpu.memory_space<vmem>> -> memref<1x8x128xf32, #tpu.memory_space<vmem>>
      %dma_start3A_1313 = tpu.memref_squeeze %dma_start3A_1312 : memref<1x8x128xf32, #tpu.memory_space<vmem>> -> memref<8x128xf32, #tpu.memory_space<vmem>>
      %dma_start3A_1314 = arith.constant 0 : i32
      %dma_start3A_1315 = arith.constant 0 : i32
      %dma_start3A_1316 = tpu.memref_slice %arg4[%select_n3A_1251, %dma_start3A_1309, %rem3A_1253, %dma_start3A_1314, %dma_start3A_1315] : memref<200x4x32x8x128xf32, #tpu.memory_space<hbm>> -> memref<1x1x1x8x128xf32, #tpu.memory_space<hbm>>
      %dma_start3A_1317 = tpu.memref_squeeze %dma_start3A_1316 : memref<1x1x1x8x128xf32, #tpu.memory_space<hbm>> -> memref<8x128xf32, #tpu.memory_space<hbm>>
      %dma_start3A_1318 = arith.constant 0 : i32
      %dma_start3A_1319 = arith.constant 0 : i32
      %dma_start3A_1320 = tpu.memref_slice %arg4[%select_n3A_1251, %dma_start3A_1309, %rem3A_1253, %dma_start3A_1318, %dma_start3A_1319] : memref<200x4x32x8x128xf32, #tpu.memory_space<hbm>> -> memref<1x1x1x8x128xf32, #tpu.memory_space<hbm>>
      %dma_start3A_1321 = tpu.memref_squeeze %dma_start3A_1320 : memref<1x1x1x8x128xf32, #tpu.memory_space<hbm>> -> memref<8x128xf32, #tpu.memory_space<hbm>>
      %dma_start3A_1322 = arith.constant 0 : i32
      %dma_start3A_1323 = arith.constant 0 : i32
      %dma_start3A_1324 = tpu.memref_slice %arg9[%dma_start3A_1308, %dma_start3A_1322, %dma_start3A_1323] : memref<4x8x128xf32, #tpu.memory_space<vmem>> -> memref<1x8x128xf32, #tpu.memory_space<vmem>>
      %dma_start3A_1325 = tpu.memref_squeeze %dma_start3A_1324 : memref<1x8x128xf32, #tpu.memory_space<vmem>> -> memref<8x128xf32, #tpu.memory_space<vmem>>
      tpu.enqueue_dma source(%dma_start3A_1325 : memref<8x128xf32, #tpu.memory_space<vmem>>) target(%dma_start3A_1321 : memref<8x128xf32, #tpu.memory_space<hbm>>) target_semaphore(%arg13 : memref<!tpu.dma_semaphore, #tpu.memory_space<semaphore_mem>>)
    }
    %scan3A_253 = arith.constant 98 : i32
    %dma_wait3A_254 = arith.constant 25344 : i32
    %dma_wait3A_255 = tpu.memref_slice %arg5[%dma_wait3A_254] : memref<25600xi32, #tpu.memory_space<vmem>> -> memref<128xi32, #tpu.memory_space<vmem>>
    %dma_wait3A_256 = arith.constant 0 : i32
    %dma_wait3A_257 = arith.constant 0 : i32
    %dma_wait3A_258 = tpu.memref_slice %arg3[%dma_wait3A_256, %dma_wait3A_257] : memref<1000000x32xf32, #tpu.memory_space<hbm>> -> memref<1000000x32xf32, #tpu.memory_space<hbm>>
    tpu.wait_indirect_dma semaphore(%arg10 : memref<!tpu.dma_semaphore, #tpu.memory_space<semaphore_mem>>) src(%dma_wait3A_258 : memref<1000000x32xf32, #tpu.memory_space<hbm>>) dst(%arg6 : memref<128x32xf32, #tpu.memory_space<vmem>>)
    %dma_start3A_259 = arith.constant 25472 : i32
    %dma_start3A_260 = tpu.memref_slice %arg5[%dma_start3A_259] : memref<25600xi32, #tpu.memory_space<vmem>> -> memref<128xi32, #tpu.memory_space<vmem>>
    %dma_start3A_261 = arith.constant 0 : i32
    %dma_start3A_262 = arith.constant 0 : i32
    %dma_start3A_263 = tpu.memref_slice %arg3[%dma_start3A_261, %dma_start3A_262] : memref<1000000x32xf32, #tpu.memory_space<hbm>> -> memref<1000000x32xf32, #tpu.memory_space<hbm>>
    tpu.enqueue_indirect_dma source(%dma_start3A_263 : memref<1000000x32xf32, #tpu.memory_space<hbm>>) target(%arg7 : memref<128x32xf32, #tpu.memory_space<vmem>>) offsets(%dma_start3A_260 : memref<128xi32, #tpu.memory_space<vmem>>) semaphore(%arg11 : memref<!tpu.dma_semaphore, #tpu.memory_space<semaphore_mem>>)
    %add3A_264 = arith.constant 196 : i32
    %add3A_265 = arith.addi %mul3A_2, %add3A_264 : i32
    %jit3A_266 = arith.constant 32 : i32
    %div3A_267 = arith.divsi %add3A_265, %jit3A_266 : i32
    %sign3A_268 = arith.constant 0 : i32
    %sign3A_269 = arith.cmpi sgt, %add3A_265, %sign3A_268 : i32
    %sign3A_270 = arith.extui %sign3A_269 : i1 to i32
    %sign3A_271 = arith.constant 0 : i32
    %sign3A_272 = arith.cmpi slt, %add3A_265, %sign3A_271 : i32
    %sign3A_273 = arith.extui %sign3A_272 : i1 to i32
    %sign3A_274 = arith.subi %sign3A_270, %sign3A_273 : i32
    %sign3A_275 = arith.constant 0 : i32
    %sign3A_276 = arith.cmpi sgt, %jit3A_266, %sign3A_275 : i32
    %sign3A_277 = arith.extui %sign3A_276 : i1 to i32
    %sign3A_278 = arith.constant 0 : i32
    %sign3A_279 = arith.cmpi slt, %jit3A_266, %sign3A_278 : i32
    %sign3A_280 = arith.extui %sign3A_279 : i1 to i32
    %sign3A_281 = arith.subi %sign3A_277, %sign3A_280 : i32
    %ne3A_282 = arith.cmpi ne, %sign3A_274, %sign3A_281 : i32
    %rem3A_283 = arith.remsi %add3A_265, %jit3A_266 : i32
    %ne3A_284 = arith.constant 0 : i32
    %ne3A_285 = arith.cmpi ne, %rem3A_283, %ne3A_284 : i32
    %and3A_286 = arith.andi %ne3A_282, %ne3A_285 : i1
    %sub3A_287 = arith.constant 1 : i32
    %sub3A_288 = arith.subi %div3A_267, %sub3A_287 : i32
    %select_n3A_289 = arith.select %and3A_286, %sub3A_288, %div3A_267 : i32
    %rem3A_290 = arith.constant 32 : i32
    %rem3A_291 = arith.remsi %add3A_265, %rem3A_290 : i32
    %dma_wait3A_292 = arith.constant 0 : i32
    %dma_wait3A_293 = arith.constant 0 : i32
    %dma_wait3A_294 = arith.constant 0 : i32
    %dma_wait3A_295 = arith.constant 0 : i32
    %dma_wait3A_296 = tpu.memref_slice %arg8[%dma_wait3A_292, %dma_wait3A_294, %dma_wait3A_295] : memref<4x8x128xf32, #tpu.memory_space<vmem>> -> memref<1x8x128xf32, #tpu.memory_space<vmem>>
    %dma_wait3A_297 = tpu.memref_squeeze %dma_wait3A_296 : memref<1x8x128xf32, #tpu.memory_space<vmem>> -> memref<8x128xf32, #tpu.memory_space<vmem>>
    %dma_wait3A_298 = arith.constant 0 : i32
    %dma_wait3A_299 = arith.constant 0 : i32
    %dma_wait3A_300 = tpu.memref_slice %arg4[%select_n3A_289, %dma_wait3A_293, %rem3A_291, %dma_wait3A_298, %dma_wait3A_299] : memref<200x4x32x8x128xf32, #tpu.memory_space<hbm>> -> memref<1x1x1x8x128xf32, #tpu.memory_space<hbm>>
    %dma_wait3A_301 = tpu.memref_squeeze %dma_wait3A_300 : memref<1x1x1x8x128xf32, #tpu.memory_space<hbm>> -> memref<8x128xf32, #tpu.memory_space<hbm>>
    %dma_wait3A_302 = arith.constant 0 : i32
    %dma_wait3A_303 = arith.constant 0 : i32
    %dma_wait3A_304 = tpu.memref_slice %arg4[%select_n3A_289, %dma_wait3A_293, %rem3A_291, %dma_wait3A_302, %dma_wait3A_303] : memref<200x4x32x8x128xf32, #tpu.memory_space<hbm>> -> memref<1x1x1x8x128xf32, #tpu.memory_space<hbm>>
    %dma_wait3A_305 = tpu.memref_squeeze %dma_wait3A_304 : memref<1x1x1x8x128xf32, #tpu.memory_space<hbm>> -> memref<8x128xf32, #tpu.memory_space<hbm>>
    %dma_wait3A_306 = arith.constant 0 : i32
    %dma_wait3A_307 = arith.constant 0 : i32
    %dma_wait3A_308 = tpu.memref_slice %arg8[%dma_wait3A_292, %dma_wait3A_306, %dma_wait3A_307] : memref<4x8x128xf32, #tpu.memory_space<vmem>> -> memref<1x8x128xf32, #tpu.memory_space<vmem>>
    %dma_wait3A_309 = tpu.memref_squeeze %dma_wait3A_308 : memref<1x8x128xf32, #tpu.memory_space<vmem>> -> memref<8x128xf32, #tpu.memory_space<vmem>>
    tpu.wait_dma2 semaphore(%arg12 : memref<!tpu.dma_semaphore, #tpu.memory_space<semaphore_mem>>) src(%dma_wait3A_309 : memref<8x128xf32, #tpu.memory_space<vmem>>) dst(%dma_wait3A_305 : memref<8x128xf32, #tpu.memory_space<hbm>>)
    %dma_wait3A_310 = arith.constant 1 : i32
    %dma_wait3A_311 = arith.constant 1 : i32
    %dma_wait3A_312 = arith.constant 0 : i32
    %dma_wait3A_313 = arith.constant 0 : i32
    %dma_wait3A_314 = tpu.memref_slice %arg8[%dma_wait3A_310, %dma_wait3A_312, %dma_wait3A_313] : memref<4x8x128xf32, #tpu.memory_space<vmem>> -> memref<1x8x128xf32, #tpu.memory_space<vmem>>
    %dma_wait3A_315 = tpu.memref_squeeze %dma_wait3A_314 : memref<1x8x128xf32, #tpu.memory_space<vmem>> -> memref<8x128xf32, #tpu.memory_space<vmem>>
    %dma_wait3A_316 = arith.constant 0 : i32
    %dma_wait3A_317 = arith.constant 0 : i32
    %dma_wait3A_318 = tpu.memref_slice %arg4[%select_n3A_289, %dma_wait3A_311, %rem3A_291, %dma_wait3A_316, %dma_wait3A_317] : memref<200x4x32x8x128xf32, #tpu.memory_space<hbm>> -> memref<1x1x1x8x128xf32, #tpu.memory_space<hbm>>
    %dma_wait3A_319 = tpu.memref_squeeze %dma_wait3A_318 : memref<1x1x1x8x128xf32, #tpu.memory_space<hbm>> -> memref<8x128xf32, #tpu.memory_space<hbm>>
    %dma_wait3A_320 = arith.constant 0 : i32
    %dma_wait3A_321 = arith.constant 0 : i32
    %dma_wait3A_322 = tpu.memref_slice %arg4[%select_n3A_289, %dma_wait3A_311, %rem3A_291, %dma_wait3A_320, %dma_wait3A_321] : memref<200x4x32x8x128xf32, #tpu.memory_space<hbm>> -> memref<1x1x1x8x128xf32, #tpu.memory_space<hbm>>
    %dma_wait3A_323 = tpu.memref_squeeze %dma_wait3A_322 : memref<1x1x1x8x128xf32, #tpu.memory_space<hbm>> -> memref<8x128xf32, #tpu.memory_space<hbm>>
    %dma_wait3A_324 = arith.constant 0 : i32
    %dma_wait3A_325 = arith.constant 0 : i32
    %dma_wait3A_326 = tpu.memref_slice %arg8[%dma_wait3A_310, %dma_wait3A_324, %dma_wait3A_325] : memref<4x8x128xf32, #tpu.memory_space<vmem>> -> memref<1x8x128xf32, #tpu.memory_space<vmem>>
    %dma_wait3A_327 = tpu.memref_squeeze %dma_wait3A_326 : memref<1x8x128xf32, #tpu.memory_space<vmem>> -> memref<8x128xf32, #tpu.memory_space<vmem>>
    tpu.wait_dma2 semaphore(%arg12 : memref<!tpu.dma_semaphore, #tpu.memory_space<semaphore_mem>>) src(%dma_wait3A_327 : memref<8x128xf32, #tpu.memory_space<vmem>>) dst(%dma_wait3A_323 : memref<8x128xf32, #tpu.memory_space<hbm>>)
    %dma_wait3A_328 = arith.constant 2 : i32
    %dma_wait3A_329 = arith.constant 2 : i32
    %dma_wait3A_330 = arith.constant 0 : i32
    %dma_wait3A_331 = arith.constant 0 : i32
    %dma_wait3A_332 = tpu.memref_slice %arg8[%dma_wait3A_328, %dma_wait3A_330, %dma_wait3A_331] : memref<4x8x128xf32, #tpu.memory_space<vmem>> -> memref<1x8x128xf32, #tpu.memory_space<vmem>>
    %dma_wait3A_333 = tpu.memref_squeeze %dma_wait3A_332 : memref<1x8x128xf32, #tpu.memory_space<vmem>> -> memref<8x128xf32, #tpu.memory_space<vmem>>
    %dma_wait3A_334 = arith.constant 0 : i32
    %dma_wait3A_335 = arith.constant 0 : i32
    %dma_wait3A_336 = tpu.memref_slice %arg4[%select_n3A_289, %dma_wait3A_329, %rem3A_291, %dma_wait3A_334, %dma_wait3A_335] : memref<200x4x32x8x128xf32, #tpu.memory_space<hbm>> -> memref<1x1x1x8x128xf32, #tpu.memory_space<hbm>>
    %dma_wait3A_337 = tpu.memref_squeeze %dma_wait3A_336 : memref<1x1x1x8x128xf32, #tpu.memory_space<hbm>> -> memref<8x128xf32, #tpu.memory_space<hbm>>
    %dma_wait3A_338 = arith.constant 0 : i32
    %dma_wait3A_339 = arith.constant 0 : i32
    %dma_wait3A_340 = tpu.memref_slice %arg4[%select_n3A_289, %dma_wait3A_329, %rem3A_291, %dma_wait3A_338, %dma_wait3A_339] : memref<200x4x32x8x128xf32, #tpu.memory_space<hbm>> -> memref<1x1x1x8x128xf32, #tpu.memory_space<hbm>>
    %dma_wait3A_341 = tpu.memref_squeeze %dma_wait3A_340 : memref<1x1x1x8x128xf32, #tpu.memory_space<hbm>> -> memref<8x128xf32, #tpu.memory_space<hbm>>
    %dma_wait3A_342 = arith.constant 0 : i32
    %dma_wait3A_343 = arith.constant 0 : i32
    %dma_wait3A_344 = tpu.memref_slice %arg8[%dma_wait3A_328, %dma_wait3A_342, %dma_wait3A_343] : memref<4x8x128xf32, #tpu.memory_space<vmem>> -> memref<1x8x128xf32, #tpu.memory_space<vmem>>
    %dma_wait3A_345 = tpu.memref_squeeze %dma_wait3A_344 : memref<1x8x128xf32, #tpu.memory_space<vmem>> -> memref<8x128xf32, #tpu.memory_space<vmem>>
    tpu.wait_dma2 semaphore(%arg12 : memref<!tpu.dma_semaphore, #tpu.memory_space<semaphore_mem>>) src(%dma_wait3A_345 : memref<8x128xf32, #tpu.memory_space<vmem>>) dst(%dma_wait3A_341 : memref<8x128xf32, #tpu.memory_space<hbm>>)
    %dma_wait3A_346 = arith.constant 3 : i32
    %dma_wait3A_347 = arith.constant 3 : i32
    %dma_wait3A_348 = arith.constant 0 : i32
    %dma_wait3A_349 = arith.constant 0 : i32
    %dma_wait3A_350 = tpu.memref_slice %arg8[%dma_wait3A_346, %dma_wait3A_348, %dma_wait3A_349] : memref<4x8x128xf32, #tpu.memory_space<vmem>> -> memref<1x8x128xf32, #tpu.memory_space<vmem>>
    %dma_wait3A_351 = tpu.memref_squeeze %dma_wait3A_350 : memref<1x8x128xf32, #tpu.memory_space<vmem>> -> memref<8x128xf32, #tpu.memory_space<vmem>>
    %dma_wait3A_352 = arith.constant 0 : i32
    %dma_wait3A_353 = arith.constant 0 : i32
    %dma_wait3A_354 = tpu.memref_slice %arg4[%select_n3A_289, %dma_wait3A_347, %rem3A_291, %dma_wait3A_352, %dma_wait3A_353] : memref<200x4x32x8x128xf32, #tpu.memory_space<hbm>> -> memref<1x1x1x8x128xf32, #tpu.memory_space<hbm>>
    %dma_wait3A_355 = tpu.memref_squeeze %dma_wait3A_354 : memref<1x1x1x8x128xf32, #tpu.memory_space<hbm>> -> memref<8x128xf32, #tpu.memory_space<hbm>>
    %dma_wait3A_356 = arith.constant 0 : i32
    %dma_wait3A_357 = arith.constant 0 : i32
    %dma_wait3A_358 = tpu.memref_slice %arg4[%select_n3A_289, %dma_wait3A_347, %rem3A_291, %dma_wait3A_356, %dma_wait3A_357] : memref<200x4x32x8x128xf32, #tpu.memory_space<hbm>> -> memref<1x1x1x8x128xf32, #tpu.memory_space<hbm>>
    %dma_wait3A_359 = tpu.memref_squeeze %dma_wait3A_358 : memref<1x1x1x8x128xf32, #tpu.memory_space<hbm>> -> memref<8x128xf32, #tpu.memory_space<hbm>>
    %dma_wait3A_360 = arith.constant 0 : i32
    %dma_wait3A_361 = arith.constant 0 : i32
    %dma_wait3A_362 = tpu.memref_slice %arg8[%dma_wait3A_346, %dma_wait3A_360, %dma_wait3A_361] : memref<4x8x128xf32, #tpu.memory_space<vmem>> -> memref<1x8x128xf32, #tpu.memory_space<vmem>>
    %dma_wait3A_363 = tpu.memref_squeeze %dma_wait3A_362 : memref<1x8x128xf32, #tpu.memory_space<vmem>> -> memref<8x128xf32, #tpu.memory_space<vmem>>
    tpu.wait_dma2 semaphore(%arg12 : memref<!tpu.dma_semaphore, #tpu.memory_space<semaphore_mem>>) src(%dma_wait3A_363 : memref<8x128xf32, #tpu.memory_space<vmem>>) dst(%dma_wait3A_359 : memref<8x128xf32, #tpu.memory_space<hbm>>)
    %scan3A_364 = arith.constant 0 : i32
    %scan3A_365 = arith.constant 0 : i32
    %scan3A_366 = arith.constant 128 : i32
    %scan3A_367 = arith.addi %scan3A_365, %scan3A_366 : i32
    %scan3A_368 = arith.constant 4 : i32
    scf.for %scan3A_881 = %scan3A_365 to %scan3A_367 step %scan3A_368  : i32 {
      %add3A_882 = vector.broadcast %scan3A_881 : i32 to vector<16xi32>
      %add3A_883 = arith.addi %mul3A_7, %add3A_882 : vector<16xi32>
      %gather3A = tpu.vector_load_idx %arg6[%add3A_883, %iota3A] : memref<128x32xf32, #tpu.memory_space<vmem>>[vector<16xi32>, vector<16xi32>], vector<16xf32>,
      %gather3A_884 = tpu.vector_load_idx %arg6[%add3A_883, %add3A_14] : memref<128x32xf32, #tpu.memory_space<vmem>>[vector<16xi32>, vector<16xi32>], vector<16xf32>,
      tpu.vector_store_idx %arg8[%shift_right_logical3A_9, %and3A_11, %add3A_883], %gather3A : memref<4x8x128xf32, #tpu.memory_space<vmem>>[vector<16xi32>, vector<16xi32>, vector<16xi32>], vector<16xf32>,
      tpu.vector_store_idx %arg8[%shift_right_logical3A_17, %and3A_20, %add3A_883], %gather3A_884 : memref<4x8x128xf32, #tpu.memory_space<vmem>>[vector<16xi32>, vector<16xi32>, vector<16xi32>], vector<16xf32>,
      %scan3A_885 = arith.constant 1 : i32
      %scan3A_886 = arith.addi %scan3A_881, %scan3A_885 : i32
      %add3A_887 = vector.broadcast %scan3A_886 : i32 to vector<16xi32>
      %add3A_888 = arith.addi %mul3A_7, %add3A_887 : vector<16xi32>
      %gather3A_889 = tpu.vector_load_idx %arg6[%add3A_888, %iota3A] : memref<128x32xf32, #tpu.memory_space<vmem>>[vector<16xi32>, vector<16xi32>], vector<16xf32>,
      %gather3A_890 = tpu.vector_load_idx %arg6[%add3A_888, %add3A_14] : memref<128x32xf32, #tpu.memory_space<vmem>>[vector<16xi32>, vector<16xi32>], vector<16xf32>,
      tpu.vector_store_idx %arg8[%shift_right_logical3A_9, %and3A_11, %add3A_888], %gather3A_889 : memref<4x8x128xf32, #tpu.memory_space<vmem>>[vector<16xi32>, vector<16xi32>, vector<16xi32>], vector<16xf32>,
      tpu.vector_store_idx %arg8[%shift_right_logical3A_17, %and3A_20, %add3A_888], %gather3A_890 : memref<4x8x128xf32, #tpu.memory_space<vmem>>[vector<16xi32>, vector<16xi32>, vector<16xi32>], vector<16xf32>,
      %scan3A_891 = arith.constant 2 : i32
      %scan3A_892 = arith.addi %scan3A_881, %scan3A_891 : i32
      %add3A_893 = vector.broadcast %scan3A_892 : i32 to vector<16xi32>
      %add3A_894 = arith.addi %mul3A_7, %add3A_893 : vector<16xi32>
      %gather3A_895 = tpu.vector_load_idx %arg6[%add3A_894, %iota3A] : memref<128x32xf32, #tpu.memory_space<vmem>>[vector<16xi32>, vector<16xi32>], vector<16xf32>,
      %gather3A_896 = tpu.vector_load_idx %arg6[%add3A_894, %add3A_14] : memref<128x32xf32, #tpu.memory_space<vmem>>[vector<16xi32>, vector<16xi32>], vector<16xf32>,
      tpu.vector_store_idx %arg8[%shift_right_logical3A_9, %and3A_11, %add3A_894], %gather3A_895 : memref<4x8x128xf32, #tpu.memory_space<vmem>>[vector<16xi32>, vector<16xi32>, vector<16xi32>], vector<16xf32>,
      tpu.vector_store_idx %arg8[%shift_right_logical3A_17, %and3A_20, %add3A_894], %gather3A_896 : memref<4x8x128xf32, #tpu.memory_space<vmem>>[vector<16xi32>, vector<16xi32>, vector<16xi32>], vector<16xf32>,
      %scan3A_897 = arith.constant 3 : i32
      %scan3A_898 = arith.addi %scan3A_881, %scan3A_897 : i32
      %add3A_899 = vector.broadcast %scan3A_898 : i32 to vector<16xi32>
      %add3A_900 = arith.addi %mul3A_7, %add3A_899 : vector<16xi32>
      %gather3A_901 = tpu.vector_load_idx %arg6[%add3A_900, %iota3A] : memref<128x32xf32, #tpu.memory_space<vmem>>[vector<16xi32>, vector<16xi32>], vector<16xf32>,
      %gather3A_902 = tpu.vector_load_idx %arg6[%add3A_900, %add3A_14] : memref<128x32xf32, #tpu.memory_space<vmem>>[vector<16xi32>, vector<16xi32>], vector<16xf32>,
      tpu.vector_store_idx %arg8[%shift_right_logical3A_9, %and3A_11, %add3A_900], %gather3A_901 : memref<4x8x128xf32, #tpu.memory_space<vmem>>[vector<16xi32>, vector<16xi32>, vector<16xi32>], vector<16xf32>,
      tpu.vector_store_idx %arg8[%shift_right_logical3A_17, %and3A_20, %add3A_900], %gather3A_902 : memref<4x8x128xf32, #tpu.memory_space<vmem>>[vector<16xi32>, vector<16xi32>, vector<16xi32>], vector<16xf32>,
    }
    %scan3A_369 = arith.constant 128 : i32
    %add3A_370 = arith.constant 198 : i32
    %add3A_371 = arith.addi %mul3A_2, %add3A_370 : i32
    %jit3A_372 = arith.constant 32 : i32
    %div3A_373 = arith.divsi %add3A_371, %jit3A_372 : i32
    %sign3A_374 = arith.constant 0 : i32
    %sign3A_375 = arith.cmpi sgt, %add3A_371, %sign3A_374 : i32
    %sign3A_376 = arith.extui %sign3A_375 : i1 to i32
    %sign3A_377 = arith.constant 0 : i32
    %sign3A_378 = arith.cmpi slt, %add3A_371, %sign3A_377 : i32
    %sign3A_379 = arith.extui %sign3A_378 : i1 to i32
    %sign3A_380 = arith.subi %sign3A_376, %sign3A_379 : i32
    %sign3A_381 = arith.constant 0 : i32
    %sign3A_382 = arith.cmpi sgt, %jit3A_372, %sign3A_381 : i32
    %sign3A_383 = arith.extui %sign3A_382 : i1 to i32
    %sign3A_384 = arith.constant 0 : i32
    %sign3A_385 = arith.cmpi slt, %jit3A_372, %sign3A_384 : i32
    %sign3A_386 = arith.extui %sign3A_385 : i1 to i32
    %sign3A_387 = arith.subi %sign3A_383, %sign3A_386 : i32
    %ne3A_388 = arith.cmpi ne, %sign3A_380, %sign3A_387 : i32
    %rem3A_389 = arith.remsi %add3A_371, %jit3A_372 : i32
    %ne3A_390 = arith.constant 0 : i32
    %ne3A_391 = arith.cmpi ne, %rem3A_389, %ne3A_390 : i32
    %and3A_392 = arith.andi %ne3A_388, %ne3A_391 : i1
    %sub3A_393 = arith.constant 1 : i32
    %sub3A_394 = arith.subi %div3A_373, %sub3A_393 : i32
    %select_n3A_395 = arith.select %and3A_392, %sub3A_394, %div3A_373 : i32
    %rem3A_396 = arith.constant 32 : i32
    %rem3A_397 = arith.remsi %add3A_371, %rem3A_396 : i32
    %dma_start3A_398 = arith.constant 0 : i32
    %dma_start3A_399 = arith.constant 0 : i32
    %dma_start3A_400 = arith.constant 0 : i32
    %dma_start3A_401 = arith.constant 0 : i32
    %dma_start3A_402 = tpu.memref_slice %arg8[%dma_start3A_398, %dma_start3A_400, %dma_start3A_401] : memref<4x8x128xf32, #tpu.memory_space<vmem>> -> memref<1x8x128xf32, #tpu.memory_space<vmem>>
    %dma_start3A_403 = tpu.memref_squeeze %dma_start3A_402 : memref<1x8x128xf32, #tpu.memory_space<vmem>> -> memref<8x128xf32, #tpu.memory_space<vmem>>
    %dma_start3A_404 = arith.constant 0 : i32
    %dma_start3A_405 = arith.constant 0 : i32
    %dma_start3A_406 = tpu.memref_slice %arg4[%select_n3A_395, %dma_start3A_399, %rem3A_397, %dma_start3A_404, %dma_start3A_405] : memref<200x4x32x8x128xf32, #tpu.memory_space<hbm>> -> memref<1x1x1x8x128xf32, #tpu.memory_space<hbm>>
    %dma_start3A_407 = tpu.memref_squeeze %dma_start3A_406 : memref<1x1x1x8x128xf32, #tpu.memory_space<hbm>> -> memref<8x128xf32, #tpu.memory_space<hbm>>
    %dma_start3A_408 = arith.constant 0 : i32
    %dma_start3A_409 = arith.constant 0 : i32
    %dma_start3A_410 = tpu.memref_slice %arg4[%select_n3A_395, %dma_start3A_399, %rem3A_397, %dma_start3A_408, %dma_start3A_409] : memref<200x4x32x8x128xf32, #tpu.memory_space<hbm>> -> memref<1x1x1x8x128xf32, #tpu.memory_space<hbm>>
    %dma_start3A_411 = tpu.memref_squeeze %dma_start3A_410 : memref<1x1x1x8x128xf32, #tpu.memory_space<hbm>> -> memref<8x128xf32, #tpu.memory_space<hbm>>
    %dma_start3A_412 = arith.constant 0 : i32
    %dma_start3A_413 = arith.constant 0 : i32
    %dma_start3A_414 = tpu.memref_slice %arg8[%dma_start3A_398, %dma_start3A_412, %dma_start3A_413] : memref<4x8x128xf32, #tpu.memory_space<vmem>> -> memref<1x8x128xf32, #tpu.memory_space<vmem>>
    %dma_start3A_415 = tpu.memref_squeeze %dma_start3A_414 : memref<1x8x128xf32, #tpu.memory_space<vmem>> -> memref<8x128xf32, #tpu.memory_space<vmem>>
    tpu.enqueue_dma source(%dma_start3A_415 : memref<8x128xf32, #tpu.memory_space<vmem>>) target(%dma_start3A_411 : memref<8x128xf32, #tpu.memory_space<hbm>>) target_semaphore(%arg12 : memref<!tpu.dma_semaphore, #tpu.memory_space<semaphore_mem>>)
    %dma_start3A_416 = arith.constant 1 : i32
    %dma_start3A_417 = arith.constant 1 : i32
    %dma_start3A_418 = arith.constant 0 : i32
    %dma_start3A_419 = arith.constant 0 : i32
    %dma_start3A_420 = tpu.memref_slice %arg8[%dma_start3A_416, %dma_start3A_418, %dma_start3A_419] : memref<4x8x128xf32, #tpu.memory_space<vmem>> -> memref<1x8x128xf32, #tpu.memory_space<vmem>>
    %dma_start3A_421 = tpu.memref_squeeze %dma_start3A_420 : memref<1x8x128xf32, #tpu.memory_space<vmem>> -> memref<8x128xf32, #tpu.memory_space<vmem>>
    %dma_start3A_422 = arith.constant 0 : i32
    %dma_start3A_423 = arith.constant 0 : i32
    %dma_start3A_424 = tpu.memref_slice %arg4[%select_n3A_395, %dma_start3A_417, %rem3A_397, %dma_start3A_422, %dma_start3A_423] : memref<200x4x32x8x128xf32, #tpu.memory_space<hbm>> -> memref<1x1x1x8x128xf32, #tpu.memory_space<hbm>>
    %dma_start3A_425 = tpu.memref_squeeze %dma_start3A_424 : memref<1x1x1x8x128xf32, #tpu.memory_space<hbm>> -> memref<8x128xf32, #tpu.memory_space<hbm>>
    %dma_start3A_426 = arith.constant 0 : i32
    %dma_start3A_427 = arith.constant 0 : i32
    %dma_start3A_428 = tpu.memref_slice %arg4[%select_n3A_395, %dma_start3A_417, %rem3A_397, %dma_start3A_426, %dma_start3A_427] : memref<200x4x32x8x128xf32, #tpu.memory_space<hbm>> -> memref<1x1x1x8x128xf32, #tpu.memory_space<hbm>>
    %dma_start3A_429 = tpu.memref_squeeze %dma_start3A_428 : memref<1x1x1x8x128xf32, #tpu.memory_space<hbm>> -> memref<8x128xf32, #tpu.memory_space<hbm>>
    %dma_start3A_430 = arith.constant 0 : i32
    %dma_start3A_431 = arith.constant 0 : i32
    %dma_start3A_432 = tpu.memref_slice %arg8[%dma_start3A_416, %dma_start3A_430, %dma_start3A_431] : memref<4x8x128xf32, #tpu.memory_space<vmem>> -> memref<1x8x128xf32, #tpu.memory_space<vmem>>
    %dma_start3A_433 = tpu.memref_squeeze %dma_start3A_432 : memref<1x8x128xf32, #tpu.memory_space<vmem>> -> memref<8x128xf32, #tpu.memory_space<vmem>>
    tpu.enqueue_dma source(%dma_start3A_433 : memref<8x128xf32, #tpu.memory_space<vmem>>) target(%dma_start3A_429 : memref<8x128xf32, #tpu.memory_space<hbm>>) target_semaphore(%arg12 : memref<!tpu.dma_semaphore, #tpu.memory_space<semaphore_mem>>)
    %dma_start3A_434 = arith.constant 2 : i32
    %dma_start3A_435 = arith.constant 2 : i32
    %dma_start3A_436 = arith.constant 0 : i32
    %dma_start3A_437 = arith.constant 0 : i32
    %dma_start3A_438 = tpu.memref_slice %arg8[%dma_start3A_434, %dma_start3A_436, %dma_start3A_437] : memref<4x8x128xf32, #tpu.memory_space<vmem>> -> memref<1x8x128xf32, #tpu.memory_space<vmem>>
    %dma_start3A_439 = tpu.memref_squeeze %dma_start3A_438 : memref<1x8x128xf32, #tpu.memory_space<vmem>> -> memref<8x128xf32, #tpu.memory_space<vmem>>
    %dma_start3A_440 = arith.constant 0 : i32
    %dma_start3A_441 = arith.constant 0 : i32
    %dma_start3A_442 = tpu.memref_slice %arg4[%select_n3A_395, %dma_start3A_435, %rem3A_397, %dma_start3A_440, %dma_start3A_441] : memref<200x4x32x8x128xf32, #tpu.memory_space<hbm>> -> memref<1x1x1x8x128xf32, #tpu.memory_space<hbm>>
    %dma_start3A_443 = tpu.memref_squeeze %dma_start3A_442 : memref<1x1x1x8x128xf32, #tpu.memory_space<hbm>> -> memref<8x128xf32, #tpu.memory_space<hbm>>
    %dma_start3A_444 = arith.constant 0 : i32
    %dma_start3A_445 = arith.constant 0 : i32
    %dma_start3A_446 = tpu.memref_slice %arg4[%select_n3A_395, %dma_start3A_435, %rem3A_397, %dma_start3A_444, %dma_start3A_445] : memref<200x4x32x8x128xf32, #tpu.memory_space<hbm>> -> memref<1x1x1x8x128xf32, #tpu.memory_space<hbm>>
    %dma_start3A_447 = tpu.memref_squeeze %dma_start3A_446 : memref<1x1x1x8x128xf32, #tpu.memory_space<hbm>> -> memref<8x128xf32, #tpu.memory_space<hbm>>
    %dma_start3A_448 = arith.constant 0 : i32
    %dma_start3A_449 = arith.constant 0 : i32
    %dma_start3A_450 = tpu.memref_slice %arg8[%dma_start3A_434, %dma_start3A_448, %dma_start3A_449] : memref<4x8x128xf32, #tpu.memory_space<vmem>> -> memref<1x8x128xf32, #tpu.memory_space<vmem>>
    %dma_start3A_451 = tpu.memref_squeeze %dma_start3A_450 : memref<1x8x128xf32, #tpu.memory_space<vmem>> -> memref<8x128xf32, #tpu.memory_space<vmem>>
    tpu.enqueue_dma source(%dma_start3A_451 : memref<8x128xf32, #tpu.memory_space<vmem>>) target(%dma_start3A_447 : memref<8x128xf32, #tpu.memory_space<hbm>>) target_semaphore(%arg12 : memref<!tpu.dma_semaphore, #tpu.memory_space<semaphore_mem>>)
    %dma_start3A_452 = arith.constant 3 : i32
    %dma_start3A_453 = arith.constant 3 : i32
    %dma_start3A_454 = arith.constant 0 : i32
    %dma_start3A_455 = arith.constant 0 : i32
    %dma_start3A_456 = tpu.memref_slice %arg8[%dma_start3A_452, %dma_start3A_454, %dma_start3A_455] : memref<4x8x128xf32, #tpu.memory_space<vmem>> -> memref<1x8x128xf32, #tpu.memory_space<vmem>>
    %dma_start3A_457 = tpu.memref_squeeze %dma_start3A_456 : memref<1x8x128xf32, #tpu.memory_space<vmem>> -> memref<8x128xf32, #tpu.memory_space<vmem>>
    %dma_start3A_458 = arith.constant 0 : i32
    %dma_start3A_459 = arith.constant 0 : i32
    %dma_start3A_460 = tpu.memref_slice %arg4[%select_n3A_395, %dma_start3A_453, %rem3A_397, %dma_start3A_458, %dma_start3A_459] : memref<200x4x32x8x128xf32, #tpu.memory_space<hbm>> -> memref<1x1x1x8x128xf32, #tpu.memory_space<hbm>>
    %dma_start3A_461 = tpu.memref_squeeze %dma_start3A_460 : memref<1x1x1x8x128xf32, #tpu.memory_space<hbm>> -> memref<8x128xf32, #tpu.memory_space<hbm>>
    %dma_start3A_462 = arith.constant 0 : i32
    %dma_start3A_463 = arith.constant 0 : i32
    %dma_start3A_464 = tpu.memref_slice %arg4[%select_n3A_395, %dma_start3A_453, %rem3A_397, %dma_start3A_462, %dma_start3A_463] : memref<200x4x32x8x128xf32, #tpu.memory_space<hbm>> -> memref<1x1x1x8x128xf32, #tpu.memory_space<hbm>>
    %dma_start3A_465 = tpu.memref_squeeze %dma_start3A_464 : memref<1x1x1x8x128xf32, #tpu.memory_space<hbm>> -> memref<8x128xf32, #tpu.memory_space<hbm>>
    %dma_start3A_466 = arith.constant 0 : i32
    %dma_start3A_467 = arith.constant 0 : i32
    %dma_start3A_468 = tpu.memref_slice %arg8[%dma_start3A_452, %dma_start3A_466, %dma_start3A_467] : memref<4x8x128xf32, #tpu.memory_space<vmem>> -> memref<1x8x128xf32, #tpu.memory_space<vmem>>
    %dma_start3A_469 = tpu.memref_squeeze %dma_start3A_468 : memref<1x8x128xf32, #tpu.memory_space<vmem>> -> memref<8x128xf32, #tpu.memory_space<vmem>>
    tpu.enqueue_dma source(%dma_start3A_469 : memref<8x128xf32, #tpu.memory_space<vmem>>) target(%dma_start3A_465 : memref<8x128xf32, #tpu.memory_space<hbm>>) target_semaphore(%arg12 : memref<!tpu.dma_semaphore, #tpu.memory_space<semaphore_mem>>)
    %dma_wait3A_470 = arith.constant 25472 : i32
    %dma_wait3A_471 = tpu.memref_slice %arg5[%dma_wait3A_470] : memref<25600xi32, #tpu.memory_space<vmem>> -> memref<128xi32, #tpu.memory_space<vmem>>
    %dma_wait3A_472 = arith.constant 0 : i32
    %dma_wait3A_473 = arith.constant 0 : i32
    %dma_wait3A_474 = tpu.memref_slice %arg3[%dma_wait3A_472, %dma_wait3A_473] : memref<1000000x32xf32, #tpu.memory_space<hbm>> -> memref<1000000x32xf32, #tpu.memory_space<hbm>>
    tpu.wait_indirect_dma semaphore(%arg11 : memref<!tpu.dma_semaphore, #tpu.memory_space<semaphore_mem>>) src(%dma_wait3A_474 : memref<1000000x32xf32, #tpu.memory_space<hbm>>) dst(%arg7 : memref<128x32xf32, #tpu.memory_space<vmem>>)
    %add3A_475 = arith.constant 197 : i32
    %add3A_476 = arith.addi %mul3A_2, %add3A_475 : i32
    %jit3A_477 = arith.constant 32 : i32
    %div3A_478 = arith.divsi %add3A_476, %jit3A_477 : i32
    %sign3A_479 = arith.constant 0 : i32
    %sign3A_480 = arith.cmpi sgt, %add3A_476, %sign3A_479 : i32
    %sign3A_481 = arith.extui %sign3A_480 : i1 to i32
    %sign3A_482 = arith.constant 0 : i32
    %sign3A_483 = arith.cmpi slt, %add3A_476, %sign3A_482 : i32
    %sign3A_484 = arith.extui %sign3A_483 : i1 to i32
    %sign3A_485 = arith.subi %sign3A_481, %sign3A_484 : i32
    %sign3A_486 = arith.constant 0 : i32
    %sign3A_487 = arith.cmpi sgt, %jit3A_477, %sign3A_486 : i32
    %sign3A_488 = arith.extui %sign3A_487 : i1 to i32
    %sign3A_489 = arith.constant 0 : i32
    %sign3A_490 = arith.cmpi slt, %jit3A_477, %sign3A_489 : i32
    %sign3A_491 = arith.extui %sign3A_490 : i1 to i32
    %sign3A_492 = arith.subi %sign3A_488, %sign3A_491 : i32
    %ne3A_493 = arith.cmpi ne, %sign3A_485, %sign3A_492 : i32
    %rem3A_494 = arith.remsi %add3A_476, %jit3A_477 : i32
    %ne3A_495 = arith.constant 0 : i32
    %ne3A_496 = arith.cmpi ne, %rem3A_494, %ne3A_495 : i32
    %and3A_497 = arith.andi %ne3A_493, %ne3A_496 : i1
    %sub3A_498 = arith.constant 1 : i32
    %sub3A_499 = arith.subi %div3A_478, %sub3A_498 : i32
    %select_n3A_500 = arith.select %and3A_497, %sub3A_499, %div3A_478 : i32
    %rem3A_501 = arith.constant 32 : i32
    %rem3A_502 = arith.remsi %add3A_476, %rem3A_501 : i32
    %dma_wait3A_503 = arith.constant 0 : i32
    %dma_wait3A_504 = arith.constant 0 : i32
    %dma_wait3A_505 = arith.constant 0 : i32
    %dma_wait3A_506 = arith.constant 0 : i32
    %dma_wait3A_507 = tpu.memref_slice %arg9[%dma_wait3A_503, %dma_wait3A_505, %dma_wait3A_506] : memref<4x8x128xf32, #tpu.memory_space<vmem>> -> memref<1x8x128xf32, #tpu.memory_space<vmem>>
    %dma_wait3A_508 = tpu.memref_squeeze %dma_wait3A_507 : memref<1x8x128xf32, #tpu.memory_space<vmem>> -> memref<8x128xf32, #tpu.memory_space<vmem>>
    %dma_wait3A_509 = arith.constant 0 : i32
    %dma_wait3A_510 = arith.constant 0 : i32
    %dma_wait3A_511 = tpu.memref_slice %arg4[%select_n3A_500, %dma_wait3A_504, %rem3A_502, %dma_wait3A_509, %dma_wait3A_510] : memref<200x4x32x8x128xf32, #tpu.memory_space<hbm>> -> memref<1x1x1x8x128xf32, #tpu.memory_space<hbm>>
    %dma_wait3A_512 = tpu.memref_squeeze %dma_wait3A_511 : memref<1x1x1x8x128xf32, #tpu.memory_space<hbm>> -> memref<8x128xf32, #tpu.memory_space<hbm>>
    %dma_wait3A_513 = arith.constant 0 : i32
    %dma_wait3A_514 = arith.constant 0 : i32
    %dma_wait3A_515 = tpu.memref_slice %arg4[%select_n3A_500, %dma_wait3A_504, %rem3A_502, %dma_wait3A_513, %dma_wait3A_514] : memref<200x4x32x8x128xf32, #tpu.memory_space<hbm>> -> memref<1x1x1x8x128xf32, #tpu.memory_space<hbm>>
    %dma_wait3A_516 = tpu.memref_squeeze %dma_wait3A_515 : memref<1x1x1x8x128xf32, #tpu.memory_space<hbm>> -> memref<8x128xf32, #tpu.memory_space<hbm>>
    %dma_wait3A_517 = arith.constant 0 : i32
    %dma_wait3A_518 = arith.constant 0 : i32
    %dma_wait3A_519 = tpu.memref_slice %arg9[%dma_wait3A_503, %dma_wait3A_517, %dma_wait3A_518] : memref<4x8x128xf32, #tpu.memory_space<vmem>> -> memref<1x8x128xf32, #tpu.memory_space<vmem>>
    %dma_wait3A_520 = tpu.memref_squeeze %dma_wait3A_519 : memref<1x8x128xf32, #tpu.memory_space<vmem>> -> memref<8x128xf32, #tpu.memory_space<vmem>>
    tpu.wait_dma2 semaphore(%arg13 : memref<!tpu.dma_semaphore, #tpu.memory_space<semaphore_mem>>) src(%dma_wait3A_520 : memref<8x128xf32, #tpu.memory_space<vmem>>) dst(%dma_wait3A_516 : memref<8x128xf32, #tpu.memory_space<hbm>>)
    %dma_wait3A_521 = arith.constant 1 : i32
    %dma_wait3A_522 = arith.constant 1 : i32
    %dma_wait3A_523 = arith.constant 0 : i32
    %dma_wait3A_524 = arith.constant 0 : i32
    %dma_wait3A_525 = tpu.memref_slice %arg9[%dma_wait3A_521, %dma_wait3A_523, %dma_wait3A_524] : memref<4x8x128xf32, #tpu.memory_space<vmem>> -> memref<1x8x128xf32, #tpu.memory_space<vmem>>
    %dma_wait3A_526 = tpu.memref_squeeze %dma_wait3A_525 : memref<1x8x128xf32, #tpu.memory_space<vmem>> -> memref<8x128xf32, #tpu.memory_space<vmem>>
    %dma_wait3A_527 = arith.constant 0 : i32
    %dma_wait3A_528 = arith.constant 0 : i32
    %dma_wait3A_529 = tpu.memref_slice %arg4[%select_n3A_500, %dma_wait3A_522, %rem3A_502, %dma_wait3A_527, %dma_wait3A_528] : memref<200x4x32x8x128xf32, #tpu.memory_space<hbm>> -> memref<1x1x1x8x128xf32, #tpu.memory_space<hbm>>
    %dma_wait3A_530 = tpu.memref_squeeze %dma_wait3A_529 : memref<1x1x1x8x128xf32, #tpu.memory_space<hbm>> -> memref<8x128xf32, #tpu.memory_space<hbm>>
    %dma_wait3A_531 = arith.constant 0 : i32
    %dma_wait3A_532 = arith.constant 0 : i32
    %dma_wait3A_533 = tpu.memref_slice %arg4[%select_n3A_500, %dma_wait3A_522, %rem3A_502, %dma_wait3A_531, %dma_wait3A_532] : memref<200x4x32x8x128xf32, #tpu.memory_space<hbm>> -> memref<1x1x1x8x128xf32, #tpu.memory_space<hbm>>
    %dma_wait3A_534 = tpu.memref_squeeze %dma_wait3A_533 : memref<1x1x1x8x128xf32, #tpu.memory_space<hbm>> -> memref<8x128xf32, #tpu.memory_space<hbm>>
    %dma_wait3A_535 = arith.constant 0 : i32
    %dma_wait3A_536 = arith.constant 0 : i32
    %dma_wait3A_537 = tpu.memref_slice %arg9[%dma_wait3A_521, %dma_wait3A_535, %dma_wait3A_536] : memref<4x8x128xf32, #tpu.memory_space<vmem>> -> memref<1x8x128xf32, #tpu.memory_space<vmem>>
    %dma_wait3A_538 = tpu.memref_squeeze %dma_wait3A_537 : memref<1x8x128xf32, #tpu.memory_space<vmem>> -> memref<8x128xf32, #tpu.memory_space<vmem>>
    tpu.wait_dma2 semaphore(%arg13 : memref<!tpu.dma_semaphore, #tpu.memory_space<semaphore_mem>>) src(%dma_wait3A_538 : memref<8x128xf32, #tpu.memory_space<vmem>>) dst(%dma_wait3A_534 : memref<8x128xf32, #tpu.memory_space<hbm>>)
    %dma_wait3A_539 = arith.constant 2 : i32
    %dma_wait3A_540 = arith.constant 2 : i32
    %dma_wait3A_541 = arith.constant 0 : i32
    %dma_wait3A_542 = arith.constant 0 : i32
    %dma_wait3A_543 = tpu.memref_slice %arg9[%dma_wait3A_539, %dma_wait3A_541, %dma_wait3A_542] : memref<4x8x128xf32, #tpu.memory_space<vmem>> -> memref<1x8x128xf32, #tpu.memory_space<vmem>>
    %dma_wait3A_544 = tpu.memref_squeeze %dma_wait3A_543 : memref<1x8x128xf32, #tpu.memory_space<vmem>> -> memref<8x128xf32, #tpu.memory_space<vmem>>
    %dma_wait3A_545 = arith.constant 0 : i32
    %dma_wait3A_546 = arith.constant 0 : i32
    %dma_wait3A_547 = tpu.memref_slice %arg4[%select_n3A_500, %dma_wait3A_540, %rem3A_502, %dma_wait3A_545, %dma_wait3A_546] : memref<200x4x32x8x128xf32, #tpu.memory_space<hbm>> -> memref<1x1x1x8x128xf32, #tpu.memory_space<hbm>>
    %dma_wait3A_548 = tpu.memref_squeeze %dma_wait3A_547 : memref<1x1x1x8x128xf32, #tpu.memory_space<hbm>> -> memref<8x128xf32, #tpu.memory_space<hbm>>
    %dma_wait3A_549 = arith.constant 0 : i32
    %dma_wait3A_550 = arith.constant 0 : i32
    %dma_wait3A_551 = tpu.memref_slice %arg4[%select_n3A_500, %dma_wait3A_540, %rem3A_502, %dma_wait3A_549, %dma_wait3A_550] : memref<200x4x32x8x128xf32, #tpu.memory_space<hbm>> -> memref<1x1x1x8x128xf32, #tpu.memory_space<hbm>>
    %dma_wait3A_552 = tpu.memref_squeeze %dma_wait3A_551 : memref<1x1x1x8x128xf32, #tpu.memory_space<hbm>> -> memref<8x128xf32, #tpu.memory_space<hbm>>
    %dma_wait3A_553 = arith.constant 0 : i32
    %dma_wait3A_554 = arith.constant 0 : i32
    %dma_wait3A_555 = tpu.memref_slice %arg9[%dma_wait3A_539, %dma_wait3A_553, %dma_wait3A_554] : memref<4x8x128xf32, #tpu.memory_space<vmem>> -> memref<1x8x128xf32, #tpu.memory_space<vmem>>
    %dma_wait3A_556 = tpu.memref_squeeze %dma_wait3A_555 : memref<1x8x128xf32, #tpu.memory_space<vmem>> -> memref<8x128xf32, #tpu.memory_space<vmem>>
    tpu.wait_dma2 semaphore(%arg13 : memref<!tpu.dma_semaphore, #tpu.memory_space<semaphore_mem>>) src(%dma_wait3A_556 : memref<8x128xf32, #tpu.memory_space<vmem>>) dst(%dma_wait3A_552 : memref<8x128xf32, #tpu.memory_space<hbm>>)
    %dma_wait3A_557 = arith.constant 3 : i32
    %dma_wait3A_558 = arith.constant 3 : i32
    %dma_wait3A_559 = arith.constant 0 : i32
    %dma_wait3A_560 = arith.constant 0 : i32
    %dma_wait3A_561 = tpu.memref_slice %arg9[%dma_wait3A_557, %dma_wait3A_559, %dma_wait3A_560] : memref<4x8x128xf32, #tpu.memory_space<vmem>> -> memref<1x8x128xf32, #tpu.memory_space<vmem>>
    %dma_wait3A_562 = tpu.memref_squeeze %dma_wait3A_561 : memref<1x8x128xf32, #tpu.memory_space<vmem>> -> memref<8x128xf32, #tpu.memory_space<vmem>>
    %dma_wait3A_563 = arith.constant 0 : i32
    %dma_wait3A_564 = arith.constant 0 : i32
    %dma_wait3A_565 = tpu.memref_slice %arg4[%select_n3A_500, %dma_wait3A_558, %rem3A_502, %dma_wait3A_563, %dma_wait3A_564] : memref<200x4x32x8x128xf32, #tpu.memory_space<hbm>> -> memref<1x1x1x8x128xf32, #tpu.memory_space<hbm>>
    %dma_wait3A_566 = tpu.memref_squeeze %dma_wait3A_565 : memref<1x1x1x8x128xf32, #tpu.memory_space<hbm>> -> memref<8x128xf32, #tpu.memory_space<hbm>>
    %dma_wait3A_567 = arith.constant 0 : i32
    %dma_wait3A_568 = arith.constant 0 : i32
    %dma_wait3A_569 = tpu.memref_slice %arg4[%select_n3A_500, %dma_wait3A_558, %rem3A_502, %dma_wait3A_567, %dma_wait3A_568] : memref<200x4x32x8x128xf32, #tpu.memory_space<hbm>> -> memref<1x1x1x8x128xf32, #tpu.memory_space<hbm>>
    %dma_wait3A_570 = tpu.memref_squeeze %dma_wait3A_569 : memref<1x1x1x8x128xf32, #tpu.memory_space<hbm>> -> memref<8x128xf32, #tpu.memory_space<hbm>>
    %dma_wait3A_571 = arith.constant 0 : i32
    %dma_wait3A_572 = arith.constant 0 : i32
    %dma_wait3A_573 = tpu.memref_slice %arg9[%dma_wait3A_557, %dma_wait3A_571, %dma_wait3A_572] : memref<4x8x128xf32, #tpu.memory_space<vmem>> -> memref<1x8x128xf32, #tpu.memory_space<vmem>>
    %dma_wait3A_574 = tpu.memref_squeeze %dma_wait3A_573 : memref<1x8x128xf32, #tpu.memory_space<vmem>> -> memref<8x128xf32, #tpu.memory_space<vmem>>
    tpu.wait_dma2 semaphore(%arg13 : memref<!tpu.dma_semaphore, #tpu.memory_space<semaphore_mem>>) src(%dma_wait3A_574 : memref<8x128xf32, #tpu.memory_space<vmem>>) dst(%dma_wait3A_570 : memref<8x128xf32, #tpu.memory_space<hbm>>)
    %scan3A_575 = arith.constant 0 : i32
    %scan3A_576 = arith.constant 0 : i32
    %scan3A_577 = arith.constant 128 : i32
    %scan3A_578 = arith.addi %scan3A_576, %scan3A_577 : i32
    %scan3A_579 = arith.constant 4 : i32
    scf.for %scan3A_881 = %scan3A_576 to %scan3A_578 step %scan3A_579  : i32 {
      %add3A_882 = vector.broadcast %scan3A_881 : i32 to vector<16xi32>
      %add3A_883 = arith.addi %mul3A_7, %add3A_882 : vector<16xi32>
      %gather3A = tpu.vector_load_idx %arg7[%add3A_883, %iota3A] : memref<128x32xf32, #tpu.memory_space<vmem>>[vector<16xi32>, vector<16xi32>], vector<16xf32>,
      %gather3A_884 = tpu.vector_load_idx %arg7[%add3A_883, %add3A_14] : memref<128x32xf32, #tpu.memory_space<vmem>>[vector<16xi32>, vector<16xi32>], vector<16xf32>,
      tpu.vector_store_idx %arg9[%shift_right_logical3A_9, %and3A_11, %add3A_883], %gather3A : memref<4x8x128xf32, #tpu.memory_space<vmem>>[vector<16xi32>, vector<16xi32>, vector<16xi32>], vector<16xf32>,
      tpu.vector_store_idx %arg9[%shift_right_logical3A_17, %and3A_20, %add3A_883], %gather3A_884 : memref<4x8x128xf32, #tpu.memory_space<vmem>>[vector<16xi32>, vector<16xi32>, vector<16xi32>], vector<16xf32>,
      %scan3A_885 = arith.constant 1 : i32
      %scan3A_886 = arith.addi %scan3A_881, %scan3A_885 : i32
      %add3A_887 = vector.broadcast %scan3A_886 : i32 to vector<16xi32>
      %add3A_888 = arith.addi %mul3A_7, %add3A_887 : vector<16xi32>
      %gather3A_889 = tpu.vector_load_idx %arg7[%add3A_888, %iota3A] : memref<128x32xf32, #tpu.memory_space<vmem>>[vector<16xi32>, vector<16xi32>], vector<16xf32>,
      %gather3A_890 = tpu.vector_load_idx %arg7[%add3A_888, %add3A_14] : memref<128x32xf32, #tpu.memory_space<vmem>>[vector<16xi32>, vector<16xi32>], vector<16xf32>,
      tpu.vector_store_idx %arg9[%shift_right_logical3A_9, %and3A_11, %add3A_888], %gather3A_889 : memref<4x8x128xf32, #tpu.memory_space<vmem>>[vector<16xi32>, vector<16xi32>, vector<16xi32>], vector<16xf32>,
      tpu.vector_store_idx %arg9[%shift_right_logical3A_17, %and3A_20, %add3A_888], %gather3A_890 : memref<4x8x128xf32, #tpu.memory_space<vmem>>[vector<16xi32>, vector<16xi32>, vector<16xi32>], vector<16xf32>,
      %scan3A_891 = arith.constant 2 : i32
      %scan3A_892 = arith.addi %scan3A_881, %scan3A_891 : i32
      %add3A_893 = vector.broadcast %scan3A_892 : i32 to vector<16xi32>
      %add3A_894 = arith.addi %mul3A_7, %add3A_893 : vector<16xi32>
      %gather3A_895 = tpu.vector_load_idx %arg7[%add3A_894, %iota3A] : memref<128x32xf32, #tpu.memory_space<vmem>>[vector<16xi32>, vector<16xi32>], vector<16xf32>,
      %gather3A_896 = tpu.vector_load_idx %arg7[%add3A_894, %add3A_14] : memref<128x32xf32, #tpu.memory_space<vmem>>[vector<16xi32>, vector<16xi32>], vector<16xf32>,
      tpu.vector_store_idx %arg9[%shift_right_logical3A_9, %and3A_11, %add3A_894], %gather3A_895 : memref<4x8x128xf32, #tpu.memory_space<vmem>>[vector<16xi32>, vector<16xi32>, vector<16xi32>], vector<16xf32>,
      tpu.vector_store_idx %arg9[%shift_right_logical3A_17, %and3A_20, %add3A_894], %gather3A_896 : memref<4x8x128xf32, #tpu.memory_space<vmem>>[vector<16xi32>, vector<16xi32>, vector<16xi32>], vector<16xf32>,
      %scan3A_897 = arith.constant 3 : i32
      %scan3A_898 = arith.addi %scan3A_881, %scan3A_897 : i32
      %add3A_899 = vector.broadcast %scan3A_898 : i32 to vector<16xi32>
      %add3A_900 = arith.addi %mul3A_7, %add3A_899 : vector<16xi32>
      %gather3A_901 = tpu.vector_load_idx %arg7[%add3A_900, %iota3A] : memref<128x32xf32, #tpu.memory_space<vmem>>[vector<16xi32>, vector<16xi32>], vector<16xf32>,
      %gather3A_902 = tpu.vector_load_idx %arg7[%add3A_900, %add3A_14] : memref<128x32xf32, #tpu.memory_space<vmem>>[vector<16xi32>, vector<16xi32>], vector<16xf32>,
      tpu.vector_store_idx %arg9[%shift_right_logical3A_9, %and3A_11, %add3A_900], %gather3A_901 : memref<4x8x128xf32, #tpu.memory_space<vmem>>[vector<16xi32>, vector<16xi32>, vector<16xi32>], vector<16xf32>,
      tpu.vector_store_idx %arg9[%shift_right_logical3A_17, %and3A_20, %add3A_900], %gather3A_902 : memref<4x8x128xf32, #tpu.memory_space<vmem>>[vector<16xi32>, vector<16xi32>, vector<16xi32>], vector<16xf32>,
    }
    %scan3A_580 = arith.constant 128 : i32
    %add3A_581 = arith.constant 199 : i32
    %add3A_582 = arith.addi %mul3A_2, %add3A_581 : i32
    %jit3A_583 = arith.constant 32 : i32
    %div3A_584 = arith.divsi %add3A_582, %jit3A_583 : i32
    %sign3A_585 = arith.constant 0 : i32
    %sign3A_586 = arith.cmpi sgt, %add3A_582, %sign3A_585 : i32
    %sign3A_587 = arith.extui %sign3A_586 : i1 to i32
    %sign3A_588 = arith.constant 0 : i32
    %sign3A_589 = arith.cmpi slt, %add3A_582, %sign3A_588 : i32
    %sign3A_590 = arith.extui %sign3A_589 : i1 to i32
    %sign3A_591 = arith.subi %sign3A_587, %sign3A_590 : i32
    %sign3A_592 = arith.constant 0 : i32
    %sign3A_593 = arith.cmpi sgt, %jit3A_583, %sign3A_592 : i32
    %sign3A_594 = arith.extui %sign3A_593 : i1 to i32
    %sign3A_595 = arith.constant 0 : i32
    %sign3A_596 = arith.cmpi slt, %jit3A_583, %sign3A_595 : i32
    %sign3A_597 = arith.extui %sign3A_596 : i1 to i32
    %sign3A_598 = arith.subi %sign3A_594, %sign3A_597 : i32
    %ne3A_599 = arith.cmpi ne, %sign3A_591, %sign3A_598 : i32
    %rem3A_600 = arith.remsi %add3A_582, %jit3A_583 : i32
    %ne3A_601 = arith.constant 0 : i32
    %ne3A_602 = arith.cmpi ne, %rem3A_600, %ne3A_601 : i32
    %and3A_603 = arith.andi %ne3A_599, %ne3A_602 : i1
    %sub3A_604 = arith.constant 1 : i32
    %sub3A_605 = arith.subi %div3A_584, %sub3A_604 : i32
    %select_n3A_606 = arith.select %and3A_603, %sub3A_605, %div3A_584 : i32
    %rem3A_607 = arith.constant 32 : i32
    %rem3A_608 = arith.remsi %add3A_582, %rem3A_607 : i32
    %dma_start3A_609 = arith.constant 0 : i32
    %dma_start3A_610 = arith.constant 0 : i32
    %dma_start3A_611 = arith.constant 0 : i32
    %dma_start3A_612 = arith.constant 0 : i32
    %dma_start3A_613 = tpu.memref_slice %arg9[%dma_start3A_609, %dma_start3A_611, %dma_start3A_612] : memref<4x8x128xf32, #tpu.memory_space<vmem>> -> memref<1x8x128xf32, #tpu.memory_space<vmem>>
    %dma_start3A_614 = tpu.memref_squeeze %dma_start3A_613 : memref<1x8x128xf32, #tpu.memory_space<vmem>> -> memref<8x128xf32, #tpu.memory_space<vmem>>
    %dma_start3A_615 = arith.constant 0 : i32
    %dma_start3A_616 = arith.constant 0 : i32
    %dma_start3A_617 = tpu.memref_slice %arg4[%select_n3A_606, %dma_start3A_610, %rem3A_608, %dma_start3A_615, %dma_start3A_616] : memref<200x4x32x8x128xf32, #tpu.memory_space<hbm>> -> memref<1x1x1x8x128xf32, #tpu.memory_space<hbm>>
    %dma_start3A_618 = tpu.memref_squeeze %dma_start3A_617 : memref<1x1x1x8x128xf32, #tpu.memory_space<hbm>> -> memref<8x128xf32, #tpu.memory_space<hbm>>
    %dma_start3A_619 = arith.constant 0 : i32
    %dma_start3A_620 = arith.constant 0 : i32
    %dma_start3A_621 = tpu.memref_slice %arg4[%select_n3A_606, %dma_start3A_610, %rem3A_608, %dma_start3A_619, %dma_start3A_620] : memref<200x4x32x8x128xf32, #tpu.memory_space<hbm>> -> memref<1x1x1x8x128xf32, #tpu.memory_space<hbm>>
    %dma_start3A_622 = tpu.memref_squeeze %dma_start3A_621 : memref<1x1x1x8x128xf32, #tpu.memory_space<hbm>> -> memref<8x128xf32, #tpu.memory_space<hbm>>
    %dma_start3A_623 = arith.constant 0 : i32
    %dma_start3A_624 = arith.constant 0 : i32
    %dma_start3A_625 = tpu.memref_slice %arg9[%dma_start3A_609, %dma_start3A_623, %dma_start3A_624] : memref<4x8x128xf32, #tpu.memory_space<vmem>> -> memref<1x8x128xf32, #tpu.memory_space<vmem>>
    %dma_start3A_626 = tpu.memref_squeeze %dma_start3A_625 : memref<1x8x128xf32, #tpu.memory_space<vmem>> -> memref<8x128xf32, #tpu.memory_space<vmem>>
    tpu.enqueue_dma source(%dma_start3A_626 : memref<8x128xf32, #tpu.memory_space<vmem>>) target(%dma_start3A_622 : memref<8x128xf32, #tpu.memory_space<hbm>>) target_semaphore(%arg13 : memref<!tpu.dma_semaphore, #tpu.memory_space<semaphore_mem>>)
    %dma_start3A_627 = arith.constant 1 : i32
    %dma_start3A_628 = arith.constant 1 : i32
    %dma_start3A_629 = arith.constant 0 : i32
    %dma_start3A_630 = arith.constant 0 : i32
    %dma_start3A_631 = tpu.memref_slice %arg9[%dma_start3A_627, %dma_start3A_629, %dma_start3A_630] : memref<4x8x128xf32, #tpu.memory_space<vmem>> -> memref<1x8x128xf32, #tpu.memory_space<vmem>>
    %dma_start3A_632 = tpu.memref_squeeze %dma_start3A_631 : memref<1x8x128xf32, #tpu.memory_space<vmem>> -> memref<8x128xf32, #tpu.memory_space<vmem>>
    %dma_start3A_633 = arith.constant 0 : i32
    %dma_start3A_634 = arith.constant 0 : i32
    %dma_start3A_635 = tpu.memref_slice %arg4[%select_n3A_606, %dma_start3A_628, %rem3A_608, %dma_start3A_633, %dma_start3A_634] : memref<200x4x32x8x128xf32, #tpu.memory_space<hbm>> -> memref<1x1x1x8x128xf32, #tpu.memory_space<hbm>>
    %dma_start3A_636 = tpu.memref_squeeze %dma_start3A_635 : memref<1x1x1x8x128xf32, #tpu.memory_space<hbm>> -> memref<8x128xf32, #tpu.memory_space<hbm>>
    %dma_start3A_637 = arith.constant 0 : i32
    %dma_start3A_638 = arith.constant 0 : i32
    %dma_start3A_639 = tpu.memref_slice %arg4[%select_n3A_606, %dma_start3A_628, %rem3A_608, %dma_start3A_637, %dma_start3A_638] : memref<200x4x32x8x128xf32, #tpu.memory_space<hbm>> -> memref<1x1x1x8x128xf32, #tpu.memory_space<hbm>>
    %dma_start3A_640 = tpu.memref_squeeze %dma_start3A_639 : memref<1x1x1x8x128xf32, #tpu.memory_space<hbm>> -> memref<8x128xf32, #tpu.memory_space<hbm>>
    %dma_start3A_641 = arith.constant 0 : i32
    %dma_start3A_642 = arith.constant 0 : i32
    %dma_start3A_643 = tpu.memref_slice %arg9[%dma_start3A_627, %dma_start3A_641, %dma_start3A_642] : memref<4x8x128xf32, #tpu.memory_space<vmem>> -> memref<1x8x128xf32, #tpu.memory_space<vmem>>
    %dma_start3A_644 = tpu.memref_squeeze %dma_start3A_643 : memref<1x8x128xf32, #tpu.memory_space<vmem>> -> memref<8x128xf32, #tpu.memory_space<vmem>>
    tpu.enqueue_dma source(%dma_start3A_644 : memref<8x128xf32, #tpu.memory_space<vmem>>) target(%dma_start3A_640 : memref<8x128xf32, #tpu.memory_space<hbm>>) target_semaphore(%arg13 : memref<!tpu.dma_semaphore, #tpu.memory_space<semaphore_mem>>)
    %dma_start3A_645 = arith.constant 2 : i32
    %dma_start3A_646 = arith.constant 2 : i32
    %dma_start3A_647 = arith.constant 0 : i32
    %dma_start3A_648 = arith.constant 0 : i32
    %dma_start3A_649 = tpu.memref_slice %arg9[%dma_start3A_645, %dma_start3A_647, %dma_start3A_648] : memref<4x8x128xf32, #tpu.memory_space<vmem>> -> memref<1x8x128xf32, #tpu.memory_space<vmem>>
    %dma_start3A_650 = tpu.memref_squeeze %dma_start3A_649 : memref<1x8x128xf32, #tpu.memory_space<vmem>> -> memref<8x128xf32, #tpu.memory_space<vmem>>
    %dma_start3A_651 = arith.constant 0 : i32
    %dma_start3A_652 = arith.constant 0 : i32
    %dma_start3A_653 = tpu.memref_slice %arg4[%select_n3A_606, %dma_start3A_646, %rem3A_608, %dma_start3A_651, %dma_start3A_652] : memref<200x4x32x8x128xf32, #tpu.memory_space<hbm>> -> memref<1x1x1x8x128xf32, #tpu.memory_space<hbm>>
    %dma_start3A_654 = tpu.memref_squeeze %dma_start3A_653 : memref<1x1x1x8x128xf32, #tpu.memory_space<hbm>> -> memref<8x128xf32, #tpu.memory_space<hbm>>
    %dma_start3A_655 = arith.constant 0 : i32
    %dma_start3A_656 = arith.constant 0 : i32
    %dma_start3A_657 = tpu.memref_slice %arg4[%select_n3A_606, %dma_start3A_646, %rem3A_608, %dma_start3A_655, %dma_start3A_656] : memref<200x4x32x8x128xf32, #tpu.memory_space<hbm>> -> memref<1x1x1x8x128xf32, #tpu.memory_space<hbm>>
    %dma_start3A_658 = tpu.memref_squeeze %dma_start3A_657 : memref<1x1x1x8x128xf32, #tpu.memory_space<hbm>> -> memref<8x128xf32, #tpu.memory_space<hbm>>
    %dma_start3A_659 = arith.constant 0 : i32
    %dma_start3A_660 = arith.constant 0 : i32
    %dma_start3A_661 = tpu.memref_slice %arg9[%dma_start3A_645, %dma_start3A_659, %dma_start3A_660] : memref<4x8x128xf32, #tpu.memory_space<vmem>> -> memref<1x8x128xf32, #tpu.memory_space<vmem>>
    %dma_start3A_662 = tpu.memref_squeeze %dma_start3A_661 : memref<1x8x128xf32, #tpu.memory_space<vmem>> -> memref<8x128xf32, #tpu.memory_space<vmem>>
    tpu.enqueue_dma source(%dma_start3A_662 : memref<8x128xf32, #tpu.memory_space<vmem>>) target(%dma_start3A_658 : memref<8x128xf32, #tpu.memory_space<hbm>>) target_semaphore(%arg13 : memref<!tpu.dma_semaphore, #tpu.memory_space<semaphore_mem>>)
    %dma_start3A_663 = arith.constant 3 : i32
    %dma_start3A_664 = arith.constant 3 : i32
    %dma_start3A_665 = arith.constant 0 : i32
    %dma_start3A_666 = arith.constant 0 : i32
    %dma_start3A_667 = tpu.memref_slice %arg9[%dma_start3A_663, %dma_start3A_665, %dma_start3A_666] : memref<4x8x128xf32, #tpu.memory_space<vmem>> -> memref<1x8x128xf32, #tpu.memory_space<vmem>>
    %dma_start3A_668 = tpu.memref_squeeze %dma_start3A_667 : memref<1x8x128xf32, #tpu.memory_space<vmem>> -> memref<8x128xf32, #tpu.memory_space<vmem>>
    %dma_start3A_669 = arith.constant 0 : i32
    %dma_start3A_670 = arith.constant 0 : i32
    %dma_start3A_671 = tpu.memref_slice %arg4[%select_n3A_606, %dma_start3A_664, %rem3A_608, %dma_start3A_669, %dma_start3A_670] : memref<200x4x32x8x128xf32, #tpu.memory_space<hbm>> -> memref<1x1x1x8x128xf32, #tpu.memory_space<hbm>>
    %dma_start3A_672 = tpu.memref_squeeze %dma_start3A_671 : memref<1x1x1x8x128xf32, #tpu.memory_space<hbm>> -> memref<8x128xf32, #tpu.memory_space<hbm>>
    %dma_start3A_673 = arith.constant 0 : i32
    %dma_start3A_674 = arith.constant 0 : i32
    %dma_start3A_675 = tpu.memref_slice %arg4[%select_n3A_606, %dma_start3A_664, %rem3A_608, %dma_start3A_673, %dma_start3A_674] : memref<200x4x32x8x128xf32, #tpu.memory_space<hbm>> -> memref<1x1x1x8x128xf32, #tpu.memory_space<hbm>>
    %dma_start3A_676 = tpu.memref_squeeze %dma_start3A_675 : memref<1x1x1x8x128xf32, #tpu.memory_space<hbm>> -> memref<8x128xf32, #tpu.memory_space<hbm>>
    %dma_start3A_677 = arith.constant 0 : i32
    %dma_start3A_678 = arith.constant 0 : i32
    %dma_start3A_679 = tpu.memref_slice %arg9[%dma_start3A_663, %dma_start3A_677, %dma_start3A_678] : memref<4x8x128xf32, #tpu.memory_space<vmem>> -> memref<1x8x128xf32, #tpu.memory_space<vmem>>
    %dma_start3A_680 = tpu.memref_squeeze %dma_start3A_679 : memref<1x8x128xf32, #tpu.memory_space<vmem>> -> memref<8x128xf32, #tpu.memory_space<vmem>>
    tpu.enqueue_dma source(%dma_start3A_680 : memref<8x128xf32, #tpu.memory_space<vmem>>) target(%dma_start3A_676 : memref<8x128xf32, #tpu.memory_space<hbm>>) target_semaphore(%arg13 : memref<!tpu.dma_semaphore, #tpu.memory_space<semaphore_mem>>)
    %add3A_681 = arith.constant 198 : i32
    %add3A_682 = arith.addi %mul3A_2, %add3A_681 : i32
    %jit3A_683 = arith.constant 32 : i32
    %div3A_684 = arith.divsi %add3A_682, %jit3A_683 : i32
    %sign3A_685 = arith.constant 0 : i32
    %sign3A_686 = arith.cmpi sgt, %add3A_682, %sign3A_685 : i32
    %sign3A_687 = arith.extui %sign3A_686 : i1 to i32
    %sign3A_688 = arith.constant 0 : i32
    %sign3A_689 = arith.cmpi slt, %add3A_682, %sign3A_688 : i32
    %sign3A_690 = arith.extui %sign3A_689 : i1 to i32
    %sign3A_691 = arith.subi %sign3A_687, %sign3A_690 : i32
    %sign3A_692 = arith.constant 0 : i32
    %sign3A_693 = arith.cmpi sgt, %jit3A_683, %sign3A_692 : i32
    %sign3A_694 = arith.extui %sign3A_693 : i1 to i32
    %sign3A_695 = arith.constant 0 : i32
    %sign3A_696 = arith.cmpi slt, %jit3A_683, %sign3A_695 : i32
    %sign3A_697 = arith.extui %sign3A_696 : i1 to i32
    %sign3A_698 = arith.subi %sign3A_694, %sign3A_697 : i32
    %ne3A_699 = arith.cmpi ne, %sign3A_691, %sign3A_698 : i32
    %rem3A_700 = arith.remsi %add3A_682, %jit3A_683 : i32
    %ne3A_701 = arith.constant 0 : i32
    %ne3A_702 = arith.cmpi ne, %rem3A_700, %ne3A_701 : i32
    %and3A_703 = arith.andi %ne3A_699, %ne3A_702 : i1
    %sub3A_704 = arith.constant 1 : i32
    %sub3A_705 = arith.subi %div3A_684, %sub3A_704 : i32
    %select_n3A_706 = arith.select %and3A_703, %sub3A_705, %div3A_684 : i32
    %rem3A_707 = arith.constant 32 : i32
    %rem3A_708 = arith.remsi %add3A_682, %rem3A_707 : i32
    %dma_wait3A_709 = arith.constant 0 : i32
    %dma_wait3A_710 = arith.constant 0 : i32
    %dma_wait3A_711 = arith.constant 0 : i32
    %dma_wait3A_712 = arith.constant 0 : i32
    %dma_wait3A_713 = tpu.memref_slice %arg8[%dma_wait3A_709, %dma_wait3A_711, %dma_wait3A_712] : memref<4x8x128xf32, #tpu.memory_space<vmem>> -> memref<1x8x128xf32, #tpu.memory_space<vmem>>
    %dma_wait3A_714 = tpu.memref_squeeze %dma_wait3A_713 : memref<1x8x128xf32, #tpu.memory_space<vmem>> -> memref<8x128xf32, #tpu.memory_space<vmem>>
    %dma_wait3A_715 = arith.constant 0 : i32
    %dma_wait3A_716 = arith.constant 0 : i32
    %dma_wait3A_717 = tpu.memref_slice %arg4[%select_n3A_706, %dma_wait3A_710, %rem3A_708, %dma_wait3A_715, %dma_wait3A_716] : memref<200x4x32x8x128xf32, #tpu.memory_space<hbm>> -> memref<1x1x1x8x128xf32, #tpu.memory_space<hbm>>
    %dma_wait3A_718 = tpu.memref_squeeze %dma_wait3A_717 : memref<1x1x1x8x128xf32, #tpu.memory_space<hbm>> -> memref<8x128xf32, #tpu.memory_space<hbm>>
    %dma_wait3A_719 = arith.constant 0 : i32
    %dma_wait3A_720 = arith.constant 0 : i32
    %dma_wait3A_721 = tpu.memref_slice %arg4[%select_n3A_706, %dma_wait3A_710, %rem3A_708, %dma_wait3A_719, %dma_wait3A_720] : memref<200x4x32x8x128xf32, #tpu.memory_space<hbm>> -> memref<1x1x1x8x128xf32, #tpu.memory_space<hbm>>
    %dma_wait3A_722 = tpu.memref_squeeze %dma_wait3A_721 : memref<1x1x1x8x128xf32, #tpu.memory_space<hbm>> -> memref<8x128xf32, #tpu.memory_space<hbm>>
    %dma_wait3A_723 = arith.constant 0 : i32
    %dma_wait3A_724 = arith.constant 0 : i32
    %dma_wait3A_725 = tpu.memref_slice %arg8[%dma_wait3A_709, %dma_wait3A_723, %dma_wait3A_724] : memref<4x8x128xf32, #tpu.memory_space<vmem>> -> memref<1x8x128xf32, #tpu.memory_space<vmem>>
    %dma_wait3A_726 = tpu.memref_squeeze %dma_wait3A_725 : memref<1x8x128xf32, #tpu.memory_space<vmem>> -> memref<8x128xf32, #tpu.memory_space<vmem>>
    tpu.wait_dma2 semaphore(%arg12 : memref<!tpu.dma_semaphore, #tpu.memory_space<semaphore_mem>>) src(%dma_wait3A_726 : memref<8x128xf32, #tpu.memory_space<vmem>>) dst(%dma_wait3A_722 : memref<8x128xf32, #tpu.memory_space<hbm>>)
    %dma_wait3A_727 = arith.constant 1 : i32
    %dma_wait3A_728 = arith.constant 1 : i32
    %dma_wait3A_729 = arith.constant 0 : i32
    %dma_wait3A_730 = arith.constant 0 : i32
    %dma_wait3A_731 = tpu.memref_slice %arg8[%dma_wait3A_727, %dma_wait3A_729, %dma_wait3A_730] : memref<4x8x128xf32, #tpu.memory_space<vmem>> -> memref<1x8x128xf32, #tpu.memory_space<vmem>>
    %dma_wait3A_732 = tpu.memref_squeeze %dma_wait3A_731 : memref<1x8x128xf32, #tpu.memory_space<vmem>> -> memref<8x128xf32, #tpu.memory_space<vmem>>
    %dma_wait3A_733 = arith.constant 0 : i32
    %dma_wait3A_734 = arith.constant 0 : i32
    %dma_wait3A_735 = tpu.memref_slice %arg4[%select_n3A_706, %dma_wait3A_728, %rem3A_708, %dma_wait3A_733, %dma_wait3A_734] : memref<200x4x32x8x128xf32, #tpu.memory_space<hbm>> -> memref<1x1x1x8x128xf32, #tpu.memory_space<hbm>>
    %dma_wait3A_736 = tpu.memref_squeeze %dma_wait3A_735 : memref<1x1x1x8x128xf32, #tpu.memory_space<hbm>> -> memref<8x128xf32, #tpu.memory_space<hbm>>
    %dma_wait3A_737 = arith.constant 0 : i32
    %dma_wait3A_738 = arith.constant 0 : i32
    %dma_wait3A_739 = tpu.memref_slice %arg4[%select_n3A_706, %dma_wait3A_728, %rem3A_708, %dma_wait3A_737, %dma_wait3A_738] : memref<200x4x32x8x128xf32, #tpu.memory_space<hbm>> -> memref<1x1x1x8x128xf32, #tpu.memory_space<hbm>>
    %dma_wait3A_740 = tpu.memref_squeeze %dma_wait3A_739 : memref<1x1x1x8x128xf32, #tpu.memory_space<hbm>> -> memref<8x128xf32, #tpu.memory_space<hbm>>
    %dma_wait3A_741 = arith.constant 0 : i32
    %dma_wait3A_742 = arith.constant 0 : i32
    %dma_wait3A_743 = tpu.memref_slice %arg8[%dma_wait3A_727, %dma_wait3A_741, %dma_wait3A_742] : memref<4x8x128xf32, #tpu.memory_space<vmem>> -> memref<1x8x128xf32, #tpu.memory_space<vmem>>
    %dma_wait3A_744 = tpu.memref_squeeze %dma_wait3A_743 : memref<1x8x128xf32, #tpu.memory_space<vmem>> -> memref<8x128xf32, #tpu.memory_space<vmem>>
    tpu.wait_dma2 semaphore(%arg12 : memref<!tpu.dma_semaphore, #tpu.memory_space<semaphore_mem>>) src(%dma_wait3A_744 : memref<8x128xf32, #tpu.memory_space<vmem>>) dst(%dma_wait3A_740 : memref<8x128xf32, #tpu.memory_space<hbm>>)
    %dma_wait3A_745 = arith.constant 2 : i32
    %dma_wait3A_746 = arith.constant 2 : i32
    %dma_wait3A_747 = arith.constant 0 : i32
    %dma_wait3A_748 = arith.constant 0 : i32
    %dma_wait3A_749 = tpu.memref_slice %arg8[%dma_wait3A_745, %dma_wait3A_747, %dma_wait3A_748] : memref<4x8x128xf32, #tpu.memory_space<vmem>> -> memref<1x8x128xf32, #tpu.memory_space<vmem>>
    %dma_wait3A_750 = tpu.memref_squeeze %dma_wait3A_749 : memref<1x8x128xf32, #tpu.memory_space<vmem>> -> memref<8x128xf32, #tpu.memory_space<vmem>>
    %dma_wait3A_751 = arith.constant 0 : i32
    %dma_wait3A_752 = arith.constant 0 : i32
    %dma_wait3A_753 = tpu.memref_slice %arg4[%select_n3A_706, %dma_wait3A_746, %rem3A_708, %dma_wait3A_751, %dma_wait3A_752] : memref<200x4x32x8x128xf32, #tpu.memory_space<hbm>> -> memref<1x1x1x8x128xf32, #tpu.memory_space<hbm>>
    %dma_wait3A_754 = tpu.memref_squeeze %dma_wait3A_753 : memref<1x1x1x8x128xf32, #tpu.memory_space<hbm>> -> memref<8x128xf32, #tpu.memory_space<hbm>>
    %dma_wait3A_755 = arith.constant 0 : i32
    %dma_wait3A_756 = arith.constant 0 : i32
    %dma_wait3A_757 = tpu.memref_slice %arg4[%select_n3A_706, %dma_wait3A_746, %rem3A_708, %dma_wait3A_755, %dma_wait3A_756] : memref<200x4x32x8x128xf32, #tpu.memory_space<hbm>> -> memref<1x1x1x8x128xf32, #tpu.memory_space<hbm>>
    %dma_wait3A_758 = tpu.memref_squeeze %dma_wait3A_757 : memref<1x1x1x8x128xf32, #tpu.memory_space<hbm>> -> memref<8x128xf32, #tpu.memory_space<hbm>>
    %dma_wait3A_759 = arith.constant 0 : i32
    %dma_wait3A_760 = arith.constant 0 : i32
    %dma_wait3A_761 = tpu.memref_slice %arg8[%dma_wait3A_745, %dma_wait3A_759, %dma_wait3A_760] : memref<4x8x128xf32, #tpu.memory_space<vmem>> -> memref<1x8x128xf32, #tpu.memory_space<vmem>>
    %dma_wait3A_762 = tpu.memref_squeeze %dma_wait3A_761 : memref<1x8x128xf32, #tpu.memory_space<vmem>> -> memref<8x128xf32, #tpu.memory_space<vmem>>
    tpu.wait_dma2 semaphore(%arg12 : memref<!tpu.dma_semaphore, #tpu.memory_space<semaphore_mem>>) src(%dma_wait3A_762 : memref<8x128xf32, #tpu.memory_space<vmem>>) dst(%dma_wait3A_758 : memref<8x128xf32, #tpu.memory_space<hbm>>)
    %dma_wait3A_763 = arith.constant 3 : i32
    %dma_wait3A_764 = arith.constant 3 : i32
    %dma_wait3A_765 = arith.constant 0 : i32
    %dma_wait3A_766 = arith.constant 0 : i32
    %dma_wait3A_767 = tpu.memref_slice %arg8[%dma_wait3A_763, %dma_wait3A_765, %dma_wait3A_766] : memref<4x8x128xf32, #tpu.memory_space<vmem>> -> memref<1x8x128xf32, #tpu.memory_space<vmem>>
    %dma_wait3A_768 = tpu.memref_squeeze %dma_wait3A_767 : memref<1x8x128xf32, #tpu.memory_space<vmem>> -> memref<8x128xf32, #tpu.memory_space<vmem>>
    %dma_wait3A_769 = arith.constant 0 : i32
    %dma_wait3A_770 = arith.constant 0 : i32
    %dma_wait3A_771 = tpu.memref_slice %arg4[%select_n3A_706, %dma_wait3A_764, %rem3A_708, %dma_wait3A_769, %dma_wait3A_770] : memref<200x4x32x8x128xf32, #tpu.memory_space<hbm>> -> memref<1x1x1x8x128xf32, #tpu.memory_space<hbm>>
    %dma_wait3A_772 = tpu.memref_squeeze %dma_wait3A_771 : memref<1x1x1x8x128xf32, #tpu.memory_space<hbm>> -> memref<8x128xf32, #tpu.memory_space<hbm>>
    %dma_wait3A_773 = arith.constant 0 : i32
    %dma_wait3A_774 = arith.constant 0 : i32
    %dma_wait3A_775 = tpu.memref_slice %arg4[%select_n3A_706, %dma_wait3A_764, %rem3A_708, %dma_wait3A_773, %dma_wait3A_774] : memref<200x4x32x8x128xf32, #tpu.memory_space<hbm>> -> memref<1x1x1x8x128xf32, #tpu.memory_space<hbm>>
    %dma_wait3A_776 = tpu.memref_squeeze %dma_wait3A_775 : memref<1x1x1x8x128xf32, #tpu.memory_space<hbm>> -> memref<8x128xf32, #tpu.memory_space<hbm>>
    %dma_wait3A_777 = arith.constant 0 : i32
    %dma_wait3A_778 = arith.constant 0 : i32
    %dma_wait3A_779 = tpu.memref_slice %arg8[%dma_wait3A_763, %dma_wait3A_777, %dma_wait3A_778] : memref<4x8x128xf32, #tpu.memory_space<vmem>> -> memref<1x8x128xf32, #tpu.memory_space<vmem>>
    %dma_wait3A_780 = tpu.memref_squeeze %dma_wait3A_779 : memref<1x8x128xf32, #tpu.memory_space<vmem>> -> memref<8x128xf32, #tpu.memory_space<vmem>>
    tpu.wait_dma2 semaphore(%arg12 : memref<!tpu.dma_semaphore, #tpu.memory_space<semaphore_mem>>) src(%dma_wait3A_780 : memref<8x128xf32, #tpu.memory_space<vmem>>) dst(%dma_wait3A_776 : memref<8x128xf32, #tpu.memory_space<hbm>>)
    %add3A_781 = arith.constant 199 : i32
    %add3A_782 = arith.addi %mul3A_2, %add3A_781 : i32
    %jit3A_783 = arith.constant 32 : i32
    %div3A_784 = arith.divsi %add3A_782, %jit3A_783 : i32
    %sign3A_785 = arith.constant 0 : i32
    %sign3A_786 = arith.cmpi sgt, %add3A_782, %sign3A_785 : i32
    %sign3A_787 = arith.extui %sign3A_786 : i1 to i32
    %sign3A_788 = arith.constant 0 : i32
    %sign3A_789 = arith.cmpi slt, %add3A_782, %sign3A_788 : i32
    %sign3A_790 = arith.extui %sign3A_789 : i1 to i32
    %sign3A_791 = arith.subi %sign3A_787, %sign3A_790 : i32
    %sign3A_792 = arith.constant 0 : i32
    %sign3A_793 = arith.cmpi sgt, %jit3A_783, %sign3A_792 : i32
    %sign3A_794 = arith.extui %sign3A_793 : i1 to i32
    %sign3A_795 = arith.constant 0 : i32
    %sign3A_796 = arith.cmpi slt, %jit3A_783, %sign3A_795 : i32
    %sign3A_797 = arith.extui %sign3A_796 : i1 to i32
    %sign3A_798 = arith.subi %sign3A_794, %sign3A_797 : i32
    %ne3A_799 = arith.cmpi ne, %sign3A_791, %sign3A_798 : i32
    %rem3A_800 = arith.remsi %add3A_782, %jit3A_783 : i32
    %ne3A_801 = arith.constant 0 : i32
    %ne3A_802 = arith.cmpi ne, %rem3A_800, %ne3A_801 : i32
    %and3A_803 = arith.andi %ne3A_799, %ne3A_802 : i1
    %sub3A_804 = arith.constant 1 : i32
    %sub3A_805 = arith.subi %div3A_784, %sub3A_804 : i32
    %select_n3A_806 = arith.select %and3A_803, %sub3A_805, %div3A_784 : i32
    %rem3A_807 = arith.constant 32 : i32
    %rem3A_808 = arith.remsi %add3A_782, %rem3A_807 : i32
    %dma_wait3A_809 = arith.constant 0 : i32
    %dma_wait3A_810 = arith.constant 0 : i32
    %dma_wait3A_811 = arith.constant 0 : i32
    %dma_wait3A_812 = arith.constant 0 : i32
    %dma_wait3A_813 = tpu.memref_slice %arg9[%dma_wait3A_809, %dma_wait3A_811, %dma_wait3A_812] : memref<4x8x128xf32, #tpu.memory_space<vmem>> -> memref<1x8x128xf32, #tpu.memory_space<vmem>>
    %dma_wait3A_814 = tpu.memref_squeeze %dma_wait3A_813 : memref<1x8x128xf32, #tpu.memory_space<vmem>> -> memref<8x128xf32, #tpu.memory_space<vmem>>
    %dma_wait3A_815 = arith.constant 0 : i32
    %dma_wait3A_816 = arith.constant 0 : i32
    %dma_wait3A_817 = tpu.memref_slice %arg4[%select_n3A_806, %dma_wait3A_810, %rem3A_808, %dma_wait3A_815, %dma_wait3A_816] : memref<200x4x32x8x128xf32, #tpu.memory_space<hbm>> -> memref<1x1x1x8x128xf32, #tpu.memory_space<hbm>>
    %dma_wait3A_818 = tpu.memref_squeeze %dma_wait3A_817 : memref<1x1x1x8x128xf32, #tpu.memory_space<hbm>> -> memref<8x128xf32, #tpu.memory_space<hbm>>
    %dma_wait3A_819 = arith.constant 0 : i32
    %dma_wait3A_820 = arith.constant 0 : i32
    %dma_wait3A_821 = tpu.memref_slice %arg4[%select_n3A_806, %dma_wait3A_810, %rem3A_808, %dma_wait3A_819, %dma_wait3A_820] : memref<200x4x32x8x128xf32, #tpu.memory_space<hbm>> -> memref<1x1x1x8x128xf32, #tpu.memory_space<hbm>>
    %dma_wait3A_822 = tpu.memref_squeeze %dma_wait3A_821 : memref<1x1x1x8x128xf32, #tpu.memory_space<hbm>> -> memref<8x128xf32, #tpu.memory_space<hbm>>
    %dma_wait3A_823 = arith.constant 0 : i32
    %dma_wait3A_824 = arith.constant 0 : i32
    %dma_wait3A_825 = tpu.memref_slice %arg9[%dma_wait3A_809, %dma_wait3A_823, %dma_wait3A_824] : memref<4x8x128xf32, #tpu.memory_space<vmem>> -> memref<1x8x128xf32, #tpu.memory_space<vmem>>
    %dma_wait3A_826 = tpu.memref_squeeze %dma_wait3A_825 : memref<1x8x128xf32, #tpu.memory_space<vmem>> -> memref<8x128xf32, #tpu.memory_space<vmem>>
    tpu.wait_dma2 semaphore(%arg13 : memref<!tpu.dma_semaphore, #tpu.memory_space<semaphore_mem>>) src(%dma_wait3A_826 : memref<8x128xf32, #tpu.memory_space<vmem>>) dst(%dma_wait3A_822 : memref<8x128xf32, #tpu.memory_space<hbm>>)
    %dma_wait3A_827 = arith.constant 1 : i32
    %dma_wait3A_828 = arith.constant 1 : i32
    %dma_wait3A_829 = arith.constant 0 : i32
    %dma_wait3A_830 = arith.constant 0 : i32
    %dma_wait3A_831 = tpu.memref_slice %arg9[%dma_wait3A_827, %dma_wait3A_829, %dma_wait3A_830] : memref<4x8x128xf32, #tpu.memory_space<vmem>> -> memref<1x8x128xf32, #tpu.memory_space<vmem>>
    %dma_wait3A_832 = tpu.memref_squeeze %dma_wait3A_831 : memref<1x8x128xf32, #tpu.memory_space<vmem>> -> memref<8x128xf32, #tpu.memory_space<vmem>>
    %dma_wait3A_833 = arith.constant 0 : i32
    %dma_wait3A_834 = arith.constant 0 : i32
    %dma_wait3A_835 = tpu.memref_slice %arg4[%select_n3A_806, %dma_wait3A_828, %rem3A_808, %dma_wait3A_833, %dma_wait3A_834] : memref<200x4x32x8x128xf32, #tpu.memory_space<hbm>> -> memref<1x1x1x8x128xf32, #tpu.memory_space<hbm>>
    %dma_wait3A_836 = tpu.memref_squeeze %dma_wait3A_835 : memref<1x1x1x8x128xf32, #tpu.memory_space<hbm>> -> memref<8x128xf32, #tpu.memory_space<hbm>>
    %dma_wait3A_837 = arith.constant 0 : i32
    %dma_wait3A_838 = arith.constant 0 : i32
    %dma_wait3A_839 = tpu.memref_slice %arg4[%select_n3A_806, %dma_wait3A_828, %rem3A_808, %dma_wait3A_837, %dma_wait3A_838] : memref<200x4x32x8x128xf32, #tpu.memory_space<hbm>> -> memref<1x1x1x8x128xf32, #tpu.memory_space<hbm>>
    %dma_wait3A_840 = tpu.memref_squeeze %dma_wait3A_839 : memref<1x1x1x8x128xf32, #tpu.memory_space<hbm>> -> memref<8x128xf32, #tpu.memory_space<hbm>>
    %dma_wait3A_841 = arith.constant 0 : i32
    %dma_wait3A_842 = arith.constant 0 : i32
    %dma_wait3A_843 = tpu.memref_slice %arg9[%dma_wait3A_827, %dma_wait3A_841, %dma_wait3A_842] : memref<4x8x128xf32, #tpu.memory_space<vmem>> -> memref<1x8x128xf32, #tpu.memory_space<vmem>>
    %dma_wait3A_844 = tpu.memref_squeeze %dma_wait3A_843 : memref<1x8x128xf32, #tpu.memory_space<vmem>> -> memref<8x128xf32, #tpu.memory_space<vmem>>
    tpu.wait_dma2 semaphore(%arg13 : memref<!tpu.dma_semaphore, #tpu.memory_space<semaphore_mem>>) src(%dma_wait3A_844 : memref<8x128xf32, #tpu.memory_space<vmem>>) dst(%dma_wait3A_840 : memref<8x128xf32, #tpu.memory_space<hbm>>)
    %dma_wait3A_845 = arith.constant 2 : i32
    %dma_wait3A_846 = arith.constant 2 : i32
    %dma_wait3A_847 = arith.constant 0 : i32
    %dma_wait3A_848 = arith.constant 0 : i32
    %dma_wait3A_849 = tpu.memref_slice %arg9[%dma_wait3A_845, %dma_wait3A_847, %dma_wait3A_848] : memref<4x8x128xf32, #tpu.memory_space<vmem>> -> memref<1x8x128xf32, #tpu.memory_space<vmem>>
    %dma_wait3A_850 = tpu.memref_squeeze %dma_wait3A_849 : memref<1x8x128xf32, #tpu.memory_space<vmem>> -> memref<8x128xf32, #tpu.memory_space<vmem>>
    %dma_wait3A_851 = arith.constant 0 : i32
    %dma_wait3A_852 = arith.constant 0 : i32
    %dma_wait3A_853 = tpu.memref_slice %arg4[%select_n3A_806, %dma_wait3A_846, %rem3A_808, %dma_wait3A_851, %dma_wait3A_852] : memref<200x4x32x8x128xf32, #tpu.memory_space<hbm>> -> memref<1x1x1x8x128xf32, #tpu.memory_space<hbm>>
    %dma_wait3A_854 = tpu.memref_squeeze %dma_wait3A_853 : memref<1x1x1x8x128xf32, #tpu.memory_space<hbm>> -> memref<8x128xf32, #tpu.memory_space<hbm>>
    %dma_wait3A_855 = arith.constant 0 : i32
    %dma_wait3A_856 = arith.constant 0 : i32
    %dma_wait3A_857 = tpu.memref_slice %arg4[%select_n3A_806, %dma_wait3A_846, %rem3A_808, %dma_wait3A_855, %dma_wait3A_856] : memref<200x4x32x8x128xf32, #tpu.memory_space<hbm>> -> memref<1x1x1x8x128xf32, #tpu.memory_space<hbm>>
    %dma_wait3A_858 = tpu.memref_squeeze %dma_wait3A_857 : memref<1x1x1x8x128xf32, #tpu.memory_space<hbm>> -> memref<8x128xf32, #tpu.memory_space<hbm>>
    %dma_wait3A_859 = arith.constant 0 : i32
    %dma_wait3A_860 = arith.constant 0 : i32
    %dma_wait3A_861 = tpu.memref_slice %arg9[%dma_wait3A_845, %dma_wait3A_859, %dma_wait3A_860] : memref<4x8x128xf32, #tpu.memory_space<vmem>> -> memref<1x8x128xf32, #tpu.memory_space<vmem>>
    %dma_wait3A_862 = tpu.memref_squeeze %dma_wait3A_861 : memref<1x8x128xf32, #tpu.memory_space<vmem>> -> memref<8x128xf32, #tpu.memory_space<vmem>>
    tpu.wait_dma2 semaphore(%arg13 : memref<!tpu.dma_semaphore, #tpu.memory_space<semaphore_mem>>) src(%dma_wait3A_862 : memref<8x128xf32, #tpu.memory_space<vmem>>) dst(%dma_wait3A_858 : memref<8x128xf32, #tpu.memory_space<hbm>>)
    %dma_wait3A_863 = arith.constant 3 : i32
    %dma_wait3A_864 = arith.constant 3 : i32
    %dma_wait3A_865 = arith.constant 0 : i32
    %dma_wait3A_866 = arith.constant 0 : i32
    %dma_wait3A_867 = tpu.memref_slice %arg9[%dma_wait3A_863, %dma_wait3A_865, %dma_wait3A_866] : memref<4x8x128xf32, #tpu.memory_space<vmem>> -> memref<1x8x128xf32, #tpu.memory_space<vmem>>
    %dma_wait3A_868 = tpu.memref_squeeze %dma_wait3A_867 : memref<1x8x128xf32, #tpu.memory_space<vmem>> -> memref<8x128xf32, #tpu.memory_space<vmem>>
    %dma_wait3A_869 = arith.constant 0 : i32
    %dma_wait3A_870 = arith.constant 0 : i32
    %dma_wait3A_871 = tpu.memref_slice %arg4[%select_n3A_806, %dma_wait3A_864, %rem3A_808, %dma_wait3A_869, %dma_wait3A_870] : memref<200x4x32x8x128xf32, #tpu.memory_space<hbm>> -> memref<1x1x1x8x128xf32, #tpu.memory_space<hbm>>
    %dma_wait3A_872 = tpu.memref_squeeze %dma_wait3A_871 : memref<1x1x1x8x128xf32, #tpu.memory_space<hbm>> -> memref<8x128xf32, #tpu.memory_space<hbm>>
    %dma_wait3A_873 = arith.constant 0 : i32
    %dma_wait3A_874 = arith.constant 0 : i32
    %dma_wait3A_875 = tpu.memref_slice %arg4[%select_n3A_806, %dma_wait3A_864, %rem3A_808, %dma_wait3A_873, %dma_wait3A_874] : memref<200x4x32x8x128xf32, #tpu.memory_space<hbm>> -> memref<1x1x1x8x128xf32, #tpu.memory_space<hbm>>
    %dma_wait3A_876 = tpu.memref_squeeze %dma_wait3A_875 : memref<1x1x1x8x128xf32, #tpu.memory_space<hbm>> -> memref<8x128xf32, #tpu.memory_space<hbm>>
    %dma_wait3A_877 = arith.constant 0 : i32
    %dma_wait3A_878 = arith.constant 0 : i32
    %dma_wait3A_879 = tpu.memref_slice %arg9[%dma_wait3A_863, %dma_wait3A_877, %dma_wait3A_878] : memref<4x8x128xf32, #tpu.memory_space<vmem>> -> memref<1x8x128xf32, #tpu.memory_space<vmem>>
    %dma_wait3A_880 = tpu.memref_squeeze %dma_wait3A_879 : memref<1x8x128xf32, #tpu.memory_space<vmem>> -> memref<8x128xf32, #tpu.memory_space<vmem>>
    tpu.wait_dma2 semaphore(%arg13 : memref<!tpu.dma_semaphore, #tpu.memory_space<semaphore_mem>>) src(%dma_wait3A_880 : memref<8x128xf32, #tpu.memory_space<vmem>>) dst(%dma_wait3A_876 : memref<8x128xf32, #tpu.memory_space<hbm>>)
    return
  }
}

</mosaic_0001>

<sc_bundles>
// kernel: kernel.3.cloned.1.call-start
scs
__scs_entry_jumppad:
0x0: {  	(pc) =	sbr.rel $0x88, $3  }
0x1: {  	(tag) =	ssettag $0x0;
	lr =	simm.s32 $0x1  }
0x2: {  	[smem:$0x3F9F] =	sst lr;
	_ =	strace $0xD0000000  }
0x3: {  	_ = 	snop  }
0x4: {  	_ = 	snop  }
0x5: {  	_ = 	snop  }
0x6: {  	_ = 	snop  }
0x7: {  	_ = 	snop  }
__scs_overlays_trampoline_lowered:
0x8: {  	[smem:$0x3FAE] =	sst s0  }
0x9: {  	[smem:$0x3FAF] =	sst s1  }
0xa: {  	[smem:$0x3FB0] =	sst s2  }
0xb: {  	[smem:$0x3FB1] =	sst s3  }
0xc: {  	[smem:$0x3FB2] =	sst s4  }
0xd: {  	[smem:$0x3FB3] =	sst s5  }
0xe: {  	[smem:$0x3FB4] =	sst s6  }
0xf: {  	[smem:$0x3FB5] =	sst s7  }
0x10: {  	[smem:$0x3FB6] =	sst s8  }
0x11: {  	[smem:$0x3FB7] =	sst s9;
	s0 =	simm.s32 @!p0 $0x0  }
0x12: {  	s1 =	sld [smem:$0x3F9D];
	s0 =	simm.s32 @p0 $0x1  }
0x13: {  	[smem:$0x3FB8] =	sst s0;
	s0 =	simm.s32 @!p1 $0x0  }
0x14: {  	s2 =	sld [smem:$0x3F9C];
	s0 =	simm.s32 @p1 $0x1  }
0x15: {  	[smem:$0x3FB9] =	sst s0;
	s0 =	simm.s32 @!p2 $0x0  }
0x16: {  	s3 =	sld [smem:$0x3FDB];
	s0 =	simm.s32 @p2 $0x1  }
0x17: {  	s4 =	simm.s32 $0x1BF5;
	[smem:$0x3FBB] =	sst s0  }
0x18: {  	s0 =	sld [smem:$0x3F9E];
	_ =	swait.ge [sflag:s4], $0x0  }
0x19: {  	s7 =	sld [smem:$0x3F9F]  }
0x1a: {  	s8 =	sadd.s32 $0xFFFFE003, lr  }
0x1b: {  	s9 =	sadd.s32 $0xFFFFFEF7, lr;
	s5 =	simm.s32 $0xFFFFFFFF;
	p2 =	slt.u32 s8, $0xFFFFF086  }
0x1c: {  	p1 =	slt.u32 s9, $0xF7A;
	s5 =	simm.s32 @!p2 $0x0  }
0x1d: {  	s5 =	simm.s32 @p1 $0x1;
	p0 =	seq.s32 s7, s2  }
0x1e: {  	s7 =	smul.u32 @!p0 $0xF7A, s2;
	p2 =	seq.s32 @!p0 s5, $0x0  }
0x1f: {  	s9 =	smul.u32 $0xF7A, s1;
	s8 =	simm.s32 @!p0 $0x1BF5;
	p2 =	por !p2, p0  }
0x20: {  	[sflag:s8] =	ssyncset.s32 @!p0 $0xFFFFF086;
	s6 =	sadd.s32 @!p0 s3, s7;
	s7 =	simm.s32 @!p0 $0x108  }
0x21: {  	s3 =	sadd.s32 s3, s9;
	s6 =	sadd.s32 @!p0 $0x88, s6;
	s7 =	simm.s32 @p2 $0x1082  }
0x22: {  	[simem:s7], [sflag:s8] =	dma.local @!p0 [hbm:s6], $0xF7A  }
0x23: {  	s9 =	sor.u32 $0xD0000000, s2;
	s6 =	simm.s32 $0x108;
	_ =	swait.ge @!p0 [sflag:s8], $0x0  }
0x24: {  	s3 =	sadd.s32 $0x88, s3;
	s6 =	simm.s32 @!p1 $0x1082;
	[sflag:s4] =	ssyncset.s32 $0xFFFFF086  }
0x25: {  	[simem:s6], [sflag:s4] =	dma.local [hbm:s3], $0xF7A  }
0x26: {  	[smem:$0x3F9F] =	sst s1;
	(tag) =	ssettag s2;
	_ =	strace s9  }
0x27: {  	s1 =	sld [smem:$0x3FAF]  }
0x28: {  	s2 =	sld [smem:$0x3FB0]  }
0x29: {  	s4 =	sld [smem:$0x3FB2]  }
0x2a: {  	p0 =	seq.s32 s5, $0x0;
	s5 =	sld [smem:$0x3FB3]  }
0x2b: {  	s6 =	sld [smem:$0x3FB4]  }
0x2c: {  	s7 =	sld [smem:$0x3FB5]  }
0x2d: {  	s3 =	simm.s32 $0x108;
	s8 =	sld [smem:$0x3FB6]  }
0x2e: {  	s3 =	simm.s32 @!p0 $0x1082;
	s9 =	sld [smem:$0x3FB7]  }
0x2f: {  	lr =	sadd.s32 s0, s3;
	s0 =	sld [smem:$0x3FAE]  }
0x30: {  	s3 =	sld [smem:$0x3FB1]  }
0x31: {  	[smem:$0x3FBA] =	sst s10  }
0x32: {  	s10 =	sld [smem:$0x3FB8];
	_ =	sdelay $0x3  }
0x33: {  	p0 =	seq.s32 s10, $0x1;
	s10 =	sld [smem:$0x3FBA];
	_ =	sdelay $0x3  }
0x34: {  	[smem:$0x3FBA] =	sst s10  }
0x35: {  	s10 =	sld [smem:$0x3FB9];
	_ =	sdelay $0x3  }
0x36: {  	p1 =	seq.s32 s10, $0x1;
	s10 =	sld [smem:$0x3FBA];
	_ =	sdelay $0x3  }
0x37: {  	[smem:$0x3FBA] =	sst s10  }
0x38: {  	s10 =	sld [smem:$0x3FBB]  }
0x39: {  	_ = 	snop;
	(pc) =	sbr.ind lr, $3  }
0x3a: {  	_ = 	snop  }
0x3b: {  	_ = 	snop  }
0x3c: {  	p2 =	seq.s32 s10, $0x1;
	s10 =	sld [smem:$0x3FBA]  }
0x3d: {  	_ =	shalt  }
0x3e: {  	_ =	shalt  }
0x3f: {  	_ =	shalt  }
0x40: {  	_ =	shalt  }
0x41: {  	_ =	shalt  }
0x42: {  	_ =	shalt  }
0x43: {  	_ =	shalt  }
0x44: {  	_ =	shalt  }
0x45: {  	_ =	shalt  }
0x46: {  	_ =	shalt  }
0x47: {  	_ =	shalt  }
0x48: {  	_ =	shalt  }
0x49: {  	_ =	shalt  }
0x4a: {  	_ =	shalt  }
0x4b: {  	_ =	shalt  }
0x4c: {  	_ =	shalt  }
0x4d: {  	_ =	shalt  }
0x4e: {  	_ =	shalt  }
0x4f: {  	_ =	shalt  }
0x50: {  	_ =	shalt  }
0x51: {  	_ =	shalt  }
0x52: {  	_ =	shalt  }
0x53: {  	_ =	shalt  }
0x54: {  	_ =	shalt  }
0x55: {  	_ =	shalt  }
0x56: {  	_ =	shalt  }
0x57: {  	_ =	shalt  }
0x58: {  	_ =	shalt  }
0x59: {  	_ =	shalt  }
0x5a: {  	_ =	shalt  }
0x5b: {  	_ =	shalt  }
0x5c: {  	_ =	shalt  }
0x5d: {  	_ =	shalt  }
0x5e: {  	_ =	shalt  }
0x5f: {  	_ =	shalt  }
0x60: {  	_ =	shalt  }
0x61: {  	_ =	shalt  }
0x62: {  	_ =	shalt  }
0x63: {  	_ =	shalt  }
0x64: {  	_ =	shalt  }
0x65: {  	_ =	shalt  }
0x66: {  	_ =	shalt  }
0x67: {  	_ =	shalt  }
0x68: {  	_ =	shalt  }
0x69: {  	_ =	shalt  }
0x6a: {  	_ =	shalt  }
0x6b: {  	_ =	shalt  }
0x6c: {  	_ =	shalt  }
0x6d: {  	_ =	shalt  }
0x6e: {  	_ =	shalt  }
0x6f: {  	_ =	shalt  }
0x70: {  	_ =	shalt  }
0x71: {  	_ =	shalt  }
0x72: {  	_ =	shalt  }
0x73: {  	_ =	shalt  }
0x74: {  	_ =	shalt  }
0x75: {  	_ =	shalt  }
0x76: {  	_ =	shalt  }
0x77: {  	_ =	shalt  }
0x78: {  	_ =	shalt  }
0x79: {  	_ =	shalt  }
0x7a: {  	_ =	shalt  }
0x7b: {  	_ =	shalt  }
0x7c: {  	_ =	shalt  }
0x7d: {  	_ =	shalt  }
0x7e: {  	_ =	shalt  }
0x7f: {  	_ =	shalt  }
0x80: {  	_ =	shalt  }
0x81: {  	_ =	shalt  }
0x82: {  	_ =	shalt  }
0x83: {  	_ =	shalt  }
0x84: {  	_ =	shalt  }
0x85: {  	_ =	shalt  }
0x86: {  	_ =	shalt  }
0x87: {  	_ =	shalt  }
.Lfunc_end0:
.L_simem_size_0:
called_computation_lowered:
.L_overlay_start_0:
0x88: {  	s2 =	sld [smem:$0x3FD9]  }
0x89: {  	s3 =	sld [smem:$0x3FFE];
	_ =	sdelay $0x1  }
0x8a: {  	s1 =	srdreg.scid  }
0x8b: {  	s0 =	sand.u32 $0x1, s1  }
0x8c: {  	s17 =	sshll.u32 s0, $0xA;
	s2 =	sadd.s32 s3, s2  }
0x8d: {  	s2 =	sadd.s32 s2, s17  }
0x8e: {  	[smem:$0x3FC6] =	sst s2  }
0x8f: {  	_ = 	snop  }
0x90: {  	s2 =	sld [smem:$0x3FD0];
	(tm) =	ssettm $0x1  }
0x91: {  	s18 =	sld [smem:$0x3FFB];
	_ =	sdelay $0x3  }
0x92: {  	_ =	strace s18  }
0x93: {  	s3 =	sld [smem:$0x3FFC];
	_ =	sdelay $0x3  }
0x94: {  	_ =	strace s3  }
0x95: {  	s3 =	sld [smem:$0x3FFD];
	_ =	sdelay $0x3  }
0x96: {  	_ =	strace s3  }
0x97: {  	_ =	strace $0x8FFFFFFF  }
0x98: {  	s19 =	sld [smem:$0x3FDB];
	_ =	sdelay $0x1  }
0x99: {  	s4 =	simm.s32 $_scs_section_size  }
0x9a: {  	s5 =	simm.s32 $_size__tile_overlayer_lowered;
	s6 =	simm.s32 $_tile_overlayer_lowered  }
0x9b: {  	s22 =	simm.s32 $0x1BFF;
	s21 =	sshll.u32 s6, $0x1;
	s3 =	sadd.s32 s4, s19  }
0x9c: {  	s7 =	simm.s32 $0x0;
	s20 =	sshll.u32 s5, $0x1;
	s5 =	sadd.s32 s21, s3  }
0x9d: {  	[timem:s7], [sflag:s22] =	dma.local [hbm:s5], s20  }
0x9e: {  	_ =	swait.ge [sflag:s22], s20  }
0x9f: {  	s4 =	ssub.s32 $0x0, s20;
	[sflag:s22] =	ssyncset.done $0x0  }
0xa0: {  	[sflag:s22] =	ssyncadd.s32 s4;
	_ =	sdelay $0x1  }
0xa1: {  	s23 =	simm.s32 $0x1B8B  }
0xa2: {  	_ =	swait.ge [sflag:s23], $0x1  }
0xa3: {  	[sflag:s23] =	ssyncset.done $0x0  }
0xa4: {  	s25 =	simm.s32 $0x1B8E;
	s24 =	sld [smem:$0x3FFE];
	[sflag:s23] =	ssyncadd.s32 $0xFFFFFFFF  }
0xa5: {  	s26 =	simm.s32 $execute0_lowered;
	[smem:$0x3FD2] =	sst s25  }
0xa6: {  	s5 =	sshll.u32 s26, $0x1;
	_ =	strace $0x80000046;
	[dreg:$0x1] =	wrdreg $0xFFFFFFFF  }
0xa7: {  	s28 =	simm.s32 $_size_execute0_lowered;
	s3 =	sadd.s32 s3, s5;
	[dreg:$0x0] =	wrdreg $0x0  }
0xa8: {  	s5 =	sshll.u32 s28, $0x1;
	[dreg:$0x2] =	wrdreg s3  }
0xa9: {  	[dreg:$0x3] =	wrdreg s5  }
0xaa: {  	[dreg:$0x4] =	wrdreg $0xC0  }
0xab: {  	_ =	task [dreg:s7], $0x5FFFF  }
0xac: {  	[dreg:$0x1] =	wrdreg $0xFFFFFFFF  }
0xad: {  	[dreg:$0x0] =	wrdreg $0x60  }
0xae: {  	[dreg:$0x2] =	wrdreg s24  }
0xaf: {  	[dreg:$0x3] =	wrdreg s2  }
0xb0: {  	[dreg:$0x4] =	wrdreg $0x9  }
0xb1: {  	_ =	task.clear_ibuf [dreg:s7], $0x5FFFF;
	_ =	strace $0x90000046  }
0xb2: {  	s29 =	simm.s32 $0x9;
	_ =	strace $0x80000048  }
0xb3: {  	_ =	swait.ge [sflag:s29], $0x1  }
0xb4: {  	[sflag:s29] =	ssyncadd.s32 $0xFFFFFFFF  }
0xb5: {  	_ =	strace $0x90000048  }
0xb6: {  	_ =	sfence  }
0xb7: {  	s30 =	sld [smem:$0x0];
	_ =	sdelay $0x2  }
0xb8: {  	s31 =	sshll.u32 s1, $0xD;
	s1 =	sshrl.u32 s1, $0x2  }
0xb9: {  	s3 =	sand.u32 $0x4000, s31;
	s1 =	sadd.s32 s1, s30  }
0xba: {  	s0 =	sor.u32 s3, s0;
	s1 =	sshll.u32 s1, $0x11  }
0xbb: {  	s0 =	sor.u32 s1, s0  }
0xbc: {  	s0 =	sadd.s32 $0x8F2B, s0  }
0xbd: {  	[sflag:s0] =	ssyncadd.remote.s32 $0x1  }
0xbe: {  	_ =	sfence.sel $0xFFFF  }
0xbf: {  	[dreg:$0x0] =	wrdreg $0xFFFFFFFF;
	(pc) =	sbr.abs _section_cstart, $3  }
0xc0: {  	[dreg:$0x1] =	wrdreg $0xFFFFFFFF  }
0xc1: {  	_ =	task.clear_ibuf [dreg:s7], $0x2FFFF;
	_ =	strace $0x9FFFFFFF  }
0xc2: {  	(tm) =	ssettm $0x7FFFFFFF  }
0xc3: {  	_ =	shalt  }
tec
execute0_lowered:
.L_overlay_start_1:
0x0: {  	(tag) =	ssettag $0x1  }
0x1: {  	s0 =	srdreg.scid;
	s2 =	stileid.u32  }
0x2: {  	s1 =	rddreg [dreg:$0x0];
	s28 =	simm.s32 $0x5;
	s29 =	simm.s32 $0x80  }
0x3: {  	s30 =	simm.s32 $0x6400;
	s0 =	sand.u32 $0x1, s0;
	s3 =	sshll.u32 s2, $0x1  }
0x4: {  	s31 =	simm.s32 $0x1;
	s2 =	rddreg [dreg:$0x1];
	s5 =	sor.u32 s0, s3  }
0x5: {  	s3 =	simm.s32 $0x0;
	s0 =	ssub.s32 $0x2, s0;
	s4 =	smul.u32 $0xC80, s5  }
0x6: {  	s10 =	sadd.s32 $0x2000, s2;
	[smem:$0x7FF] =	sst s3;
	s7 =	smul.u32 $0xC8000, s5  }
0x7: {  	s11 =	sshll.u32 s5, $0xD;
	s8 =	sshrl.u32 s0, $0x1;
	s5 =	smul.u32 $0xC8, s5  }
0x8: {  	_ =	strace $0x80000047;
	s0 =	ssub.s32 s0, s8;
	s6 =	sadd.s32 s4, s1  }
0x9: {  	s4 =	sadd.s32 $0xF42A00, s1;
	s7 =	sand.u32 $0x1FE0000, s7;
	s1 =	sand.u32 $0x6000, s11  }
0xa: {  	s17 =	sadd.s32 $0xC6, s5;
	s20 =	sadd.s32 $0xC7, s5;
	s0 =	smax.u32 s0, $0x1  }
0xb: {  	s11 =	simm.s32 $0x2;
	s1 =	sor.u32 s1, s7;
	s6 =	sadd.s32 $0x600, s6  }
0xc: {  	s7 =	sadd.s32 $0x1000, s2;
	s19 =	sshll.u32 s17, $0x9;
	s21 =	sshll.u32 s20, $0x9  }
0xd: {  	[dreg:$0x14] =	wrdreg s0;
	s0 =	simm.s32 $0x8400;
	s1 =	sshrl.u32 s1, $0x3  }
0xe: {  	[dreg:$0x3] =	wrdreg s6;
	s8 =	sand.u32 $0x7FC000, s19;
	s12 =	sadd.s32 s2, s1  }
0xf: {  	s19 =	simm.s32 $0x0;
	s13 =	sadd.s32 s1, s7;
	[dreg:$0x4] =	wrdreg s12  }
0x10: {  	s14 =	sadd.s32 s1, s10;
	s15 =	sor.u32 $0x80, s1;
	[dreg:$0x5] =	wrdreg s13  }
0x11: {  	[dreg:$0x6] =	wrdreg s14;
	s12 =	sadd.s32 $0x3000, s2;
	s16 =	sadd.s32 s2, s15  }
0x12: {  	s18 =	sadd.s32 s15, s7;
	s9 =	sadd.s32 s15, s10;
	[dreg:$0x8] =	wrdreg s16  }
0x13: {  	s13 =	simm.s32 $0x9400;
	s1 =	sadd.s32 s1, s12;
	[dreg:$0x9] =	wrdreg s18  }
0x14: {  	s14 =	simm.s32 $0x9800;
	[dreg:$0x7] =	wrdreg s1;
	s1 =	sshll.u32 s17, $0x7  }
0x15: {  	[dreg:$0xa] =	wrdreg s9;
	s6 =	sadd.s32 s15, s12;
	s1 =	sand.u32 $0xF00, s1  }
0x16: {  	s9 =	simm.s32 $0x9000;
	s15 =	simm.s32 $0x9C00;
	s1 =	sor.u32 s1, s8  }
0x17: {  	[dreg:$0xb] =	wrdreg s6;
	s6 =	sshll.u32 s20, $0x7;
	s8 =	sadd.s32 s2, s1  }
0x18: {  	s6 =	sand.u32 $0xF80, s6;
	s22 =	sadd.s32 s1, s7;
	[dreg:$0xc] =	wrdreg s8  }
0x19: {  	s23 =	sadd.s32 s1, s10;
	[dreg:$0xd] =	wrdreg s22;
	s8 =	sand.u32 $0x7FC000, s21  }
0x1a: {  	s1 =	sadd.s32 s1, s12;
	[dreg:$0xe] =	wrdreg s23;
	s24 =	sor.u32 s6, s8  }
0x1b: {  	s16 =	simm.s32 $0xA000;
	[dreg:$0xf] =	wrdreg s1;
	s6 =	sadd.s32 s2, s24  }
0x1c: {  	v0 =	vlaneseq.u32;
	s18 =	simm.s32 $0x4;
	s25 =	sadd.s32 s24, s7;
	[dreg:$0x10] =	wrdreg s6  }
0x1d: {  	v1 =	vmul.u32 $0x80, v0;
	s17 =	simm.s32 $0x3;
	s26 =	sadd.s32 s24, s10;
	[dreg:$0x11] =	wrdreg s25  }
0x1e: {  	s8 =	simm.s32 $0x8C00;
	s1 =	sadd.s32 s24, s12;
	[dreg:$0x12] =	wrdreg s26  }
0x1f: {  	v2 =	vor.u32 $0x10, v0;
	v3 =	vor.u32 $0x800, v1;
	[dreg:$0x13] =	wrdreg s1;
	s1 =	simm.s32 $0x7400;
	s6 =	simm.s32 $0x8800  }
.LBB2_1:
0x20: {  	s20 =	rddreg [dreg:$0x3]  }
0x21: {  	[tilespmem:s3], [sflag:$0x5] =	stream.linear.gather [hbm4b:s20+s3], $0x6400, $0x38;
	[tilespmem:$0xA400] =	vst v63  }
0x22: {  	_ =	swait.ge [sflag:s28], $0x6400  }
0x23: {  	v4 =	vmov s3;
	[sflag:s28] =	ssyncset.done $0x0  }
0x24: {  	v5 =	vshll.u32 v4, $0x5;
	[sflag:s28] =	ssyncadd.s32 $0xFFFF9C00  }
0x25: {  	v6 =	vor.u32 v0, v5;
	[tilespmem:s30], [sflag:$0x1] =	stream.indirect.gather [hbm4b:s4+s29], $0x20, s3, s29, $0xb8;
	[tilespmem:$0xA400] =	vst v63  }
0x26: {  	v5 =	vor.u32 v2, v5;
	_ =	swait.ge [sflag:s31], $0x1000  }
0x27: {  	[sflag:s31] =	ssyncset.done $0x0  }
0x28: {  	s24 =	simm.s32 $0x1;
	[sflag:s31] =	ssyncadd.s32 $0xFFFFF000  }
0x29: {  	v4 =	vand.u32 $0x7C, v4;
	[tilespmem:s1], [sflag:$0x2] =	stream.indirect.gather [hbm4b:s4+s29], $0x20, s29, s29, $0xb8;
	[tilespmem:$0xA400] =	vst v63  }
0x2a: {  	v8 =	vmov s24;
	v7 =	vor.u32 v1, v4;
	v6 =	vld.idx.msk [tilespmem:v6+s30+$0x0], $0xffff  }
0x2b: {  	v4 =	vor.u32 v3, v4;
	v9 =	vshll.u32 v8, $0x5;
	v5 =	vld.idx.msk [tilespmem:v5+s30+$0x0], $0xffff  }
0x2c: {  	v10 =	vor.u32 v0, v9  }
0x2d: {  	v9 =	vor.u32 v2, v9;
	_ =	sdelay $0x1  }
0x2e: {  	[tilespmem:v7+s0+$0x0] =	vst.idx.msk $0xffff, v6  }
0x2f: {  	s25 =	simm.s32 $0x2;
	v6 =	vand.u32 $0x7D, v8;
	[tilespmem:v4+s0+$0x0] =	vst.idx.msk $0xffff, v5  }
0x30: {  	v7 =	vmov s25;
	v5 =	vor.u32 v1, v6;
	v4 =	vld.idx.msk [tilespmem:v10+s30+$0x0], $0xffff  }
0x31: {  	v6 =	vor.u32 v3, v6;
	v8 =	vld.idx.msk [tilespmem:v9+s30+$0x0], $0xffff;
	v9 =	vshll.u32 v7, $0x5  }
0x32: {  	v10 =	vor.u32 v0, v9;
	_ =	sdelay $0x2  }
0x33: {  	v9 =	vor.u32 v2, v9;
	[tilespmem:v5+s0+$0x0] =	vst.idx.msk $0xffff, v4  }
0x34: {  	v4 =	vand.u32 $0x7E, v7;
	[tilespmem:v6+s0+$0x0] =	vst.idx.msk $0xffff, v8  }
0x35: {  	v6 =	vor.u32 v1, v4;
	v5 =	vld.idx.msk [tilespmem:v10+s30+$0x0], $0xffff  }
0x36: {  	s26 =	simm.s32 $0x3  }
0x37: {  	v7 =	vmov s26  }
0x38: {  	v4 =	vor.u32 v3, v4;
	v8 =	vld.idx.msk [tilespmem:v9+s30+$0x0], $0xffff;
	v9 =	vshll.u32 v7, $0x5  }
0x39: {  	v10 =	vor.u32 v0, v9  }
0x3a: {  	[tilespmem:v6+s0+$0x0] =	vst.idx.msk $0xffff, v5;
	v5 =	vor.u32 v2, v9;
	_ =	sdelay $0x2  }
0x3b: {  	s20 =	simm.s32 $0x4;
	v6 =	vand.u32 $0x7F, v7;
	[tilespmem:v4+s0+$0x0] =	vst.idx.msk $0xffff, v8  }
0x3c: {  	v4 =	vmov s20;
	v9 =	vld.idx.msk [tilespmem:v10+s30+$0x0], $0xffff;
	v10 =	vor.u32 v1, v6  }
0x3d: {  	v8 =	vor.u32 v3, v6;
	v11 =	vshll.u32 v4, $0x5;
	v5 =	vld.idx.msk [tilespmem:v5+s30+$0x0], $0xffff  }
0x3e: {  	v7 =	vor.u32 v0, v11  }
0x3f: {  	v6 =	vor.u32 v2, v11;
	_ =	sdelay $0x1  }
0x40: {  	s21 =	simm.s32 $0x8;
	v4 =	vand.u32 $0x7C, v4;
	[tilespmem:v10+s0+$0x0] =	vst.idx.msk $0xffff, v9  }
.LBB2_2:
0x41: {  	p0 =	slt.u32 s21, $0x7C;
	[tilespmem:v8+s0+$0x0] =	vst.idx.msk $0xffff, v5;
	s22 =	smov.u32 s21;
	s21 =	sadd.s32 $0x4, s21  }
0x42: {  	s23 =	sadd.s32 $0x1, s20;
	v5 =	vld.idx.msk [tilespmem:v7+s30+$0x0], $0xffff  }
0x43: {  	v7 =	vor.u32 v1, v4;
	v8 =	vmov s23;
	v6 =	vld.idx.msk [tilespmem:v6+s30+$0x0], $0xffff  }
0x44: {  	v4 =	vor.u32 v3, v4;
	v9 =	vshll.u32 v8, $0x5;
	v8 =	vand.u32 $0x7D, v8  }
0x45: {  	v10 =	vor.u32 v0, v9  }
0x46: {  	v9 =	vor.u32 v2, v9;
	_ =	sdelay $0x1  }
0x47: {  	[tilespmem:v7+s0+$0x0] =	vst.idx.msk $0xffff, v5  }
0x48: {  	[tilespmem:v4+s0+$0x0] =	vst.idx.msk $0xffff, v6  }
0x49: {  	s23 =	sadd.s32 $0x2, s20;
	v4 =	vld.idx.msk [tilespmem:v10+s30+$0x0], $0xffff  }
0x4a: {  	v7 =	vmov s23;
	v6 =	vor.u32 v1, v8;
	v5 =	vld.idx.msk [tilespmem:v9+s30+$0x0], $0xffff  }
0x4b: {  	v8 =	vor.u32 v3, v8;
	v9 =	vshll.u32 v7, $0x5;
	v7 =	vand.u32 $0x7E, v7  }
0x4c: {  	v10 =	vor.u32 v0, v9  }
0x4d: {  	v9 =	vor.u32 v2, v9;
	_ =	sdelay $0x1  }
0x4e: {  	[tilespmem:v6+s0+$0x0] =	vst.idx.msk $0xffff, v4  }
0x4f: {  	[tilespmem:v8+s0+$0x0] =	vst.idx.msk $0xffff, v5  }
0x50: {  	s23 =	sadd.s32 $0x3, s20;
	s20 =	smov.u32 s22;
	v4 =	vld.idx.msk [tilespmem:v10+s30+$0x0], $0xffff  }
0x51: {  	v6 =	vor.u32 v1, v7;
	v8 =	vmov s23;
	v5 =	vld.idx.msk [tilespmem:v9+s30+$0x0], $0xffff  }
0x52: {  	v7 =	vor.u32 v3, v7;
	v9 =	vshll.u32 v8, $0x5;
	v8 =	vand.u32 $0x7F, v8  }
0x53: {  	v10 =	vor.u32 v0, v9  }
0x54: {  	v9 =	vor.u32 v2, v9;
	_ =	sdelay $0x1  }
0x55: {  	[tilespmem:v6+s0+$0x0] =	vst.idx.msk $0xffff, v4  }
0x56: {  	[tilespmem:v7+s0+$0x0] =	vst.idx.msk $0xffff, v5  }
0x57: {  	v10 =	vld.idx.msk [tilespmem:v10+s30+$0x0], $0xffff  }
0x58: {  	v4 =	vmov s20;
	v5 =	vld.idx.msk [tilespmem:v9+s30+$0x0], $0xffff;
	v9 =	vor.u32 v1, v8  }
.Ltmp0:
0x59: {  	v6 =	vshll.u32 v4, $0x5;
	v4 =	vand.u32 $0x7C, v4;
	v8 =	vor.u32 v3, v8;
	(pc) =	sbr.rel @p0 .LBB2_2-.Ltmp0, $2  }
0x5a: {  	v7 =	vor.u32 v0, v6;
	v6 =	vor.u32 v2, v6;
	_ =	sdelay $0x2  }
0x5b: {  	[tilespmem:v9+s0+$0x0] =	vst.idx.msk $0xffff, v10  }
0x5c: {  	_ =	sdelay $0x3  }
0x5d: {  	[tilespmem:v8+s0+$0x0] =	vst.idx.msk $0xffff, v5;
	s21 =	sadd.s32 $0x1, s20  }
0x5e: {  	v5 =	vld.idx.msk [tilespmem:v7+s30+$0x0], $0xffff;
	v7 =	vor.u32 v1, v4;
	v8 =	vmov s21  }
0x5f: {  	v6 =	vld.idx.msk [tilespmem:v6+s30+$0x0], $0xffff;
	v4 =	vor.u32 v3, v4;
	v9 =	vshll.u32 v8, $0x5  }
0x60: {  	v10 =	vor.u32 v0, v9  }
0x61: {  	v9 =	vor.u32 v2, v9;
	_ =	sdelay $0x1  }
0x62: {  	[tilespmem:v7+s0+$0x0] =	vst.idx.msk $0xffff, v5  }
0x63: {  	s26 =	sadd.s32 $0x2, s20;
	v5 =	vand.u32 $0x7D, v8;
	[tilespmem:v4+s0+$0x0] =	vst.idx.msk $0xffff, v6  }
0x64: {  	v7 =	vmov s26;
	v6 =	vor.u32 v1, v5;
	v4 =	vld.idx.msk [tilespmem:v10+s30+$0x0], $0xffff  }
0x65: {  	v5 =	vor.u32 v3, v5;
	v8 =	vld.idx.msk [tilespmem:v9+s30+$0x0], $0xffff;
	v9 =	vshll.u32 v7, $0x5  }
0x66: {  	v10 =	vor.u32 v0, v9  }
0x67: {  	v9 =	vor.u32 v2, v9;
	_ =	sdelay $0x1  }
0x68: {  	[tilespmem:v6+s0+$0x0] =	vst.idx.msk $0xffff, v4  }
0x69: {  	s22 =	sadd.s32 $0x3, s20;
	v4 =	vand.u32 $0x7E, v7;
	[tilespmem:v5+s0+$0x0] =	vst.idx.msk $0xffff, v8  }
0x6a: {  	v7 =	vmov s22;
	v6 =	vor.u32 v1, v4;
	v5 =	vld.idx.msk [tilespmem:v10+s30+$0x0], $0xffff  }
0x6b: {  	v4 =	vor.u32 v3, v4;
	v8 =	vld.idx.msk [tilespmem:v9+s30+$0x0], $0xffff;
	v9 =	vshll.u32 v7, $0x5  }
0x6c: {  	v10 =	vor.u32 v0, v9  }
0x6d: {  	v9 =	vor.u32 v2, v9;
	_ =	sdelay $0x1  }
0x6e: {  	[tilespmem:v6+s0+$0x0] =	vst.idx.msk $0xffff, v5  }
0x6f: {  	v5 =	vand.u32 $0x7F, v7;
	[tilespmem:v4+s0+$0x0] =	vst.idx.msk $0xffff, v8  }
0x70: {  	v6 =	vor.u32 v1, v5;
	v4 =	vld.idx.msk [tilespmem:v10+s30+$0x0], $0xffff  }
0x71: {  	v5 =	vor.u32 v3, v5;
	v7 =	vld.idx.msk [tilespmem:v9+s30+$0x0], $0xffff;
	_ =	sdelay $0x3  }
0x72: {  	[tilespmem:v6+s0+$0x0] =	vst.idx.msk $0xffff, v4  }
0x73: {  	s23 =	simm.s32 $0x0;
	s24 =	rddreg [dreg:$0x4];
	[tilespmem:v5+s0+$0x0] =	vst.idx.msk $0xffff, v7  }
0x74: {  	[hbm4b:s24+s23] =	stream.linear.scatter [tilespmem:s0], [sflag:$0x3], $0x400, $0x38;
	[tilespmem:$0xA400] =	vst v63  }
0x75: {  	s25 =	rddreg [dreg:$0x5]  }
0x76: {  	[hbm4b:s25+s23] =	stream.linear.scatter [tilespmem:s6], [sflag:$0x3], $0x400, $0x38;
	[tilespmem:$0xA400] =	vst v63  }
0x77: {  	s26 =	rddreg [dreg:$0x6]  }
0x78: {  	v4 =	vmov s23;
	[hbm4b:s26+s23] =	stream.linear.scatter [tilespmem:s8], [sflag:$0x3], $0x400, $0x38;
	[tilespmem:$0xA400] =	vst v63  }
0x79: {  	s22 =	rddreg [dreg:$0x7];
	v5 =	vshll.u32 v4, $0x5  }
0x7a: {  	v6 =	vor.u32 v0, v5;
	[hbm4b:s22+s23] =	stream.linear.scatter [tilespmem:s9], [sflag:$0x3], $0x400, $0x38;
	[tilespmem:$0xA400] =	vst v63  }
0x7b: {  	v5 =	vor.u32 v2, v5;
	_ =	swait.ge [sflag:s11], $0x1000  }
0x7c: {  	[sflag:s11] =	ssyncset.done $0x0  }
0x7d: {  	s24 =	simm.s32 $0x1;
	s23 =	simm.s32 $0x100;
	[sflag:s11] =	ssyncadd.s32 $0xFFFFF000  }
0x7e: {  	v4 =	vand.u32 $0x7C, v4;
	[tilespmem:s30], [sflag:$0x1] =	stream.indirect.gather [hbm4b:s4+s29], $0x20, s23, s29, $0xb8;
	[tilespmem:$0xA400] =	vst v63  }
0x7f: {  	v7 =	vor.u32 v1, v4;
	v8 =	vmov s24;
	v6 =	vld.idx.msk [tilespmem:v6+s1+$0x0], $0xffff  }
0x80: {  	v4 =	vor.u32 v3, v4;
	v9 =	vshll.u32 v8, $0x5;
	v5 =	vld.idx.msk [tilespmem:v5+s1+$0x0], $0xffff  }
0x81: {  	v10 =	vor.u32 v0, v9  }
0x82: {  	v9 =	vor.u32 v2, v9;
	_ =	sdelay $0x1  }
0x83: {  	[tilespmem:v7+s13+$0x0] =	vst.idx.msk $0xffff, v6  }
0x84: {  	s25 =	simm.s32 $0x2;
	v6 =	vand.u32 $0x7D, v8;
	[tilespmem:v4+s13+$0x0] =	vst.idx.msk $0xffff, v5  }
0x85: {  	v7 =	vmov s25;
	v5 =	vor.u32 v1, v6;
	v4 =	vld.idx.msk [tilespmem:v10+s1+$0x0], $0xffff  }
0x86: {  	v6 =	vor.u32 v3, v6;
	v8 =	vld.idx.msk [tilespmem:v9+s1+$0x0], $0xffff;
	v9 =	vshll.u32 v7, $0x5  }
0x87: {  	v10 =	vor.u32 v0, v9;
	_ =	sdelay $0x2  }
0x88: {  	v9 =	vor.u32 v2, v9;
	[tilespmem:v5+s13+$0x0] =	vst.idx.msk $0xffff, v4  }
0x89: {  	v4 =	vand.u32 $0x7E, v7;
	[tilespmem:v6+s13+$0x0] =	vst.idx.msk $0xffff, v8  }
0x8a: {  	v6 =	vor.u32 v1, v4;
	v5 =	vld.idx.msk [tilespmem:v10+s1+$0x0], $0xffff  }
0x8b: {  	s26 =	simm.s32 $0x3  }
0x8c: {  	v7 =	vmov s26  }
0x8d: {  	v4 =	vor.u32 v3, v4;
	v8 =	vld.idx.msk [tilespmem:v9+s1+$0x0], $0xffff;
	v9 =	vshll.u32 v7, $0x5  }
0x8e: {  	v10 =	vor.u32 v0, v9  }
0x8f: {  	[tilespmem:v6+s13+$0x0] =	vst.idx.msk $0xffff, v5;
	v5 =	vor.u32 v2, v9;
	_ =	sdelay $0x2  }
0x90: {  	s20 =	simm.s32 $0x4;
	v6 =	vand.u32 $0x7F, v7;
	[tilespmem:v4+s13+$0x0] =	vst.idx.msk $0xffff, v8  }
0x91: {  	v4 =	vmov s20;
	v9 =	vld.idx.msk [tilespmem:v10+s1+$0x0], $0xffff;
	v10 =	vor.u32 v1, v6  }
0x92: {  	v8 =	vor.u32 v3, v6;
	v11 =	vshll.u32 v4, $0x5;
	v5 =	vld.idx.msk [tilespmem:v5+s1+$0x0], $0xffff  }
0x93: {  	v7 =	vor.u32 v0, v11  }
0x94: {  	v6 =	vor.u32 v2, v11;
	_ =	sdelay $0x1  }
0x95: {  	s21 =	simm.s32 $0x8;
	v4 =	vand.u32 $0x7C, v4;
	[tilespmem:v10+s13+$0x0] =	vst.idx.msk $0xffff, v9  }
.LBB2_4:
0x96: {  	p0 =	slt.u32 s21, $0x7C;
	[tilespmem:v8+s13+$0x0] =	vst.idx.msk $0xffff, v5;
	s22 =	smov.u32 s21;
	s21 =	sadd.s32 $0x4, s21  }
0x97: {  	s23 =	sadd.s32 $0x1, s20;
	v5 =	vld.idx.msk [tilespmem:v7+s1+$0x0], $0xffff  }
0x98: {  	v7 =	vor.u32 v1, v4;
	v8 =	vmov s23;
	v6 =	vld.idx.msk [tilespmem:v6+s1+$0x0], $0xffff  }
0x99: {  	v4 =	vor.u32 v3, v4;
	v9 =	vshll.u32 v8, $0x5;
	v8 =	vand.u32 $0x7D, v8  }
0x9a: {  	v10 =	vor.u32 v0, v9  }
0x9b: {  	v9 =	vor.u32 v2, v9;
	_ =	sdelay $0x1  }
0x9c: {  	[tilespmem:v7+s13+$0x0] =	vst.idx.msk $0xffff, v5  }
0x9d: {  	[tilespmem:v4+s13+$0x0] =	vst.idx.msk $0xffff, v6  }
0x9e: {  	s23 =	sadd.s32 $0x2, s20;
	v4 =	vld.idx.msk [tilespmem:v10+s1+$0x0], $0xffff  }
0x9f: {  	v7 =	vmov s23;
	v6 =	vor.u32 v1, v8;
	v5 =	vld.idx.msk [tilespmem:v9+s1+$0x0], $0xffff  }
0xa0: {  	v8 =	vor.u32 v3, v8;
	v9 =	vshll.u32 v7, $0x5;
	v7 =	vand.u32 $0x7E, v7  }
0xa1: {  	v10 =	vor.u32 v0, v9  }
0xa2: {  	v9 =	vor.u32 v2, v9;
	_ =	sdelay $0x1  }
0xa3: {  	[tilespmem:v6+s13+$0x0] =	vst.idx.msk $0xffff, v4  }
0xa4: {  	[tilespmem:v8+s13+$0x0] =	vst.idx.msk $0xffff, v5  }
0xa5: {  	s23 =	sadd.s32 $0x3, s20;
	s20 =	smov.u32 s22;
	v4 =	vld.idx.msk [tilespmem:v10+s1+$0x0], $0xffff  }
0xa6: {  	v6 =	vor.u32 v1, v7;
	v8 =	vmov s23;
	v5 =	vld.idx.msk [tilespmem:v9+s1+$0x0], $0xffff  }
0xa7: {  	v7 =	vor.u32 v3, v7;
	v9 =	vshll.u32 v8, $0x5;
	v8 =	vand.u32 $0x7F, v8  }
0xa8: {  	v10 =	vor.u32 v0, v9  }
0xa9: {  	v9 =	vor.u32 v2, v9;
	_ =	sdelay $0x1  }
0xaa: {  	[tilespmem:v6+s13+$0x0] =	vst.idx.msk $0xffff, v4  }
0xab: {  	[tilespmem:v7+s13+$0x0] =	vst.idx.msk $0xffff, v5  }
0xac: {  	v10 =	vld.idx.msk [tilespmem:v10+s1+$0x0], $0xffff  }
0xad: {  	v4 =	vmov s20;
	v5 =	vld.idx.msk [tilespmem:v9+s1+$0x0], $0xffff;
	v9 =	vor.u32 v1, v8  }
.Ltmp1:
0xae: {  	v6 =	vshll.u32 v4, $0x5;
	v4 =	vand.u32 $0x7C, v4;
	v8 =	vor.u32 v3, v8;
	(pc) =	sbr.rel @p0 .LBB2_4-.Ltmp1, $2  }
0xaf: {  	v7 =	vor.u32 v0, v6;
	v6 =	vor.u32 v2, v6;
	_ =	sdelay $0x2  }
0xb0: {  	[tilespmem:v9+s13+$0x0] =	vst.idx.msk $0xffff, v10  }
0xb1: {  	_ =	sdelay $0x3  }
0xb2: {  	[tilespmem:v8+s13+$0x0] =	vst.idx.msk $0xffff, v5;
	s21 =	sadd.s32 $0x1, s20  }
0xb3: {  	v51 =	vor.u32 v1, v4;
	v5 =	vld.idx.msk [tilespmem:v7+s1+$0x0], $0xffff;
	v52 =	vmov s21  }
0xb4: {  	v4 =	vor.u32 v3, v4;
	v6 =	vld.idx.msk [tilespmem:v6+s1+$0x0], $0xffff;
	v9 =	vshll.u32 v52, $0x5  }
0xb5: {  	v10 =	vor.u32 v0, v9  }
0xb6: {  	v9 =	vor.u32 v2, v9;
	_ =	sdelay $0x1  }
0xb7: {  	[tilespmem:v51+s13+$0x0] =	vst.idx.msk $0xffff, v5  }
0xb8: {  	s26 =	sadd.s32 $0x2, s20;
	v5 =	vand.u32 $0x7D, v52;
	[tilespmem:v4+s13+$0x0] =	vst.idx.msk $0xffff, v6  }
0xb9: {  	v54 =	vmov s26;
	v53 =	vor.u32 v1, v5;
	v4 =	vld.idx.msk [tilespmem:v10+s1+$0x0], $0xffff  }
0xba: {  	v56 =	vshll.u32 v54, $0x5;
	v5 =	vor.u32 v3, v5;
	v55 =	vld.idx.msk [tilespmem:v9+s1+$0x0], $0xffff  }
0xbb: {  	v57 =	vor.u32 v0, v56  }
0xbc: {  	v9 =	vor.u32 v2, v56;
	_ =	sdelay $0x1  }
0xbd: {  	[tilespmem:v53+s13+$0x0] =	vst.idx.msk $0xffff, v4  }
0xbe: {  	s22 =	sadd.s32 $0x3, s20;
	v4 =	vand.u32 $0x7E, v54;
	[tilespmem:v5+s13+$0x0] =	vst.idx.msk $0xffff, v55  }
0xbf: {  	v59 =	vmov s22;
	v58 =	vor.u32 v1, v4;
	v5 =	vld.idx.msk [tilespmem:v57+s1+$0x0], $0xffff  }
0xc0: {  	v60 =	vshll.u32 v59, $0x5;
	v4 =	vor.u32 v3, v4;
	v8 =	vld.idx.msk [tilespmem:v9+s1+$0x0], $0xffff  }
0xc1: {  	v61 =	vor.u32 v0, v60  }
0xc2: {  	v9 =	vor.u32 v2, v60;
	_ =	sdelay $0x1  }
0xc3: {  	[tilespmem:v58+s13+$0x0] =	vst.idx.msk $0xffff, v5  }
0xc4: {  	v5 =	vand.u32 $0x7F, v59;
	[tilespmem:v4+s13+$0x0] =	vst.idx.msk $0xffff, v8  }
0xc5: {  	v62 =	vor.u32 v1, v5;
	v4 =	vld.idx.msk [tilespmem:v61+s1+$0x0], $0xffff  }
0xc6: {  	v5 =	vor.u32 v3, v5;
	v63 =	vld.idx.msk [tilespmem:v9+s1+$0x0], $0xffff;
	_ =	sdelay $0x3  }
0xc7: {  	[tilespmem:v62+s13+$0x0] =	vst.idx.msk $0xffff, v4  }
0xc8: {  	s23 =	rddreg [dreg:$0x8];
	[tilespmem:v5+s13+$0x0] =	vst.idx.msk $0xffff, v63  }
0xc9: {  	[hbm4b:s23+s3] =	stream.linear.scatter [tilespmem:s13], [sflag:$0x4], $0x400, $0x38;
	[tilespmem:$0xA400] =	vst v63  }
0xca: {  	s24 =	rddreg [dreg:$0x9]  }
0xcb: {  	[hbm4b:s24+s3] =	stream.linear.scatter [tilespmem:s14], [sflag:$0x4], $0x400, $0x38;
	[tilespmem:$0xA400] =	vst v63  }
0xcc: {  	s25 =	rddreg [dreg:$0xa]  }
0xcd: {  	[hbm4b:s25+s3] =	stream.linear.scatter [tilespmem:s15], [sflag:$0x4], $0x400, $0x38;
	[tilespmem:$0xA400] =	vst v63  }
0xce: {  	s20 =	simm.s32 $0x1;
	s26 =	rddreg [dreg:$0xb]  }
0xcf: {  	[hbm4b:s26+s3] =	stream.linear.scatter [tilespmem:s16], [sflag:$0x4], $0x400, $0x38;
	[tilespmem:$0xA400] =	vst v63  }
.LBB2_6:
0xd0: {  	_ =	swait.ge [sflag:s31], $0x1000;
	s21 =	sshllo.u32 s20, $0x1  }
0xd1: {  	[sflag:s31] =	ssyncset.done $0x0;
	s22 =	sshll.u32 s21, $0x7  }
0xd2: {  	[sflag:s31] =	ssyncadd.s32 $0xFFFFF000;
	s22 =	sand.u32 $0x3FFFFF80, s22  }
0xd3: {  	[tilespmem:s1], [sflag:$0x2] =	stream.indirect.gather [hbm4b:s4+s29], $0x20, s22, s29, $0xb8;
	[tilespmem:$0xA400] =	vst v63  }
0xd4: {  	_ =	swait.ge [sflag:s17], $0x400  }
0xd5: {  	[sflag:s17] =	ssyncset.done $0x0  }
0xd6: {  	[sflag:s17] =	ssyncadd.s32 $0xFFFFFC00  }
0xd7: {  	_ =	swait.ge [sflag:s17], $0x400  }
0xd8: {  	s23 =	simm.s32 $0x0;
	[sflag:s17] =	ssyncset.done $0x0  }
0xd9: {  	v4 =	vmov s23;
	[sflag:s17] =	ssyncadd.s32 $0xFFFFFC00  }
0xda: {  	v5 =	vshll.u32 v4, $0x5;
	_ =	swait.ge [sflag:s17], $0x400  }
0xdb: {  	v6 =	vor.u32 v0, v5;
	[sflag:s17] =	ssyncset.done $0x0  }
0xdc: {  	v5 =	vor.u32 v2, v5;
	[sflag:s17] =	ssyncadd.s32 $0xFFFFFC00  }
0xdd: {  	_ =	swait.ge [sflag:s17], $0x400  }
0xde: {  	[sflag:s17] =	ssyncset.done $0x0  }
0xdf: {  	s24 =	simm.s32 $0x1;
	v4 =	vand.u32 $0x7C, v4;
	[sflag:s17] =	ssyncadd.s32 $0xFFFFFC00  }
0xe0: {  	v8 =	vmov s24;
	v7 =	vor.u32 v1, v4;
	v6 =	vld.idx.msk [tilespmem:v6+s30+$0x0], $0xffff  }
0xe1: {  	v9 =	vshll.u32 v8, $0x5;
	v4 =	vor.u32 v3, v4;
	v5 =	vld.idx.msk [tilespmem:v5+s30+$0x0], $0xffff  }
0xe2: {  	v10 =	vor.u32 v0, v9  }
0xe3: {  	v9 =	vor.u32 v2, v9;
	_ =	sdelay $0x1  }
0xe4: {  	[tilespmem:v7+s0+$0x0] =	vst.idx.msk $0xffff, v6  }
0xe5: {  	s25 =	simm.s32 $0x2;
	v6 =	vand.u32 $0x7D, v8;
	[tilespmem:v4+s0+$0x0] =	vst.idx.msk $0xffff, v5  }
0xe6: {  	v7 =	vmov s25;
	v5 =	vor.u32 v1, v6;
	v4 =	vld.idx.msk [tilespmem:v10+s30+$0x0], $0xffff  }
0xe7: {  	v6 =	vor.u32 v3, v6;
	v8 =	vld.idx.msk [tilespmem:v9+s30+$0x0], $0xffff;
	v9 =	vshll.u32 v7, $0x5  }
0xe8: {  	v10 =	vor.u32 v0, v9;
	_ =	sdelay $0x2  }
0xe9: {  	v9 =	vor.u32 v2, v9;
	[tilespmem:v5+s0+$0x0] =	vst.idx.msk $0xffff, v4  }
0xea: {  	v4 =	vand.u32 $0x7E, v7;
	[tilespmem:v6+s0+$0x0] =	vst.idx.msk $0xffff, v8  }
0xeb: {  	v6 =	vor.u32 v1, v4;
	v5 =	vld.idx.msk [tilespmem:v10+s30+$0x0], $0xffff  }
0xec: {  	s26 =	simm.s32 $0x3  }
0xed: {  	v7 =	vmov s26  }
0xee: {  	v4 =	vor.u32 v3, v4;
	v8 =	vld.idx.msk [tilespmem:v9+s30+$0x0], $0xffff;
	v9 =	vshll.u32 v7, $0x5  }
0xef: {  	v10 =	vor.u32 v0, v9  }
0xf0: {  	[tilespmem:v6+s0+$0x0] =	vst.idx.msk $0xffff, v5;
	v5 =	vor.u32 v2, v9;
	_ =	sdelay $0x2  }
0xf1: {  	s23 =	simm.s32 $0x4;
	v6 =	vand.u32 $0x7F, v7;
	[tilespmem:v4+s0+$0x0] =	vst.idx.msk $0xffff, v8  }
0xf2: {  	v4 =	vmov s23;
	v9 =	vld.idx.msk [tilespmem:v10+s30+$0x0], $0xffff;
	v10 =	vor.u32 v1, v6  }
0xf3: {  	v7 =	vor.u32 v3, v6;
	v11 =	vshll.u32 v4, $0x5;
	v5 =	vld.idx.msk [tilespmem:v5+s30+$0x0], $0xffff  }
0xf4: {  	v8 =	vor.u32 v0, v11  }
0xf5: {  	v6 =	vor.u32 v2, v11;
	_ =	sdelay $0x1  }
0xf6: {  	s24 =	simm.s32 $0x8;
	s22 =	sshll.u32 s20, $0x1;
	v4 =	vand.u32 $0x7C, v4;
	[tilespmem:v10+s0+$0x0] =	vst.idx.msk $0xffff, v9  }
.LBB2_7:
0xf7: {  	p0 =	slt.u32 s24, $0x7C;
	[tilespmem:v7+s0+$0x0] =	vst.idx.msk $0xffff, v5;
	s25 =	smov.u32 s24;
	s24 =	sadd.s32 $0x4, s24  }
0xf8: {  	s26 =	sadd.s32 $0x1, s23;
	v5 =	vld.idx.msk [tilespmem:v8+s30+$0x0], $0xffff  }
0xf9: {  	v7 =	vor.u32 v1, v4;
	v8 =	vmov s26;
	v6 =	vld.idx.msk [tilespmem:v6+s30+$0x0], $0xffff  }
0xfa: {  	v4 =	vor.u32 v3, v4;
	v9 =	vshll.u32 v8, $0x5;
	v8 =	vand.u32 $0x7D, v8  }
0xfb: {  	v10 =	vor.u32 v0, v9  }
0xfc: {  	v9 =	vor.u32 v2, v9;
	_ =	sdelay $0x1  }
0xfd: {  	[tilespmem:v7+s0+$0x0] =	vst.idx.msk $0xffff, v5  }
0xfe: {  	[tilespmem:v4+s0+$0x0] =	vst.idx.msk $0xffff, v6  }
0xff: {  	s26 =	sadd.s32 $0x2, s23;
	v4 =	vld.idx.msk [tilespmem:v10+s30+$0x0], $0xffff  }
0x100: {  	v7 =	vmov s26;
	v6 =	vor.u32 v1, v8;
	v5 =	vld.idx.msk [tilespmem:v9+s30+$0x0], $0xffff  }
0x101: {  	v8 =	vor.u32 v3, v8;
	v9 =	vshll.u32 v7, $0x5;
	v7 =	vand.u32 $0x7E, v7  }
0x102: {  	v10 =	vor.u32 v0, v9  }
0x103: {  	v9 =	vor.u32 v2, v9;
	_ =	sdelay $0x1  }
0x104: {  	[tilespmem:v6+s0+$0x0] =	vst.idx.msk $0xffff, v4  }
0x105: {  	[tilespmem:v8+s0+$0x0] =	vst.idx.msk $0xffff, v5  }
0x106: {  	s26 =	sadd.s32 $0x3, s23;
	s23 =	smov.u32 s25;
	v4 =	vld.idx.msk [tilespmem:v10+s30+$0x0], $0xffff  }
0x107: {  	v6 =	vor.u32 v1, v7;
	v8 =	vmov s26;
	v5 =	vld.idx.msk [tilespmem:v9+s30+$0x0], $0xffff  }
0x108: {  	v7 =	vor.u32 v3, v7;
	v9 =	vshll.u32 v8, $0x5;
	v8 =	vand.u32 $0x7F, v8  }
0x109: {  	v10 =	vor.u32 v0, v9  }
0x10a: {  	v9 =	vor.u32 v2, v9;
	_ =	sdelay $0x1  }
0x10b: {  	[tilespmem:v6+s0+$0x0] =	vst.idx.msk $0xffff, v4  }
0x10c: {  	[tilespmem:v7+s0+$0x0] =	vst.idx.msk $0xffff, v5  }
0x10d: {  	v10 =	vld.idx.msk [tilespmem:v10+s30+$0x0], $0xffff  }
0x10e: {  	v4 =	vmov s23;
	v5 =	vld.idx.msk [tilespmem:v9+s30+$0x0], $0xffff;
	v9 =	vor.u32 v1, v8  }
.Ltmp2:
0x10f: {  	v6 =	vshll.u32 v4, $0x5;
	v4 =	vand.u32 $0x7C, v4;
	v7 =	vor.u32 v3, v8;
	(pc) =	sbr.rel @p0 .LBB2_7-.Ltmp2, $2  }
0x110: {  	v8 =	vor.u32 v0, v6;
	v6 =	vor.u32 v2, v6;
	_ =	sdelay $0x2  }
0x111: {  	[tilespmem:v9+s0+$0x0] =	vst.idx.msk $0xffff, v10  }
0x112: {  	_ =	sdelay $0x3  }
0x113: {  	[tilespmem:v7+s0+$0x0] =	vst.idx.msk $0xffff, v5;
	s24 =	sadd.s32 $0x1, s23  }
0x114: {  	v7 =	vor.u32 v1, v4;
	v5 =	vld.idx.msk [tilespmem:v8+s30+$0x0], $0xffff;
	v8 =	vmov s24  }
0x115: {  	v4 =	vor.u32 v3, v4;
	v6 =	vld.idx.msk [tilespmem:v6+s30+$0x0], $0xffff;
	v9 =	vshll.u32 v8, $0x5  }
0x116: {  	v10 =	vor.u32 v0, v9  }
0x117: {  	v9 =	vor.u32 v2, v9;
	_ =	sdelay $0x1  }
0x118: {  	[tilespmem:v7+s0+$0x0] =	vst.idx.msk $0xffff, v5  }
0x119: {  	s25 =	sadd.s32 $0x2, s23;
	v5 =	vand.u32 $0x7D, v8;
	[tilespmem:v4+s0+$0x0] =	vst.idx.msk $0xffff, v6  }
0x11a: {  	v7 =	vmov s25;
	v6 =	vor.u32 v1, v5;
	v4 =	vld.idx.msk [tilespmem:v10+s30+$0x0], $0xffff  }
0x11b: {  	v5 =	vor.u32 v3, v5;
	v8 =	vld.idx.msk [tilespmem:v9+s30+$0x0], $0xffff;
	v9 =	vshll.u32 v7, $0x5  }
0x11c: {  	v10 =	vor.u32 v0, v9  }
0x11d: {  	v9 =	vor.u32 v2, v9;
	_ =	sdelay $0x1  }
0x11e: {  	[tilespmem:v6+s0+$0x0] =	vst.idx.msk $0xffff, v4  }
0x11f: {  	s26 =	sadd.s32 $0x3, s23;
	v4 =	vand.u32 $0x7E, v7;
	[tilespmem:v5+s0+$0x0] =	vst.idx.msk $0xffff, v8  }
0x120: {  	v7 =	vmov s26;
	v6 =	vor.u32 v1, v4;
	v5 =	vld.idx.msk [tilespmem:v10+s30+$0x0], $0xffff  }
0x121: {  	v4 =	vor.u32 v3, v4;
	v8 =	vld.idx.msk [tilespmem:v9+s30+$0x0], $0xffff;
	v9 =	vshll.u32 v7, $0x5  }
0x122: {  	v10 =	vor.u32 v0, v9  }
0x123: {  	v9 =	vor.u32 v2, v9;
	_ =	sdelay $0x1  }
0x124: {  	[tilespmem:v6+s0+$0x0] =	vst.idx.msk $0xffff, v5  }
0x125: {  	v5 =	vand.u32 $0x7F, v7;
	[tilespmem:v4+s0+$0x0] =	vst.idx.msk $0xffff, v8  }
0x126: {  	v6 =	vor.u32 v1, v5;
	v4 =	vld.idx.msk [tilespmem:v10+s30+$0x0], $0xffff  }
0x127: {  	v5 =	vor.u32 v3, v5;
	v7 =	vld.idx.msk [tilespmem:v9+s30+$0x0], $0xffff  }
0x128: {  	s22 =	sadd.s32 s5, s22  }
0x129: {  	s24 =	sshll.u32 s22, $0x9;
	s22 =	sshll.u32 s22, $0x7  }
0x12a: {  	s23 =	sand.u32 $0xFFFC000, s24;
	s22 =	sand.u32 $0xF00, s22  }
0x12b: {  	s22 =	sor.u32 s22, s23;
	[tilespmem:v6+s0+$0x0] =	vst.idx.msk $0xffff, v4  }
0x12c: {  	s24 =	simm.s32 $0x0;
	s23 =	sadd.s32 s2, s22;
	[tilespmem:v5+s0+$0x0] =	vst.idx.msk $0xffff, v7  }
0x12d: {  	[hbm4b:s23+s24] =	stream.linear.scatter [tilespmem:s0], [sflag:$0x3], $0x400, $0x38;
	[tilespmem:$0xA400] =	vst v63  }
0x12e: {  	s25 =	sadd.s32 s22, s7  }
0x12f: {  	[hbm4b:s25+s24] =	stream.linear.scatter [tilespmem:s6], [sflag:$0x3], $0x400, $0x38;
	[tilespmem:$0xA400] =	vst v63  }
0x130: {  	s26 =	sadd.s32 s22, s10  }
0x131: {  	[hbm4b:s26+s24] =	stream.linear.scatter [tilespmem:s8], [sflag:$0x3], $0x400, $0x38;
	[tilespmem:$0xA400] =	vst v63  }
0x132: {  	s22 =	sadd.s32 s22, s12  }
0x133: {  	[hbm4b:s22+s24] =	stream.linear.scatter [tilespmem:s9], [sflag:$0x3], $0x400, $0x38;
	[tilespmem:$0xA400] =	vst v63  }
0x134: {  	s23 =	sshll.u32 s20, $0x8;
	_ =	swait.ge [sflag:s11], $0x1000  }
0x135: {  	s22 =	sand.u32 $0x3FFFFF00, s23;
	[sflag:s11] =	ssyncset.done $0x0  }
0x136: {  	s22 =	sadd.s32 $0x100, s22;
	[sflag:s11] =	ssyncadd.s32 $0xFFFFF000  }
0x137: {  	[tilespmem:s30], [sflag:$0x1] =	stream.indirect.gather [hbm4b:s4+s29], $0x20, s22, s29, $0xb8;
	[tilespmem:$0xA400] =	vst v63  }
0x138: {  	_ =	swait.ge [sflag:s18], $0x400  }
0x139: {  	[sflag:s18] =	ssyncset.done $0x0  }
0x13a: {  	[sflag:s18] =	ssyncadd.s32 $0xFFFFFC00  }
0x13b: {  	_ =	swait.ge [sflag:s18], $0x400  }
0x13c: {  	[sflag:s18] =	ssyncset.done $0x0  }
0x13d: {  	v4 =	vmov s24;
	[sflag:s18] =	ssyncadd.s32 $0xFFFFFC00  }
0x13e: {  	v5 =	vshll.u32 v4, $0x5;
	_ =	swait.ge [sflag:s18], $0x400  }
0x13f: {  	v6 =	vor.u32 v0, v5;
	[sflag:s18] =	ssyncset.done $0x0  }
0x140: {  	v5 =	vor.u32 v2, v5;
	[sflag:s18] =	ssyncadd.s32 $0xFFFFFC00  }
0x141: {  	_ =	swait.ge [sflag:s18], $0x400  }
0x142: {  	[sflag:s18] =	ssyncset.done $0x0  }
0x143: {  	v4 =	vand.u32 $0x7C, v4;
	s24 =	simm.s32 $0x1;
	[sflag:s18] =	ssyncadd.s32 $0xFFFFFC00  }
0x144: {  	v7 =	vor.u32 v1, v4;
	v8 =	vmov s24;
	v6 =	vld.idx.msk [tilespmem:v6+s1+$0x0], $0xffff  }
0x145: {  	v4 =	vor.u32 v3, v4;
	v9 =	vshll.u32 v8, $0x5;
	v5 =	vld.idx.msk [tilespmem:v5+s1+$0x0], $0xffff  }
0x146: {  	v10 =	vor.u32 v0, v9  }
0x147: {  	v9 =	vor.u32 v2, v9;
	_ =	sdelay $0x1  }
0x148: {  	[tilespmem:v7+s13+$0x0] =	vst.idx.msk $0xffff, v6  }
0x149: {  	s25 =	simm.s32 $0x2;
	v6 =	vand.u32 $0x7D, v8;
	[tilespmem:v4+s13+$0x0] =	vst.idx.msk $0xffff, v5  }
0x14a: {  	v7 =	vmov s25;
	v5 =	vor.u32 v1, v6;
	v4 =	vld.idx.msk [tilespmem:v10+s1+$0x0], $0xffff  }
0x14b: {  	v6 =	vor.u32 v3, v6;
	v8 =	vld.idx.msk [tilespmem:v9+s1+$0x0], $0xffff;
	v9 =	vshll.u32 v7, $0x5  }
0x14c: {  	v10 =	vor.u32 v0, v9;
	_ =	sdelay $0x2  }
0x14d: {  	v9 =	vor.u32 v2, v9;
	[tilespmem:v5+s13+$0x0] =	vst.idx.msk $0xffff, v4  }
0x14e: {  	v4 =	vand.u32 $0x7E, v7;
	[tilespmem:v6+s13+$0x0] =	vst.idx.msk $0xffff, v8  }
0x14f: {  	v6 =	vor.u32 v1, v4;
	v5 =	vld.idx.msk [tilespmem:v10+s1+$0x0], $0xffff  }
0x150: {  	s26 =	simm.s32 $0x3  }
0x151: {  	v7 =	vmov s26  }
0x152: {  	v4 =	vor.u32 v3, v4;
	v8 =	vld.idx.msk [tilespmem:v9+s1+$0x0], $0xffff;
	v9 =	vshll.u32 v7, $0x5  }
0x153: {  	v10 =	vor.u32 v0, v9  }
0x154: {  	[tilespmem:v6+s13+$0x0] =	vst.idx.msk $0xffff, v5;
	v5 =	vor.u32 v2, v9;
	_ =	sdelay $0x2  }
0x155: {  	s22 =	simm.s32 $0x4;
	v6 =	vand.u32 $0x7F, v7;
	[tilespmem:v4+s13+$0x0] =	vst.idx.msk $0xffff, v8  }
0x156: {  	v4 =	vmov s22;
	v9 =	vld.idx.msk [tilespmem:v10+s1+$0x0], $0xffff;
	v10 =	vor.u32 v1, v6  }
0x157: {  	v8 =	vor.u32 v3, v6;
	v11 =	vshll.u32 v4, $0x5;
	v5 =	vld.idx.msk [tilespmem:v5+s1+$0x0], $0xffff  }
0x158: {  	v7 =	vor.u32 v0, v11  }
0x159: {  	v6 =	vor.u32 v2, v11;
	_ =	sdelay $0x1  }
0x15a: {  	s23 =	simm.s32 $0x8;
	v4 =	vand.u32 $0x7C, v4;
	[tilespmem:v10+s13+$0x0] =	vst.idx.msk $0xffff, v9  }
.LBB2_9:
0x15b: {  	p0 =	slt.u32 s23, $0x7C;
	[tilespmem:v8+s13+$0x0] =	vst.idx.msk $0xffff, v5;
	s24 =	smov.u32 s23;
	s23 =	sadd.s32 $0x4, s23  }
0x15c: {  	s25 =	sadd.s32 $0x1, s22;
	v5 =	vld.idx.msk [tilespmem:v7+s1+$0x0], $0xffff  }
0x15d: {  	v7 =	vor.u32 v1, v4;
	v8 =	vmov s25;
	v6 =	vld.idx.msk [tilespmem:v6+s1+$0x0], $0xffff  }
0x15e: {  	v4 =	vor.u32 v3, v4;
	v9 =	vshll.u32 v8, $0x5;
	v8 =	vand.u32 $0x7D, v8  }
0x15f: {  	v10 =	vor.u32 v0, v9  }
0x160: {  	v9 =	vor.u32 v2, v9;
	_ =	sdelay $0x1  }
0x161: {  	[tilespmem:v7+s13+$0x0] =	vst.idx.msk $0xffff, v5  }
0x162: {  	[tilespmem:v4+s13+$0x0] =	vst.idx.msk $0xffff, v6  }
0x163: {  	s25 =	sadd.s32 $0x2, s22;
	v4 =	vld.idx.msk [tilespmem:v10+s1+$0x0], $0xffff  }
0x164: {  	v7 =	vmov s25;
	v6 =	vor.u32 v1, v8;
	v5 =	vld.idx.msk [tilespmem:v9+s1+$0x0], $0xffff  }
0x165: {  	v8 =	vor.u32 v3, v8;
	v9 =	vshll.u32 v7, $0x5;
	v7 =	vand.u32 $0x7E, v7  }
0x166: {  	v10 =	vor.u32 v0, v9  }
0x167: {  	v9 =	vor.u32 v2, v9;
	_ =	sdelay $0x1  }
0x168: {  	[tilespmem:v6+s13+$0x0] =	vst.idx.msk $0xffff, v4  }
0x169: {  	[tilespmem:v8+s13+$0x0] =	vst.idx.msk $0xffff, v5  }
0x16a: {  	s25 =	sadd.s32 $0x3, s22;
	s22 =	smov.u32 s24;
	v4 =	vld.idx.msk [tilespmem:v10+s1+$0x0], $0xffff  }
0x16b: {  	v6 =	vor.u32 v1, v7;
	v8 =	vmov s25;
	v5 =	vld.idx.msk [tilespmem:v9+s1+$0x0], $0xffff  }
0x16c: {  	v7 =	vor.u32 v3, v7;
	v9 =	vshll.u32 v8, $0x5;
	v8 =	vand.u32 $0x7F, v8  }
0x16d: {  	v10 =	vor.u32 v0, v9  }
0x16e: {  	v9 =	vor.u32 v2, v9;
	_ =	sdelay $0x1  }
0x16f: {  	[tilespmem:v6+s13+$0x0] =	vst.idx.msk $0xffff, v4  }
0x170: {  	[tilespmem:v7+s13+$0x0] =	vst.idx.msk $0xffff, v5  }
0x171: {  	v10 =	vld.idx.msk [tilespmem:v10+s1+$0x0], $0xffff  }
0x172: {  	v4 =	vmov s22;
	v5 =	vld.idx.msk [tilespmem:v9+s1+$0x0], $0xffff;
	v9 =	vor.u32 v1, v8  }
.Ltmp3:
0x173: {  	v6 =	vshll.u32 v4, $0x5;
	v4 =	vand.u32 $0x7C, v4;
	v8 =	vor.u32 v3, v8;
	(pc) =	sbr.rel @p0 .LBB2_9-.Ltmp3, $2  }
0x174: {  	v7 =	vor.u32 v0, v6;
	v6 =	vor.u32 v2, v6;
	_ =	sdelay $0x2  }
0x175: {  	[tilespmem:v9+s13+$0x0] =	vst.idx.msk $0xffff, v10  }
0x176: {  	_ =	sdelay $0x3  }
0x177: {  	[tilespmem:v8+s13+$0x0] =	vst.idx.msk $0xffff, v5;
	s23 =	sadd.s32 $0x1, s22  }
0x178: {  	v51 =	vor.u32 v1, v4;
	v5 =	vld.idx.msk [tilespmem:v7+s1+$0x0], $0xffff;
	v52 =	vmov s23  }
0x179: {  	v4 =	vor.u32 v3, v4;
	v6 =	vld.idx.msk [tilespmem:v6+s1+$0x0], $0xffff;
	v9 =	vshll.u32 v52, $0x5  }
0x17a: {  	v10 =	vor.u32 v0, v9  }
0x17b: {  	v9 =	vor.u32 v2, v9;
	_ =	sdelay $0x1  }
0x17c: {  	[tilespmem:v51+s13+$0x0] =	vst.idx.msk $0xffff, v5  }
0x17d: {  	s26 =	sadd.s32 $0x2, s22;
	v5 =	vand.u32 $0x7D, v52;
	[tilespmem:v4+s13+$0x0] =	vst.idx.msk $0xffff, v6  }
0x17e: {  	v54 =	vmov s26;
	v53 =	vor.u32 v1, v5;
	v4 =	vld.idx.msk [tilespmem:v10+s1+$0x0], $0xffff  }
0x17f: {  	v56 =	vshll.u32 v54, $0x5;
	v5 =	vor.u32 v3, v5;
	v55 =	vld.idx.msk [tilespmem:v9+s1+$0x0], $0xffff  }
0x180: {  	v57 =	vor.u32 v0, v56  }
0x181: {  	v9 =	vor.u32 v2, v56;
	_ =	sdelay $0x1  }
0x182: {  	[tilespmem:v53+s13+$0x0] =	vst.idx.msk $0xffff, v4  }
0x183: {  	s23 =	sadd.s32 $0x3, s22;
	v4 =	vand.u32 $0x7E, v54;
	[tilespmem:v5+s13+$0x0] =	vst.idx.msk $0xffff, v55  }
0x184: {  	v59 =	vmov s23;
	v58 =	vor.u32 v1, v4;
	v5 =	vld.idx.msk [tilespmem:v57+s1+$0x0], $0xffff  }
0x185: {  	v60 =	vshll.u32 v59, $0x5;
	v4 =	vor.u32 v3, v4;
	v8 =	vld.idx.msk [tilespmem:v9+s1+$0x0], $0xffff  }
0x186: {  	v61 =	vor.u32 v0, v60  }
0x187: {  	v9 =	vor.u32 v2, v60;
	_ =	sdelay $0x1  }
0x188: {  	[tilespmem:v58+s13+$0x0] =	vst.idx.msk $0xffff, v5  }
0x189: {  	v5 =	vand.u32 $0x7F, v59;
	[tilespmem:v4+s13+$0x0] =	vst.idx.msk $0xffff, v8  }
0x18a: {  	v62 =	vor.u32 v1, v5;
	v4 =	vld.idx.msk [tilespmem:v61+s1+$0x0], $0xffff  }
0x18b: {  	v5 =	vor.u32 v3, v5;
	v63 =	vld.idx.msk [tilespmem:v9+s1+$0x0], $0xffff  }
0x18c: {  	s21 =	sadd.s32 s5, s21  }
0x18d: {  	s24 =	sshll.u32 s21, $0x9;
	s21 =	sshll.u32 s21, $0x7  }
0x18e: {  	s22 =	sand.u32 $0xFFFC000, s24;
	s21 =	sand.u32 $0xF80, s21  }
0x18f: {  	s21 =	sor.u32 s21, s22;
	[tilespmem:v62+s13+$0x0] =	vst.idx.msk $0xffff, v4  }
0x190: {  	s20 =	sadd.s32 $0x1, s20;
	s22 =	sadd.s32 s2, s21;
	[tilespmem:v5+s13+$0x0] =	vst.idx.msk $0xffff, v63  }
0x191: {  	[hbm4b:s22+s3] =	stream.linear.scatter [tilespmem:s13], [sflag:$0x4], $0x400, $0x38;
	[tilespmem:$0xA400] =	vst v63  }
0x192: {  	p0 =	sne.s32 s20, $0x63;
	s25 =	sadd.s32 s21, s7  }
0x193: {  	[hbm4b:s25+s3] =	stream.linear.scatter [tilespmem:s14], [sflag:$0x4], $0x400, $0x38;
	[tilespmem:$0xA400] =	vst v63  }
.Ltmp4:
0x194: {  	_ = 	snop;
	(pc) =	sbr.rel @p0 .LBB2_6-.Ltmp4, $4  }
0x195: {  	s26 =	sadd.s32 s21, s10  }
0x196: {  	[hbm4b:s26+s3] =	stream.linear.scatter [tilespmem:s15], [sflag:$0x4], $0x400, $0x38;
	[tilespmem:$0xA400] =	vst v63  }
0x197: {  	s21 =	sadd.s32 s21, s12  }
0x198: {  	[hbm4b:s21+s3] =	stream.linear.scatter [tilespmem:s16], [sflag:$0x4], $0x400, $0x38;
	[tilespmem:$0xA400] =	vst v63  }
0x199: {  	_ =	swait.ge [sflag:s31], $0x1000  }
0x19a: {  	[sflag:s31] =	ssyncset.done $0x0  }
0x19b: {  	s20 =	simm.s32 $0x6380;
	[sflag:s31] =	ssyncadd.s32 $0xFFFFF000  }
0x19c: {  	[tilespmem:s1], [sflag:$0x2] =	stream.indirect.gather [hbm4b:s4+s29], $0x20, s20, s29, $0xb8;
	[tilespmem:$0xA400] =	vst v63  }
0x19d: {  	_ =	swait.ge [sflag:s17], $0x400  }
0x19e: {  	[sflag:s17] =	ssyncset.done $0x0  }
0x19f: {  	[sflag:s17] =	ssyncadd.s32 $0xFFFFFC00  }
0x1a0: {  	_ =	swait.ge [sflag:s17], $0x400  }
0x1a1: {  	s23 =	simm.s32 $0x0;
	[sflag:s17] =	ssyncset.done $0x0  }
0x1a2: {  	v4 =	vmov s23;
	[sflag:s17] =	ssyncadd.s32 $0xFFFFFC00  }
0x1a3: {  	v5 =	vshll.u32 v4, $0x5;
	_ =	swait.ge [sflag:s17], $0x400  }
0x1a4: {  	v6 =	vor.u32 v0, v5;
	[sflag:s17] =	ssyncset.done $0x0  }
0x1a5: {  	v5 =	vor.u32 v2, v5;
	[sflag:s17] =	ssyncadd.s32 $0xFFFFFC00  }
0x1a6: {  	_ =	swait.ge [sflag:s17], $0x400  }
0x1a7: {  	[sflag:s17] =	ssyncset.done $0x0  }
0x1a8: {  	s24 =	simm.s32 $0x1;
	v4 =	vand.u32 $0x7C, v4;
	[sflag:s17] =	ssyncadd.s32 $0xFFFFFC00  }
0x1a9: {  	v8 =	vmov s24;
	v7 =	vor.u32 v1, v4;
	v6 =	vld.idx.msk [tilespmem:v6+s30+$0x0], $0xffff  }
0x1aa: {  	v9 =	vshll.u32 v8, $0x5;
	v4 =	vor.u32 v3, v4;
	v5 =	vld.idx.msk [tilespmem:v5+s30+$0x0], $0xffff  }
0x1ab: {  	v10 =	vor.u32 v0, v9  }
0x1ac: {  	v9 =	vor.u32 v2, v9;
	_ =	sdelay $0x1  }
0x1ad: {  	[tilespmem:v7+s0+$0x0] =	vst.idx.msk $0xffff, v6  }
0x1ae: {  	s25 =	simm.s32 $0x2;
	v6 =	vand.u32 $0x7D, v8;
	[tilespmem:v4+s0+$0x0] =	vst.idx.msk $0xffff, v5  }
0x1af: {  	v7 =	vmov s25;
	v5 =	vor.u32 v1, v6;
	v4 =	vld.idx.msk [tilespmem:v10+s30+$0x0], $0xffff  }
0x1b0: {  	v6 =	vor.u32 v3, v6;
	v8 =	vld.idx.msk [tilespmem:v9+s30+$0x0], $0xffff;
	v9 =	vshll.u32 v7, $0x5  }
0x1b1: {  	v10 =	vor.u32 v0, v9;
	_ =	sdelay $0x2  }
0x1b2: {  	v9 =	vor.u32 v2, v9;
	[tilespmem:v5+s0+$0x0] =	vst.idx.msk $0xffff, v4  }
0x1b3: {  	v4 =	vand.u32 $0x7E, v7;
	[tilespmem:v6+s0+$0x0] =	vst.idx.msk $0xffff, v8  }
0x1b4: {  	v6 =	vor.u32 v1, v4;
	v5 =	vld.idx.msk [tilespmem:v10+s30+$0x0], $0xffff  }
0x1b5: {  	s26 =	simm.s32 $0x3  }
0x1b6: {  	v7 =	vmov s26  }
0x1b7: {  	v4 =	vor.u32 v3, v4;
	v8 =	vld.idx.msk [tilespmem:v9+s30+$0x0], $0xffff;
	v9 =	vshll.u32 v7, $0x5  }
0x1b8: {  	v10 =	vor.u32 v0, v9  }
0x1b9: {  	[tilespmem:v6+s0+$0x0] =	vst.idx.msk $0xffff, v5;
	v5 =	vor.u32 v2, v9;
	_ =	sdelay $0x2  }
0x1ba: {  	s20 =	simm.s32 $0x4;
	v6 =	vand.u32 $0x7F, v7;
	[tilespmem:v4+s0+$0x0] =	vst.idx.msk $0xffff, v8  }
0x1bb: {  	v4 =	vmov s20;
	v9 =	vld.idx.msk [tilespmem:v10+s30+$0x0], $0xffff;
	v10 =	vor.u32 v1, v6  }
0x1bc: {  	v8 =	vor.u32 v3, v6;
	v11 =	vshll.u32 v4, $0x5;
	v5 =	vld.idx.msk [tilespmem:v5+s30+$0x0], $0xffff  }
0x1bd: {  	v7 =	vor.u32 v0, v11  }
0x1be: {  	v6 =	vor.u32 v2, v11;
	_ =	sdelay $0x1  }
0x1bf: {  	s21 =	simm.s32 $0x8;
	v4 =	vand.u32 $0x7C, v4;
	[tilespmem:v10+s0+$0x0] =	vst.idx.msk $0xffff, v9  }
.LBB2_12:
0x1c0: {  	p0 =	slt.u32 s21, $0x7C;
	[tilespmem:v8+s0+$0x0] =	vst.idx.msk $0xffff, v5;
	s22 =	smov.u32 s21;
	s21 =	sadd.s32 $0x4, s21  }
0x1c1: {  	s23 =	sadd.s32 $0x1, s20;
	v5 =	vld.idx.msk [tilespmem:v7+s30+$0x0], $0xffff  }
0x1c2: {  	v7 =	vor.u32 v1, v4;
	v8 =	vmov s23;
	v6 =	vld.idx.msk [tilespmem:v6+s30+$0x0], $0xffff  }
0x1c3: {  	v4 =	vor.u32 v3, v4;
	v9 =	vshll.u32 v8, $0x5;
	v8 =	vand.u32 $0x7D, v8  }
0x1c4: {  	v10 =	vor.u32 v0, v9  }
0x1c5: {  	v9 =	vor.u32 v2, v9;
	_ =	sdelay $0x1  }
0x1c6: {  	[tilespmem:v7+s0+$0x0] =	vst.idx.msk $0xffff, v5  }
0x1c7: {  	[tilespmem:v4+s0+$0x0] =	vst.idx.msk $0xffff, v6  }
0x1c8: {  	s23 =	sadd.s32 $0x2, s20;
	v4 =	vld.idx.msk [tilespmem:v10+s30+$0x0], $0xffff  }
0x1c9: {  	v7 =	vmov s23;
	v6 =	vor.u32 v1, v8;
	v5 =	vld.idx.msk [tilespmem:v9+s30+$0x0], $0xffff  }
0x1ca: {  	v8 =	vor.u32 v3, v8;
	v9 =	vshll.u32 v7, $0x5;
	v7 =	vand.u32 $0x7E, v7  }
0x1cb: {  	v10 =	vor.u32 v0, v9  }
0x1cc: {  	v9 =	vor.u32 v2, v9;
	_ =	sdelay $0x1  }
0x1cd: {  	[tilespmem:v6+s0+$0x0] =	vst.idx.msk $0xffff, v4  }
0x1ce: {  	[tilespmem:v8+s0+$0x0] =	vst.idx.msk $0xffff, v5  }
0x1cf: {  	s23 =	sadd.s32 $0x3, s20;
	s20 =	smov.u32 s22;
	v4 =	vld.idx.msk [tilespmem:v10+s30+$0x0], $0xffff  }
0x1d0: {  	v6 =	vor.u32 v1, v7;
	v8 =	vmov s23;
	v5 =	vld.idx.msk [tilespmem:v9+s30+$0x0], $0xffff  }
0x1d1: {  	v7 =	vor.u32 v3, v7;
	v9 =	vshll.u32 v8, $0x5;
	v8 =	vand.u32 $0x7F, v8  }
0x1d2: {  	v10 =	vor.u32 v0, v9  }
0x1d3: {  	v9 =	vor.u32 v2, v9;
	_ =	sdelay $0x1  }
0x1d4: {  	[tilespmem:v6+s0+$0x0] =	vst.idx.msk $0xffff, v4  }
0x1d5: {  	[tilespmem:v7+s0+$0x0] =	vst.idx.msk $0xffff, v5  }
0x1d6: {  	v10 =	vld.idx.msk [tilespmem:v10+s30+$0x0], $0xffff  }
0x1d7: {  	v4 =	vmov s20;
	v5 =	vld.idx.msk [tilespmem:v9+s30+$0x0], $0xffff;
	v9 =	vor.u32 v1, v8  }
.Ltmp5:
0x1d8: {  	v6 =	vshll.u32 v4, $0x5;
	v4 =	vand.u32 $0x7C, v4;
	v8 =	vor.u32 v3, v8;
	(pc) =	sbr.rel @p0 .LBB2_12-.Ltmp5, $2  }
0x1d9: {  	v7 =	vor.u32 v0, v6;
	v6 =	vor.u32 v2, v6;
	_ =	sdelay $0x2  }
0x1da: {  	[tilespmem:v9+s0+$0x0] =	vst.idx.msk $0xffff, v10  }
0x1db: {  	_ =	sdelay $0x3  }
0x1dc: {  	[tilespmem:v8+s0+$0x0] =	vst.idx.msk $0xffff, v5;
	s21 =	sadd.s32 $0x1, s20  }
0x1dd: {  	v5 =	vld.idx.msk [tilespmem:v7+s30+$0x0], $0xffff;
	v7 =	vor.u32 v1, v4;
	v8 =	vmov s21  }
0x1de: {  	v6 =	vld.idx.msk [tilespmem:v6+s30+$0x0], $0xffff;
	v4 =	vor.u32 v3, v4;
	v9 =	vshll.u32 v8, $0x5  }
0x1df: {  	v10 =	vor.u32 v0, v9  }
0x1e0: {  	v9 =	vor.u32 v2, v9;
	_ =	sdelay $0x1  }
0x1e1: {  	[tilespmem:v7+s0+$0x0] =	vst.idx.msk $0xffff, v5  }
0x1e2: {  	s22 =	sadd.s32 $0x2, s20;
	v5 =	vand.u32 $0x7D, v8;
	[tilespmem:v4+s0+$0x0] =	vst.idx.msk $0xffff, v6  }
0x1e3: {  	v7 =	vmov s22;
	v6 =	vor.u32 v1, v5;
	v4 =	vld.idx.msk [tilespmem:v10+s30+$0x0], $0xffff  }
0x1e4: {  	v5 =	vor.u32 v3, v5;
	v8 =	vld.idx.msk [tilespmem:v9+s30+$0x0], $0xffff;
	v9 =	vshll.u32 v7, $0x5  }
0x1e5: {  	v10 =	vor.u32 v0, v9  }
0x1e6: {  	v9 =	vor.u32 v2, v9;
	_ =	sdelay $0x1  }
0x1e7: {  	[tilespmem:v6+s0+$0x0] =	vst.idx.msk $0xffff, v4  }
0x1e8: {  	s23 =	sadd.s32 $0x3, s20;
	v4 =	vand.u32 $0x7E, v7;
	[tilespmem:v5+s0+$0x0] =	vst.idx.msk $0xffff, v8  }
0x1e9: {  	v7 =	vmov s23;
	v6 =	vor.u32 v1, v4;
	v5 =	vld.idx.msk [tilespmem:v10+s30+$0x0], $0xffff  }
0x1ea: {  	v4 =	vor.u32 v3, v4;
	v8 =	vld.idx.msk [tilespmem:v9+s30+$0x0], $0xffff;
	v9 =	vshll.u32 v7, $0x5  }
0x1eb: {  	v10 =	vor.u32 v0, v9  }
0x1ec: {  	v9 =	vor.u32 v2, v9;
	_ =	sdelay $0x1  }
0x1ed: {  	[tilespmem:v6+s0+$0x0] =	vst.idx.msk $0xffff, v5  }
0x1ee: {  	v5 =	vand.u32 $0x7F, v7;
	[tilespmem:v4+s0+$0x0] =	vst.idx.msk $0xffff, v8  }
0x1ef: {  	v6 =	vor.u32 v1, v5;
	v4 =	vld.idx.msk [tilespmem:v10+s30+$0x0], $0xffff  }
0x1f0: {  	v5 =	vor.u32 v3, v5;
	v7 =	vld.idx.msk [tilespmem:v9+s30+$0x0], $0xffff;
	_ =	sdelay $0x3  }
0x1f1: {  	[tilespmem:v6+s0+$0x0] =	vst.idx.msk $0xffff, v4  }
0x1f2: {  	s24 =	simm.s32 $0x0;
	s25 =	rddreg [dreg:$0xc];
	[tilespmem:v5+s0+$0x0] =	vst.idx.msk $0xffff, v7  }
0x1f3: {  	[hbm4b:s25+s24] =	stream.linear.scatter [tilespmem:s0], [sflag:$0x3], $0x400, $0x38;
	[tilespmem:$0xA400] =	vst v63  }
0x1f4: {  	s26 =	rddreg [dreg:$0xd]  }
0x1f5: {  	[hbm4b:s26+s24] =	stream.linear.scatter [tilespmem:s6], [sflag:$0x3], $0x400, $0x38;
	[tilespmem:$0xA400] =	vst v63  }
0x1f6: {  	s22 =	rddreg [dreg:$0xe]  }
0x1f7: {  	[hbm4b:s22+s24] =	stream.linear.scatter [tilespmem:s8], [sflag:$0x3], $0x400, $0x38;
	[tilespmem:$0xA400] =	vst v63  }
0x1f8: {  	s23 =	rddreg [dreg:$0xf]  }
0x1f9: {  	[hbm4b:s23+s24] =	stream.linear.scatter [tilespmem:s9], [sflag:$0x3], $0x400, $0x38;
	[tilespmem:$0xA400] =	vst v63  }
0x1fa: {  	_ =	swait.ge [sflag:s11], $0x1000  }
0x1fb: {  	[sflag:s11] =	ssyncset.done $0x0  }
0x1fc: {  	[sflag:s11] =	ssyncadd.s32 $0xFFFFF000  }
0x1fd: {  	_ =	swait.ge [sflag:s18], $0x400  }
0x1fe: {  	[sflag:s18] =	ssyncset.done $0x0  }
0x1ff: {  	[sflag:s18] =	ssyncadd.s32 $0xFFFFFC00  }
0x200: {  	_ =	swait.ge [sflag:s18], $0x400  }
0x201: {  	[sflag:s18] =	ssyncset.done $0x0  }
0x202: {  	v4 =	vmov s24;
	[sflag:s18] =	ssyncadd.s32 $0xFFFFFC00  }
0x203: {  	v5 =	vshll.u32 v4, $0x5;
	_ =	swait.ge [sflag:s18], $0x400  }
0x204: {  	v6 =	vor.u32 v0, v5;
	[sflag:s18] =	ssyncset.done $0x0  }
0x205: {  	v5 =	vor.u32 v2, v5;
	[sflag:s18] =	ssyncadd.s32 $0xFFFFFC00  }
0x206: {  	_ =	swait.ge [sflag:s18], $0x400  }
0x207: {  	[sflag:s18] =	ssyncset.done $0x0  }
0x208: {  	v4 =	vand.u32 $0x7C, v4;
	s24 =	simm.s32 $0x1;
	[sflag:s18] =	ssyncadd.s32 $0xFFFFFC00  }
0x209: {  	v7 =	vor.u32 v1, v4;
	v8 =	vmov s24;
	v6 =	vld.idx.msk [tilespmem:v6+s1+$0x0], $0xffff  }
0x20a: {  	v4 =	vor.u32 v3, v4;
	v9 =	vshll.u32 v8, $0x5;
	v5 =	vld.idx.msk [tilespmem:v5+s1+$0x0], $0xffff  }
0x20b: {  	v10 =	vor.u32 v0, v9  }
0x20c: {  	v9 =	vor.u32 v2, v9;
	_ =	sdelay $0x1  }
0x20d: {  	[tilespmem:v7+s13+$0x0] =	vst.idx.msk $0xffff, v6  }
0x20e: {  	s25 =	simm.s32 $0x2;
	v6 =	vand.u32 $0x7D, v8;
	[tilespmem:v4+s13+$0x0] =	vst.idx.msk $0xffff, v5  }
0x20f: {  	v7 =	vmov s25;
	v5 =	vor.u32 v1, v6;
	v4 =	vld.idx.msk [tilespmem:v10+s1+$0x0], $0xffff  }
0x210: {  	v6 =	vor.u32 v3, v6;
	v8 =	vld.idx.msk [tilespmem:v9+s1+$0x0], $0xffff;
	v9 =	vshll.u32 v7, $0x5  }
0x211: {  	v10 =	vor.u32 v0, v9;
	_ =	sdelay $0x2  }
0x212: {  	v9 =	vor.u32 v2, v9;
	[tilespmem:v5+s13+$0x0] =	vst.idx.msk $0xffff, v4  }
0x213: {  	v4 =	vand.u32 $0x7E, v7;
	[tilespmem:v6+s13+$0x0] =	vst.idx.msk $0xffff, v8  }
0x214: {  	v6 =	vor.u32 v1, v4;
	v5 =	vld.idx.msk [tilespmem:v10+s1+$0x0], $0xffff  }
0x215: {  	s26 =	simm.s32 $0x3  }
0x216: {  	v7 =	vmov s26  }
0x217: {  	v4 =	vor.u32 v3, v4;
	v8 =	vld.idx.msk [tilespmem:v9+s1+$0x0], $0xffff;
	v9 =	vshll.u32 v7, $0x5  }
0x218: {  	v10 =	vor.u32 v0, v9  }
0x219: {  	[tilespmem:v6+s13+$0x0] =	vst.idx.msk $0xffff, v5;
	v5 =	vor.u32 v2, v9;
	_ =	sdelay $0x2  }
0x21a: {  	s20 =	simm.s32 $0x4;
	v6 =	vand.u32 $0x7F, v7;
	[tilespmem:v4+s13+$0x0] =	vst.idx.msk $0xffff, v8  }
0x21b: {  	v4 =	vmov s20;
	v9 =	vld.idx.msk [tilespmem:v10+s1+$0x0], $0xffff;
	v10 =	vor.u32 v1, v6  }
0x21c: {  	v8 =	vor.u32 v3, v6;
	v11 =	vshll.u32 v4, $0x5;
	v5 =	vld.idx.msk [tilespmem:v5+s1+$0x0], $0xffff  }
0x21d: {  	v7 =	vor.u32 v0, v11  }
0x21e: {  	v6 =	vor.u32 v2, v11;
	_ =	sdelay $0x1  }
0x21f: {  	s21 =	simm.s32 $0x8;
	v4 =	vand.u32 $0x7C, v4;
	[tilespmem:v10+s13+$0x0] =	vst.idx.msk $0xffff, v9  }
.LBB2_14:
0x220: {  	p0 =	slt.u32 s21, $0x7C;
	[tilespmem:v8+s13+$0x0] =	vst.idx.msk $0xffff, v5;
	s22 =	smov.u32 s21;
	s21 =	sadd.s32 $0x4, s21  }
0x221: {  	s23 =	sadd.s32 $0x1, s20;
	v5 =	vld.idx.msk [tilespmem:v7+s1+$0x0], $0xffff  }
0x222: {  	v7 =	vor.u32 v1, v4;
	v8 =	vmov s23;
	v6 =	vld.idx.msk [tilespmem:v6+s1+$0x0], $0xffff  }
0x223: {  	v4 =	vor.u32 v3, v4;
	v9 =	vshll.u32 v8, $0x5;
	v8 =	vand.u32 $0x7D, v8  }
0x224: {  	v10 =	vor.u32 v0, v9  }
0x225: {  	v9 =	vor.u32 v2, v9;
	_ =	sdelay $0x1  }
0x226: {  	[tilespmem:v7+s13+$0x0] =	vst.idx.msk $0xffff, v5  }
0x227: {  	[tilespmem:v4+s13+$0x0] =	vst.idx.msk $0xffff, v6  }
0x228: {  	s23 =	sadd.s32 $0x2, s20;
	v4 =	vld.idx.msk [tilespmem:v10+s1+$0x0], $0xffff  }
0x229: {  	v7 =	vmov s23;
	v6 =	vor.u32 v1, v8;
	v5 =	vld.idx.msk [tilespmem:v9+s1+$0x0], $0xffff  }
0x22a: {  	v8 =	vor.u32 v3, v8;
	v9 =	vshll.u32 v7, $0x5;
	v7 =	vand.u32 $0x7E, v7  }
0x22b: {  	v10 =	vor.u32 v0, v9  }
0x22c: {  	v9 =	vor.u32 v2, v9;
	_ =	sdelay $0x1  }
0x22d: {  	[tilespmem:v6+s13+$0x0] =	vst.idx.msk $0xffff, v4  }
0x22e: {  	[tilespmem:v8+s13+$0x0] =	vst.idx.msk $0xffff, v5  }
0x22f: {  	s23 =	sadd.s32 $0x3, s20;
	s20 =	smov.u32 s22;
	v4 =	vld.idx.msk [tilespmem:v10+s1+$0x0], $0xffff  }
0x230: {  	v6 =	vor.u32 v1, v7;
	v8 =	vmov s23;
	v5 =	vld.idx.msk [tilespmem:v9+s1+$0x0], $0xffff  }
0x231: {  	v7 =	vor.u32 v3, v7;
	v9 =	vshll.u32 v8, $0x5;
	v8 =	vand.u32 $0x7F, v8  }
0x232: {  	v10 =	vor.u32 v0, v9  }
0x233: {  	v9 =	vor.u32 v2, v9;
	_ =	sdelay $0x1  }
0x234: {  	[tilespmem:v6+s13+$0x0] =	vst.idx.msk $0xffff, v4  }
0x235: {  	[tilespmem:v7+s13+$0x0] =	vst.idx.msk $0xffff, v5  }
0x236: {  	v10 =	vld.idx.msk [tilespmem:v10+s1+$0x0], $0xffff  }
0x237: {  	v4 =	vmov s20;
	v5 =	vld.idx.msk [tilespmem:v9+s1+$0x0], $0xffff;
	v9 =	vor.u32 v1, v8  }
.Ltmp6:
0x238: {  	v6 =	vshll.u32 v4, $0x5;
	v4 =	vand.u32 $0x7C, v4;
	v8 =	vor.u32 v3, v8;
	(pc) =	sbr.rel @p0 .LBB2_14-.Ltmp6, $2  }
0x239: {  	v7 =	vor.u32 v0, v6;
	v6 =	vor.u32 v2, v6;
	_ =	sdelay $0x2  }
0x23a: {  	[tilespmem:v9+s13+$0x0] =	vst.idx.msk $0xffff, v10  }
0x23b: {  	_ =	sdelay $0x3  }
0x23c: {  	[tilespmem:v8+s13+$0x0] =	vst.idx.msk $0xffff, v5;
	s21 =	sadd.s32 $0x1, s20  }
0x23d: {  	v51 =	vor.u32 v1, v4;
	v5 =	vld.idx.msk [tilespmem:v7+s1+$0x0], $0xffff;
	v52 =	vmov s21  }
0x23e: {  	v4 =	vor.u32 v3, v4;
	v6 =	vld.idx.msk [tilespmem:v6+s1+$0x0], $0xffff;
	v9 =	vshll.u32 v52, $0x5  }
0x23f: {  	v10 =	vor.u32 v0, v9  }
0x240: {  	v9 =	vor.u32 v2, v9;
	_ =	sdelay $0x1  }
0x241: {  	[tilespmem:v51+s13+$0x0] =	vst.idx.msk $0xffff, v5  }
0x242: {  	s26 =	sadd.s32 $0x2, s20;
	v5 =	vand.u32 $0x7D, v52;
	[tilespmem:v4+s13+$0x0] =	vst.idx.msk $0xffff, v6  }
0x243: {  	v54 =	vmov s26;
	v53 =	vor.u32 v1, v5;
	v4 =	vld.idx.msk [tilespmem:v10+s1+$0x0], $0xffff  }
0x244: {  	v56 =	vshll.u32 v54, $0x5;
	v5 =	vor.u32 v3, v5;
	v55 =	vld.idx.msk [tilespmem:v9+s1+$0x0], $0xffff  }
0x245: {  	v57 =	vor.u32 v0, v56  }
0x246: {  	v9 =	vor.u32 v2, v56;
	_ =	sdelay $0x1  }
0x247: {  	[tilespmem:v53+s13+$0x0] =	vst.idx.msk $0xffff, v4  }
0x248: {  	s21 =	sadd.s32 $0x3, s20;
	v4 =	vand.u32 $0x7E, v54;
	[tilespmem:v5+s13+$0x0] =	vst.idx.msk $0xffff, v55  }
0x249: {  	v59 =	vmov s21;
	v58 =	vor.u32 v1, v4;
	v5 =	vld.idx.msk [tilespmem:v57+s1+$0x0], $0xffff  }
0x24a: {  	v60 =	vshll.u32 v59, $0x5;
	v4 =	vor.u32 v3, v4;
	v8 =	vld.idx.msk [tilespmem:v9+s1+$0x0], $0xffff  }
0x24b: {  	v61 =	vor.u32 v0, v60  }
0x24c: {  	v9 =	vor.u32 v2, v60;
	_ =	sdelay $0x1  }
0x24d: {  	[tilespmem:v58+s13+$0x0] =	vst.idx.msk $0xffff, v5  }
0x24e: {  	v5 =	vand.u32 $0x7F, v59;
	[tilespmem:v4+s13+$0x0] =	vst.idx.msk $0xffff, v8  }
0x24f: {  	v62 =	vor.u32 v1, v5;
	v4 =	vld.idx.msk [tilespmem:v61+s1+$0x0], $0xffff  }
0x250: {  	v5 =	vor.u32 v3, v5;
	v63 =	vld.idx.msk [tilespmem:v9+s1+$0x0], $0xffff;
	_ =	sdelay $0x3  }
0x251: {  	[tilespmem:v62+s13+$0x0] =	vst.idx.msk $0xffff, v4  }
0x252: {  	s22 =	rddreg [dreg:$0x10];
	[tilespmem:v5+s13+$0x0] =	vst.idx.msk $0xffff, v63  }
0x253: {  	[hbm4b:s22+s3] =	stream.linear.scatter [tilespmem:s13], [sflag:$0x4], $0x400, $0x38;
	[tilespmem:$0xA400] =	vst v63  }
0x254: {  	s23 =	rddreg [dreg:$0x11]  }
0x255: {  	[hbm4b:s23+s3] =	stream.linear.scatter [tilespmem:s14], [sflag:$0x4], $0x400, $0x38;
	[tilespmem:$0xA400] =	vst v63  }
0x256: {  	s24 =	rddreg [dreg:$0x12]  }
0x257: {  	[hbm4b:s24+s3] =	stream.linear.scatter [tilespmem:s15], [sflag:$0x4], $0x400, $0x38;
	[tilespmem:$0xA400] =	vst v63  }
0x258: {  	s25 =	rddreg [dreg:$0x13]  }
0x259: {  	[hbm4b:s25+s3] =	stream.linear.scatter [tilespmem:s16], [sflag:$0x4], $0x400, $0x38;
	[tilespmem:$0xA400] =	vst v63  }
0x25a: {  	_ =	swait.ge [sflag:s17], $0x400  }
0x25b: {  	[sflag:s17] =	ssyncset.done $0x0  }
0x25c: {  	[sflag:s17] =	ssyncadd.s32 $0xFFFFFC00  }
0x25d: {  	_ =	swait.ge [sflag:s17], $0x400  }
0x25e: {  	[sflag:s17] =	ssyncset.done $0x0  }
0x25f: {  	[sflag:s17] =	ssyncadd.s32 $0xFFFFFC00  }
0x260: {  	_ =	swait.ge [sflag:s17], $0x400  }
0x261: {  	[sflag:s17] =	ssyncset.done $0x0  }
0x262: {  	[sflag:s17] =	ssyncadd.s32 $0xFFFFFC00  }
0x263: {  	_ =	swait.ge [sflag:s17], $0x400  }
0x264: {  	[sflag:s17] =	ssyncset.done $0x0  }
0x265: {  	[sflag:s17] =	ssyncadd.s32 $0xFFFFFC00  }
0x266: {  	_ =	swait.ge [sflag:s18], $0x400  }
0x267: {  	[sflag:s18] =	ssyncset.done $0x0  }
0x268: {  	[sflag:s18] =	ssyncadd.s32 $0xFFFFFC00  }
0x269: {  	_ =	swait.ge [sflag:s18], $0x400  }
0x26a: {  	[sflag:s18] =	ssyncset.done $0x0  }
0x26b: {  	[sflag:s18] =	ssyncadd.s32 $0xFFFFFC00  }
0x26c: {  	_ =	swait.ge [sflag:s18], $0x400  }
0x26d: {  	[sflag:s18] =	ssyncset.done $0x0  }
0x26e: {  	[sflag:s18] =	ssyncadd.s32 $0xFFFFFC00  }
0x26f: {  	_ =	swait.ge [sflag:s18], $0x400  }
0x270: {  	s19 =	sadd.s32 $0x1, s19;
	s26 =	rddreg [dreg:$0x14]  }
0x271: {  	p0 =	sne.s32 s19, s26  }
.Ltmp7:
0x272: {  	_ = 	snop;
	(pc) =	sbr.rel @p0 .LBB2_1-.Ltmp7, $3  }
0x273: {  	_ =	sdelay $0x1  }
0x274: {  	[sflag:s18] =	ssyncset.done $0x0  }
0x275: {  	[sflag:s18] =	ssyncadd.s32 $0xFFFFFC00  }
0x276: {  	_ =	sfence.sel $0x180000  }
0x277: {  	[bflag:$0x0] =	sbarrier.arrive $0xFFFF  }
0x278: {  	_ =	strace $0x90000047  }
0x279: {  	s0 =	stileid.u32;
	[bflag:$0x2] =	sbarrier.arrive $0xFFFF  }
0x27a: {  	p0 =	sne.s32 s0, $0x0;
	s0 =	rddreg [dreg:$0x2]  }
0x27b: {  	s0 =	sadd.s32 @!p0 $0x100000, s0  }
0x27c: {  	[sflag:s0] =	ssyncadd.tile.s32 @!p0 $0x1;
	_ =	shalt  }
.Lfunc_end2:
_tile_overlayer_lowered:
.L_overlay_start_2:
0x27d: {  	(tag) =	ssettag $0x2  }
0x27e: {  	s0 =	rddreg [dreg:$0x0];
	s2 =	stileid.u32  }
0x27f: {  	s1 =	rddreg [dreg:$0x1];
	p0 =	sne.s32 s2, $0x0  }
0x280: {  	s3 =	rddreg [dreg:$0x2];
	[bflag:$0x3] =	sbarrier.arrive $0xFFFF;
	s2 =	simm.s32 @!p0 $0x1C05  }
0x281: {  	[timem:s3], [sflag:s2] =	dma.local @!p0 [hbm:s0], s1  }
0x282: {  	s0 =	simm.s32 @!p0 $0x5  }
0x283: {  	_ =	swait.ge @!p0 [sflag:s0], s1  }
0x284: {  	s1 =	ssub.s32 @!p0 $0x0, s1;
	[sflag:s0] =	ssyncset.done @!p0 $0x0  }
0x285: {  	[sflag:s0] =	ssyncadd.s32 @!p0 s1  }
0x286: {  	[bflag:$0x3] =	sbarrier.arrive $0xFFFF  }
0x287: {  	_ =	shalt  }

</sc_bundles>
